<compile_context>
chip_gen: v7x
topology: tpu7x:2x2x1
jax: 0.10.2.dev20260603
libtpu: 0.0.44.dev20260713+nightly
codegen_flags: <defaults>
</compile_context>

<pallas_src>
import functools

import jax
import jax.numpy as jnp
from jax import lax
from jax.experimental import layout as jlayout
from jax.experimental import pallas as pl
from jax.experimental.pallas import tpu as pltpu
from jax.experimental.pallas import tpu_sc as plsc

NC = 2
NS = 16
L = 16
NW = NC * NS

SUB = 100


def _sinusoidal_pe(seq_len, d_model):
    pos = jnp.arange(seq_len, dtype=jnp.float32)[:, None]
    div = jnp.exp(
        jnp.arange(0, d_model, 2, dtype=jnp.float32)
        * (-jnp.log(10000.0) / d_model)
    )
    pe = jnp.zeros((seq_len, d_model), dtype=jnp.float32)
    pe = pe.at[:, 0::2].set(jnp.sin(pos * div))
    pe = pe.at[:, 1::2].set(jnp.cos(pos * div))
    return pe


@functools.partial(jax.jit, static_argnames=("batch", "seq", "dim"))
def _embed(idx2d, table, pe, *, batch, seq, dim):
    n_rows = batch * seq
    rows_per_w = n_rows // NW
    spch = 2
    crows = spch * seq
    chunks = rows_per_w // crows
    spc = crows // SUB
    idx_rows_per_w = rows_per_w // SUB

    mesh = plsc.VectorSubcoreMesh(
        core_axis_name="c", subcore_axis_name="s",
        num_cores=NC, num_subcores=NS,
    )

    @functools.partial(
        pl.kernel,
        out_type=jax.ShapeDtypeStruct((n_rows, dim), jnp.float32),
        mesh=mesh,
        compiler_params=pltpu.CompilerParams(
            use_tc_tiling_on_sc=False, skip_device_barrier=True,
        ),
        scratch_types=[
            pltpu.VMEM((idx_rows_per_w, SUB), jnp.int32),
            pltpu.VMEM((2, spch * seq, dim), jnp.float32),
            pltpu.VMEM((seq, dim), jnp.float32),
            pltpu.SemaphoreType.DMA,
            pltpu.SemaphoreType.DMA,
            pltpu.SemaphoreType.DMA,
            pltpu.SemaphoreType.DMA,
        ],
    )
    def k(table_hbm, idx_hbm, pe_hbm, out_hbm, idx_v, rows_v, pe_v,
          sem_g0, sem_g1, sem_w0, sem_w1):
        sem_g = (sem_g0, sem_g1)
        sem_w = (sem_w0, sem_w1)
        wid = lax.axis_index("s") * NC + lax.axis_index("c")
        row_base = wid * rows_per_w
        idx_base = wid * idx_rows_per_w

        pltpu.sync_copy(idx_hbm.at[pl.ds(idx_base, idx_rows_per_w)], idx_v)
        pltpu.sync_copy(pe_hbm, pe_v)

        def fire_gather(c, p):
            for j in range(spc):
                pltpu.async_copy(
                    table_hbm.at[idx_v.at[c * spc + j]],
                    rows_v.at[p, pl.ds(j * SUB, SUB)],
                    sem_g[p],
                )

        def drain_gather(c, p):
            for j in range(spc):
                pltpu.make_async_copy(
                    table_hbm.at[idx_v.at[c * spc + j]],
                    rows_v.at[p, pl.ds(j * SUB, SUB)],
                    sem_g[p],
                ).wait()

        def pe_add(p):
            def pe_row(r, _):
                for s in range(spch):
                    for g in range(dim // L):
                        plsc.addupdate(
                            rows_v.at[p, s * seq + r, pl.ds(g * L, L)],
                            pe_v[r, pl.ds(g * L, L)],
                        )
                return ()

            lax.fori_loop(0, seq, pe_row, (), unroll=4)

        def fire_write(c, p):
            pltpu.async_copy(
                rows_v.at[p],
                out_hbm.at[pl.ds(row_base + c * crows, crows)],
                sem_w[p],
            )

        def wait_write(c, p):
            pltpu.make_async_copy(
                rows_v.at[p],
                out_hbm.at[pl.ds(row_base + c * crows, crows)],
                sem_w[p],
            ).wait()

        fire_gather(0, 0)
        fire_gather(1, 1)
        drain_gather(0, 0)
        pe_add(0)
        fire_write(0, 0)

        def pair_body(c2, _):
            for parity in (1, 0):
                c = 2 * c2 + (1 if parity == 1 else 2)
                drain_gather(c, parity)
                pe_add(parity)
                fire_write(c, parity)
                wait_write(c - 1, 1 - parity)
                fire_gather(c + 1, 1 - parity)
            return ()

        lax.fori_loop(0, (chunks - 2) // 2, pair_body, ())

        c_last = chunks - 1
        drain_gather(c_last, 1)
        pe_add(1)
        fire_write(c_last, 1)
        wait_write(c_last - 1, 0)
        wait_write(c_last, 1)

    return k(table, idx2d, pe)


def kernel(input, table):
    batch, seq = input.shape
    dim = table.shape[1]
    idx2d = input.reshape(-1, SUB).astype(jnp.int32)
    pe = _sinusoidal_pe(seq, dim)
    out = _embed(idx2d, table, pe, batch=batch, seq=seq, dim=dim)
    return out.reshape(batch, seq, dim)

# --- scband reference (transcript-rebuilt; emitter-appended) ---
"""Pipeline reference for scband-input-embedding-83665962926327 (READ-ONLY COPY).

The authoritative reference and input builder live on the scoring server;
editing this copy changes nothing except your own understanding.
"""

import jax, jax.numpy as jnp
import numpy as np

VOCAB = 1000000
EMBED_DIM = 64
BATCH = 4096
SEQ_LEN = 200


def _sinusoidal_pe(seq_len, d_model):
    pos = jnp.arange(seq_len, dtype=jnp.float32)[:, None]
    div = jnp.exp(jnp.arange(0, d_model, 2, dtype=jnp.float32) * (-jnp.log(10000.0) / d_model))
    pe = jnp.zeros((seq_len, d_model), dtype=jnp.float32)
    pe = pe.at[:, 0::2].set(jnp.sin(pos * div))
    pe = pe.at[:, 1::2].set(jnp.cos(pos * div))
    return pe


def setup_inputs(seed: int = 0) -> dict:
    key = jax.random.key(seed)
    k1, k2 = jax.random.split(key)
    input_ids = jax.random.randint(k1, (BATCH, SEQ_LEN), 0, VOCAB, dtype=jnp.int64 if jax.config.jax_enable_x64 else jnp.int32)
    table = jax.random.normal(k2, (VOCAB, EMBED_DIM), dtype=jnp.float32) * 0.02
    return {"input": input_ids, "table": table}


def reference(input, table):
    # Embedding lookup (gather)
    emb = jnp.take(table, input, axis=0)  # [B, S, D]
    # Positional encoding added (eval mode; dropout=identity)
    pe = _sinusoidal_pe(emb.shape[1], emb.shape[2])
    return emb + pe[None, :, :]

if __name__ == "__main__":
    import jax
    _d = setup_inputs()
    print(jax.jit(kernel)(*tuple(_d.values())))

</pallas_src>

<mosaic_0001>
#map = affine_map<(d0, d1) -> (0, 0)>
module attributes {stable_mosaic.version = 14 : i64} {
  func.func @k(%arg0: i32, %arg1: i32, %arg2: memref<1000000x64xf32, #tpu.memory_space<hbm>>, %arg3: memref<8192x100xi32, #tpu.memory_space<hbm>>, %arg4: memref<200x64xf32, #tpu.memory_space<hbm>>, %arg5: memref<819200x64xf32, #tpu.memory_space<hbm>>, %arg6: memref<256x100xi32, #tpu.memory_space<vmem>>, %arg7: memref<2x400x64xf32, #tpu.memory_space<vmem>>, %arg8: memref<200x64xf32, #tpu.memory_space<vmem>>, %arg9: memref<!tpu.dma_semaphore, #tpu.memory_space<semaphore_mem>>, %arg10: memref<!tpu.dma_semaphore, #tpu.memory_space<semaphore_mem>>, %arg11: memref<!tpu.dma_semaphore, #tpu.memory_space<semaphore_mem>>, %arg12: memref<!tpu.dma_semaphore, #tpu.memory_space<semaphore_mem>>) attributes {dimension_semantics = [#tpu.dimension_semantics<core_parallel>, #tpu.dimension_semantics<subcore_parallel>], iteration_bounds = array<i64: 2, 16>, scalar_prefetch = 0 : i64, scratch_operands = 7 : i64, tpu.core_type = #tpu.core_type<sc_vector_subcore>, window_params = [{transform_indices = #map}, {transform_indices = #map}, {transform_indices = #map}, {transform_indices = #map}]} {
    %mul3A = arith.constant 2 : i32
    %mul3A_0 = arith.muli %arg1, %mul3A : i32
    %add3A = arith.addi %mul3A_0, %arg0 : i32
    %mul3A_1 = arith.constant 25600 : i32
    %mul3A_2 = arith.muli %add3A, %mul3A_1 : i32
    %mul3A_3 = arith.constant 256 : i32
    %mul3A_4 = arith.muli %add3A, %mul3A_3 : i32
    "tpu.region"() ({
      %run_scoped3A = tpu.sem_alloc : memref<!tpu.dma_semaphore, #tpu.memory_space<semaphore_mem>>
      %dma_start3A_269 = arith.constant 0 : i32
      %dma_start3A_270 = tpu.memref_slice %arg3[%mul3A_4, %dma_start3A_269] : memref<8192x100xi32, #tpu.memory_space<hbm>> -> memref<256x100xi32, #tpu.memory_space<hbm>>
      %dma_start3A_271 = arith.constant 0 : i32
      %dma_start3A_272 = tpu.memref_slice %arg3[%mul3A_4, %dma_start3A_271] : memref<8192x100xi32, #tpu.memory_space<hbm>> -> memref<256x100xi32, #tpu.memory_space<hbm>>
      tpu.enqueue_dma source(%dma_start3A_272 : memref<256x100xi32, #tpu.memory_space<hbm>>) target(%arg6 : memref<256x100xi32, #tpu.memory_space<vmem>>) target_semaphore(%run_scoped3A : memref<!tpu.dma_semaphore, #tpu.memory_space<semaphore_mem>>)
      %dma_wait3A_273 = arith.constant 0 : i32
      %dma_wait3A_274 = tpu.memref_slice %arg3[%mul3A_4, %dma_wait3A_273] : memref<8192x100xi32, #tpu.memory_space<hbm>> -> memref<256x100xi32, #tpu.memory_space<hbm>>
      %dma_wait3A_275 = arith.constant 0 : i32
      %dma_wait3A_276 = tpu.memref_slice %arg3[%mul3A_4, %dma_wait3A_275] : memref<8192x100xi32, #tpu.memory_space<hbm>> -> memref<256x100xi32, #tpu.memory_space<hbm>>
      tpu.wait_dma2 semaphore(%run_scoped3A : memref<!tpu.dma_semaphore, #tpu.memory_space<semaphore_mem>>) src(%dma_wait3A_276 : memref<256x100xi32, #tpu.memory_space<hbm>>) dst(%arg6 : memref<256x100xi32, #tpu.memory_space<vmem>>)
      tpu.yield
    }) : () -> ()
    "tpu.region"() ({
      %run_scoped3A = tpu.sem_alloc : memref<!tpu.dma_semaphore, #tpu.memory_space<semaphore_mem>>
      tpu.enqueue_dma source(%arg4 : memref<200x64xf32, #tpu.memory_space<hbm>>) target(%arg8 : memref<200x64xf32, #tpu.memory_space<vmem>>) target_semaphore(%run_scoped3A : memref<!tpu.dma_semaphore, #tpu.memory_space<semaphore_mem>>)
      tpu.wait_dma2 semaphore(%run_scoped3A : memref<!tpu.dma_semaphore, #tpu.memory_space<semaphore_mem>>) src(%arg4 : memref<200x64xf32, #tpu.memory_space<hbm>>) dst(%arg8 : memref<200x64xf32, #tpu.memory_space<vmem>>)
      tpu.yield
    }) : () -> ()
    %dma_start3A = arith.constant 0 : i32
    %dma_start3A_5 = arith.constant 0 : i32
    %dma_start3A_6 = arith.constant 0 : i32
    %dma_start3A_7 = arith.constant 0 : i32
    %dma_start3A_8 = tpu.memref_slice %arg7[%dma_start3A_5, %dma_start3A_6, %dma_start3A_7] : memref<2x400x64xf32, #tpu.memory_space<vmem>> -> memref<1x100x64xf32, #tpu.memory_space<vmem>>
    %dma_start3A_9 = tpu.memref_squeeze %dma_start3A_8 : memref<1x100x64xf32, #tpu.memory_space<vmem>> -> memref<100x64xf32, #tpu.memory_space<vmem>>
    %dma_start3A_10 = arith.constant 0 : i32
    %dma_start3A_11 = tpu.memref_slice %arg6[%dma_start3A, %dma_start3A_10] : memref<256x100xi32, #tpu.memory_space<vmem>> -> memref<1x100xi32, #tpu.memory_space<vmem>>
    %dma_start3A_12 = tpu.memref_squeeze %dma_start3A_11 : memref<1x100xi32, #tpu.memory_space<vmem>> -> memref<100xi32, #tpu.memory_space<vmem>>
    %dma_start3A_13 = arith.constant 0 : i32
    %dma_start3A_14 = arith.constant 0 : i32
    %dma_start3A_15 = tpu.memref_slice %arg2[%dma_start3A_13, %dma_start3A_14] : memref<1000000x64xf32, #tpu.memory_space<hbm>> -> memref<1000000x64xf32, #tpu.memory_space<hbm>>
    tpu.enqueue_indirect_dma source(%dma_start3A_15 : memref<1000000x64xf32, #tpu.memory_space<hbm>>) target(%dma_start3A_9 : memref<100x64xf32, #tpu.memory_space<vmem>>) offsets(%dma_start3A_12 : memref<100xi32, #tpu.memory_space<vmem>>) semaphore(%arg9 : memref<!tpu.dma_semaphore, #tpu.memory_space<semaphore_mem>>)
    %dma_start3A_16 = arith.constant 1 : i32
    %dma_start3A_17 = arith.constant 0 : i32
    %dma_start3A_18 = arith.constant 100 : i32
    %dma_start3A_19 = arith.constant 0 : i32
    %dma_start3A_20 = tpu.memref_slice %arg7[%dma_start3A_17, %dma_start3A_18, %dma_start3A_19] : memref<2x400x64xf32, #tpu.memory_space<vmem>> -> memref<1x100x64xf32, #tpu.memory_space<vmem>>
    %dma_start3A_21 = tpu.memref_squeeze %dma_start3A_20 : memref<1x100x64xf32, #tpu.memory_space<vmem>> -> memref<100x64xf32, #tpu.memory_space<vmem>>
    %dma_start3A_22 = arith.constant 0 : i32
    %dma_start3A_23 = tpu.memref_slice %arg6[%dma_start3A_16, %dma_start3A_22] : memref<256x100xi32, #tpu.memory_space<vmem>> -> memref<1x100xi32, #tpu.memory_space<vmem>>
    %dma_start3A_24 = tpu.memref_squeeze %dma_start3A_23 : memref<1x100xi32, #tpu.memory_space<vmem>> -> memref<100xi32, #tpu.memory_space<vmem>>
    %dma_start3A_25 = arith.constant 0 : i32
    %dma_start3A_26 = arith.constant 0 : i32
    %dma_start3A_27 = tpu.memref_slice %arg2[%dma_start3A_25, %dma_start3A_26] : memref<1000000x64xf32, #tpu.memory_space<hbm>> -> memref<1000000x64xf32, #tpu.memory_space<hbm>>
    tpu.enqueue_indirect_dma source(%dma_start3A_27 : memref<1000000x64xf32, #tpu.memory_space<hbm>>) target(%dma_start3A_21 : memref<100x64xf32, #tpu.memory_space<vmem>>) offsets(%dma_start3A_24 : memref<100xi32, #tpu.memory_space<vmem>>) semaphore(%arg9 : memref<!tpu.dma_semaphore, #tpu.memory_space<semaphore_mem>>)
    %dma_start3A_28 = arith.constant 2 : i32
    %dma_start3A_29 = arith.constant 0 : i32
    %dma_start3A_30 = arith.constant 200 : i32
    %dma_start3A_31 = arith.constant 0 : i32
    %dma_start3A_32 = tpu.memref_slice %arg7[%dma_start3A_29, %dma_start3A_30, %dma_start3A_31] : memref<2x400x64xf32, #tpu.memory_space<vmem>> -> memref<1x100x64xf32, #tpu.memory_space<vmem>>
    %dma_start3A_33 = tpu.memref_squeeze %dma_start3A_32 : memref<1x100x64xf32, #tpu.memory_space<vmem>> -> memref<100x64xf32, #tpu.memory_space<vmem>>
    %dma_start3A_34 = arith.constant 0 : i32
    %dma_start3A_35 = tpu.memref_slice %arg6[%dma_start3A_28, %dma_start3A_34] : memref<256x100xi32, #tpu.memory_space<vmem>> -> memref<1x100xi32, #tpu.memory_space<vmem>>
    %dma_start3A_36 = tpu.memref_squeeze %dma_start3A_35 : memref<1x100xi32, #tpu.memory_space<vmem>> -> memref<100xi32, #tpu.memory_space<vmem>>
    %dma_start3A_37 = arith.constant 0 : i32
    %dma_start3A_38 = arith.constant 0 : i32
    %dma_start3A_39 = tpu.memref_slice %arg2[%dma_start3A_37, %dma_start3A_38] : memref<1000000x64xf32, #tpu.memory_space<hbm>> -> memref<1000000x64xf32, #tpu.memory_space<hbm>>
    tpu.enqueue_indirect_dma source(%dma_start3A_39 : memref<1000000x64xf32, #tpu.memory_space<hbm>>) target(%dma_start3A_33 : memref<100x64xf32, #tpu.memory_space<vmem>>) offsets(%dma_start3A_36 : memref<100xi32, #tpu.memory_space<vmem>>) semaphore(%arg9 : memref<!tpu.dma_semaphore, #tpu.memory_space<semaphore_mem>>)
    %dma_start3A_40 = arith.constant 3 : i32
    %dma_start3A_41 = arith.constant 0 : i32
    %dma_start3A_42 = arith.constant 300 : i32
    %dma_start3A_43 = arith.constant 0 : i32
    %dma_start3A_44 = tpu.memref_slice %arg7[%dma_start3A_41, %dma_start3A_42, %dma_start3A_43] : memref<2x400x64xf32, #tpu.memory_space<vmem>> -> memref<1x100x64xf32, #tpu.memory_space<vmem>>
    %dma_start3A_45 = tpu.memref_squeeze %dma_start3A_44 : memref<1x100x64xf32, #tpu.memory_space<vmem>> -> memref<100x64xf32, #tpu.memory_space<vmem>>
    %dma_start3A_46 = arith.constant 0 : i32
    %dma_start3A_47 = tpu.memref_slice %arg6[%dma_start3A_40, %dma_start3A_46] : memref<256x100xi32, #tpu.memory_space<vmem>> -> memref<1x100xi32, #tpu.memory_space<vmem>>
    %dma_start3A_48 = tpu.memref_squeeze %dma_start3A_47 : memref<1x100xi32, #tpu.memory_space<vmem>> -> memref<100xi32, #tpu.memory_space<vmem>>
    %dma_start3A_49 = arith.constant 0 : i32
    %dma_start3A_50 = arith.constant 0 : i32
    %dma_start3A_51 = tpu.memref_slice %arg2[%dma_start3A_49, %dma_start3A_50] : memref<1000000x64xf32, #tpu.memory_space<hbm>> -> memref<1000000x64xf32, #tpu.memory_space<hbm>>
    tpu.enqueue_indirect_dma source(%dma_start3A_51 : memref<1000000x64xf32, #tpu.memory_space<hbm>>) target(%dma_start3A_45 : memref<100x64xf32, #tpu.memory_space<vmem>>) offsets(%dma_start3A_48 : memref<100xi32, #tpu.memory_space<vmem>>) semaphore(%arg9 : memref<!tpu.dma_semaphore, #tpu.memory_space<semaphore_mem>>)
    %dma_start3A_52 = arith.constant 4 : i32
    %dma_start3A_53 = arith.constant 1 : i32
    %dma_start3A_54 = arith.constant 0 : i32
    %dma_start3A_55 = arith.constant 0 : i32
    %dma_start3A_56 = tpu.memref_slice %arg7[%dma_start3A_53, %dma_start3A_54, %dma_start3A_55] : memref<2x400x64xf32, #tpu.memory_space<vmem>> -> memref<1x100x64xf32, #tpu.memory_space<vmem>>
    %dma_start3A_57 = tpu.memref_squeeze %dma_start3A_56 : memref<1x100x64xf32, #tpu.memory_space<vmem>> -> memref<100x64xf32, #tpu.memory_space<vmem>>
    %dma_start3A_58 = arith.constant 0 : i32
    %dma_start3A_59 = tpu.memref_slice %arg6[%dma_start3A_52, %dma_start3A_58] : memref<256x100xi32, #tpu.memory_space<vmem>> -> memref<1x100xi32, #tpu.memory_space<vmem>>
    %dma_start3A_60 = tpu.memref_squeeze %dma_start3A_59 : memref<1x100xi32, #tpu.memory_space<vmem>> -> memref<100xi32, #tpu.memory_space<vmem>>
    %dma_start3A_61 = arith.constant 0 : i32
    %dma_start3A_62 = arith.constant 0 : i32
    %dma_start3A_63 = tpu.memref_slice %arg2[%dma_start3A_61, %dma_start3A_62] : memref<1000000x64xf32, #tpu.memory_space<hbm>> -> memref<1000000x64xf32, #tpu.memory_space<hbm>>
    tpu.enqueue_indirect_dma source(%dma_start3A_63 : memref<1000000x64xf32, #tpu.memory_space<hbm>>) target(%dma_start3A_57 : memref<100x64xf32, #tpu.memory_space<vmem>>) offsets(%dma_start3A_60 : memref<100xi32, #tpu.memory_space<vmem>>) semaphore(%arg10 : memref<!tpu.dma_semaphore, #tpu.memory_space<semaphore_mem>>)
    %dma_start3A_64 = arith.constant 5 : i32
    %dma_start3A_65 = arith.constant 1 : i32
    %dma_start3A_66 = arith.constant 100 : i32
    %dma_start3A_67 = arith.constant 0 : i32
    %dma_start3A_68 = tpu.memref_slice %arg7[%dma_start3A_65, %dma_start3A_66, %dma_start3A_67] : memref<2x400x64xf32, #tpu.memory_space<vmem>> -> memref<1x100x64xf32, #tpu.memory_space<vmem>>
    %dma_start3A_69 = tpu.memref_squeeze %dma_start3A_68 : memref<1x100x64xf32, #tpu.memory_space<vmem>> -> memref<100x64xf32, #tpu.memory_space<vmem>>
    %dma_start3A_70 = arith.constant 0 : i32
    %dma_start3A_71 = tpu.memref_slice %arg6[%dma_start3A_64, %dma_start3A_70] : memref<256x100xi32, #tpu.memory_space<vmem>> -> memref<1x100xi32, #tpu.memory_space<vmem>>
    %dma_start3A_72 = tpu.memref_squeeze %dma_start3A_71 : memref<1x100xi32, #tpu.memory_space<vmem>> -> memref<100xi32, #tpu.memory_space<vmem>>
    %dma_start3A_73 = arith.constant 0 : i32
    %dma_start3A_74 = arith.constant 0 : i32
    %dma_start3A_75 = tpu.memref_slice %arg2[%dma_start3A_73, %dma_start3A_74] : memref<1000000x64xf32, #tpu.memory_space<hbm>> -> memref<1000000x64xf32, #tpu.memory_space<hbm>>
    tpu.enqueue_indirect_dma source(%dma_start3A_75 : memref<1000000x64xf32, #tpu.memory_space<hbm>>) target(%dma_start3A_69 : memref<100x64xf32, #tpu.memory_space<vmem>>) offsets(%dma_start3A_72 : memref<100xi32, #tpu.memory_space<vmem>>) semaphore(%arg10 : memref<!tpu.dma_semaphore, #tpu.memory_space<semaphore_mem>>)
    %dma_start3A_76 = arith.constant 6 : i32
    %dma_start3A_77 = arith.constant 1 : i32
    %dma_start3A_78 = arith.constant 200 : i32
    %dma_start3A_79 = arith.constant 0 : i32
    %dma_start3A_80 = tpu.memref_slice %arg7[%dma_start3A_77, %dma_start3A_78, %dma_start3A_79] : memref<2x400x64xf32, #tpu.memory_space<vmem>> -> memref<1x100x64xf32, #tpu.memory_space<vmem>>
    %dma_start3A_81 = tpu.memref_squeeze %dma_start3A_80 : memref<1x100x64xf32, #tpu.memory_space<vmem>> -> memref<100x64xf32, #tpu.memory_space<vmem>>
    %dma_start3A_82 = arith.constant 0 : i32
    %dma_start3A_83 = tpu.memref_slice %arg6[%dma_start3A_76, %dma_start3A_82] : memref<256x100xi32, #tpu.memory_space<vmem>> -> memref<1x100xi32, #tpu.memory_space<vmem>>
    %dma_start3A_84 = tpu.memref_squeeze %dma_start3A_83 : memref<1x100xi32, #tpu.memory_space<vmem>> -> memref<100xi32, #tpu.memory_space<vmem>>
    %dma_start3A_85 = arith.constant 0 : i32
    %dma_start3A_86 = arith.constant 0 : i32
    %dma_start3A_87 = tpu.memref_slice %arg2[%dma_start3A_85, %dma_start3A_86] : memref<1000000x64xf32, #tpu.memory_space<hbm>> -> memref<1000000x64xf32, #tpu.memory_space<hbm>>
    tpu.enqueue_indirect_dma source(%dma_start3A_87 : memref<1000000x64xf32, #tpu.memory_space<hbm>>) target(%dma_start3A_81 : memref<100x64xf32, #tpu.memory_space<vmem>>) offsets(%dma_start3A_84 : memref<100xi32, #tpu.memory_space<vmem>>) semaphore(%arg10 : memref<!tpu.dma_semaphore, #tpu.memory_space<semaphore_mem>>)
    %dma_start3A_88 = arith.constant 7 : i32
    %dma_start3A_89 = arith.constant 1 : i32
    %dma_start3A_90 = arith.constant 300 : i32
    %dma_start3A_91 = arith.constant 0 : i32
    %dma_start3A_92 = tpu.memref_slice %arg7[%dma_start3A_89, %dma_start3A_90, %dma_start3A_91] : memref<2x400x64xf32, #tpu.memory_space<vmem>> -> memref<1x100x64xf32, #tpu.memory_space<vmem>>
    %dma_start3A_93 = tpu.memref_squeeze %dma_start3A_92 : memref<1x100x64xf32, #tpu.memory_space<vmem>> -> memref<100x64xf32, #tpu.memory_space<vmem>>
    %dma_start3A_94 = arith.constant 0 : i32
    %dma_start3A_95 = tpu.memref_slice %arg6[%dma_start3A_88, %dma_start3A_94] : memref<256x100xi32, #tpu.memory_space<vmem>> -> memref<1x100xi32, #tpu.memory_space<vmem>>
    %dma_start3A_96 = tpu.memref_squeeze %dma_start3A_95 : memref<1x100xi32, #tpu.memory_space<vmem>> -> memref<100xi32, #tpu.memory_space<vmem>>
    %dma_start3A_97 = arith.constant 0 : i32
    %dma_start3A_98 = arith.constant 0 : i32
    %dma_start3A_99 = tpu.memref_slice %arg2[%dma_start3A_97, %dma_start3A_98] : memref<1000000x64xf32, #tpu.memory_space<hbm>> -> memref<1000000x64xf32, #tpu.memory_space<hbm>>
    tpu.enqueue_indirect_dma source(%dma_start3A_99 : memref<1000000x64xf32, #tpu.memory_space<hbm>>) target(%dma_start3A_93 : memref<100x64xf32, #tpu.memory_space<vmem>>) offsets(%dma_start3A_96 : memref<100xi32, #tpu.memory_space<vmem>>) semaphore(%arg10 : memref<!tpu.dma_semaphore, #tpu.memory_space<semaphore_mem>>)
    %dma_wait3A = arith.constant 0 : i32
    %dma_wait3A_100 = arith.constant 0 : i32
    %dma_wait3A_101 = arith.constant 0 : i32
    %dma_wait3A_102 = arith.constant 0 : i32
    %dma_wait3A_103 = tpu.memref_slice %arg7[%dma_wait3A_100, %dma_wait3A_101, %dma_wait3A_102] : memref<2x400x64xf32, #tpu.memory_space<vmem>> -> memref<1x100x64xf32, #tpu.memory_space<vmem>>
    %dma_wait3A_104 = tpu.memref_squeeze %dma_wait3A_103 : memref<1x100x64xf32, #tpu.memory_space<vmem>> -> memref<100x64xf32, #tpu.memory_space<vmem>>
    %dma_wait3A_105 = arith.constant 0 : i32
    %dma_wait3A_106 = tpu.memref_slice %arg6[%dma_wait3A, %dma_wait3A_105] : memref<256x100xi32, #tpu.memory_space<vmem>> -> memref<1x100xi32, #tpu.memory_space<vmem>>
    %dma_wait3A_107 = tpu.memref_squeeze %dma_wait3A_106 : memref<1x100xi32, #tpu.memory_space<vmem>> -> memref<100xi32, #tpu.memory_space<vmem>>
    %dma_wait3A_108 = arith.constant 0 : i32
    %dma_wait3A_109 = arith.constant 0 : i32
    %dma_wait3A_110 = tpu.memref_slice %arg2[%dma_wait3A_108, %dma_wait3A_109] : memref<1000000x64xf32, #tpu.memory_space<hbm>> -> memref<1000000x64xf32, #tpu.memory_space<hbm>>
    tpu.wait_indirect_dma semaphore(%arg9 : memref<!tpu.dma_semaphore, #tpu.memory_space<semaphore_mem>>) src(%dma_wait3A_110 : memref<1000000x64xf32, #tpu.memory_space<hbm>>) dst(%dma_wait3A_104 : memref<100x64xf32, #tpu.memory_space<vmem>>)
    %dma_wait3A_111 = arith.constant 1 : i32
    %dma_wait3A_112 = arith.constant 0 : i32
    %dma_wait3A_113 = arith.constant 100 : i32
    %dma_wait3A_114 = arith.constant 0 : i32
    %dma_wait3A_115 = tpu.memref_slice %arg7[%dma_wait3A_112, %dma_wait3A_113, %dma_wait3A_114] : memref<2x400x64xf32, #tpu.memory_space<vmem>> -> memref<1x100x64xf32, #tpu.memory_space<vmem>>
    %dma_wait3A_116 = tpu.memref_squeeze %dma_wait3A_115 : memref<1x100x64xf32, #tpu.memory_space<vmem>> -> memref<100x64xf32, #tpu.memory_space<vmem>>
    %dma_wait3A_117 = arith.constant 0 : i32
    %dma_wait3A_118 = tpu.memref_slice %arg6[%dma_wait3A_111, %dma_wait3A_117] : memref<256x100xi32, #tpu.memory_space<vmem>> -> memref<1x100xi32, #tpu.memory_space<vmem>>
    %dma_wait3A_119 = tpu.memref_squeeze %dma_wait3A_118 : memref<1x100xi32, #tpu.memory_space<vmem>> -> memref<100xi32, #tpu.memory_space<vmem>>
    %dma_wait3A_120 = arith.constant 0 : i32
    %dma_wait3A_121 = arith.constant 0 : i32
    %dma_wait3A_122 = tpu.memref_slice %arg2[%dma_wait3A_120, %dma_wait3A_121] : memref<1000000x64xf32, #tpu.memory_space<hbm>> -> memref<1000000x64xf32, #tpu.memory_space<hbm>>
    tpu.wait_indirect_dma semaphore(%arg9 : memref<!tpu.dma_semaphore, #tpu.memory_space<semaphore_mem>>) src(%dma_wait3A_122 : memref<1000000x64xf32, #tpu.memory_space<hbm>>) dst(%dma_wait3A_116 : memref<100x64xf32, #tpu.memory_space<vmem>>)
    %dma_wait3A_123 = arith.constant 2 : i32
    %dma_wait3A_124 = arith.constant 0 : i32
    %dma_wait3A_125 = arith.constant 200 : i32
    %dma_wait3A_126 = arith.constant 0 : i32
    %dma_wait3A_127 = tpu.memref_slice %arg7[%dma_wait3A_124, %dma_wait3A_125, %dma_wait3A_126] : memref<2x400x64xf32, #tpu.memory_space<vmem>> -> memref<1x100x64xf32, #tpu.memory_space<vmem>>
    %dma_wait3A_128 = tpu.memref_squeeze %dma_wait3A_127 : memref<1x100x64xf32, #tpu.memory_space<vmem>> -> memref<100x64xf32, #tpu.memory_space<vmem>>
    %dma_wait3A_129 = arith.constant 0 : i32
    %dma_wait3A_130 = tpu.memref_slice %arg6[%dma_wait3A_123, %dma_wait3A_129] : memref<256x100xi32, #tpu.memory_space<vmem>> -> memref<1x100xi32, #tpu.memory_space<vmem>>
    %dma_wait3A_131 = tpu.memref_squeeze %dma_wait3A_130 : memref<1x100xi32, #tpu.memory_space<vmem>> -> memref<100xi32, #tpu.memory_space<vmem>>
    %dma_wait3A_132 = arith.constant 0 : i32
    %dma_wait3A_133 = arith.constant 0 : i32
    %dma_wait3A_134 = tpu.memref_slice %arg2[%dma_wait3A_132, %dma_wait3A_133] : memref<1000000x64xf32, #tpu.memory_space<hbm>> -> memref<1000000x64xf32, #tpu.memory_space<hbm>>
    tpu.wait_indirect_dma semaphore(%arg9 : memref<!tpu.dma_semaphore, #tpu.memory_space<semaphore_mem>>) src(%dma_wait3A_134 : memref<1000000x64xf32, #tpu.memory_space<hbm>>) dst(%dma_wait3A_128 : memref<100x64xf32, #tpu.memory_space<vmem>>)
    %dma_wait3A_135 = arith.constant 3 : i32
    %dma_wait3A_136 = arith.constant 0 : i32
    %dma_wait3A_137 = arith.constant 300 : i32
    %dma_wait3A_138 = arith.constant 0 : i32
    %dma_wait3A_139 = tpu.memref_slice %arg7[%dma_wait3A_136, %dma_wait3A_137, %dma_wait3A_138] : memref<2x400x64xf32, #tpu.memory_space<vmem>> -> memref<1x100x64xf32, #tpu.memory_space<vmem>>
    %dma_wait3A_140 = tpu.memref_squeeze %dma_wait3A_139 : memref<1x100x64xf32, #tpu.memory_space<vmem>> -> memref<100x64xf32, #tpu.memory_space<vmem>>
    %dma_wait3A_141 = arith.constant 0 : i32
    %dma_wait3A_142 = tpu.memref_slice %arg6[%dma_wait3A_135, %dma_wait3A_141] : memref<256x100xi32, #tpu.memory_space<vmem>> -> memref<1x100xi32, #tpu.memory_space<vmem>>
    %dma_wait3A_143 = tpu.memref_squeeze %dma_wait3A_142 : memref<1x100xi32, #tpu.memory_space<vmem>> -> memref<100xi32, #tpu.memory_space<vmem>>
    %dma_wait3A_144 = arith.constant 0 : i32
    %dma_wait3A_145 = arith.constant 0 : i32
    %dma_wait3A_146 = tpu.memref_slice %arg2[%dma_wait3A_144, %dma_wait3A_145] : memref<1000000x64xf32, #tpu.memory_space<hbm>> -> memref<1000000x64xf32, #tpu.memory_space<hbm>>
    tpu.wait_indirect_dma semaphore(%arg9 : memref<!tpu.dma_semaphore, #tpu.memory_space<semaphore_mem>>) src(%dma_wait3A_146 : memref<1000000x64xf32, #tpu.memory_space<hbm>>) dst(%dma_wait3A_140 : memref<100x64xf32, #tpu.memory_space<vmem>>)
    %scan3A = arith.constant 0 : i32
    %scan3A_147 = arith.constant 200 : i32
    %scan3A_148 = arith.addi %scan3A, %scan3A_147 : i32
    %scan3A_149 = arith.constant 4 : i32
    scf.for %scan3A_269 = %scan3A to %scan3A_148 step %scan3A_149  : i32 {
      %add3A_270 = arith.constant 0 : i32
      %add3A_271 = arith.addi %add3A_270, %scan3A_269 : i32
      %get3A = arith.index_cast %scan3A_269 : i32 to index
      %get3A_272 = arith.constant 0 : index
      %get3A_273 = tpu.vector_load %arg8[%get3A, %get3A_272] {strides = array<i32>} : memref<200x64xf32, #tpu.memory_space<vmem>>, vector<1x16xf32>,
      %get3A_274 = vector.shape_cast %get3A_273 : vector<1x16xf32> to vector<16xf32>
      %swap3A = arith.constant 0 : i32
      %swap3A_275 = arith.index_cast %swap3A : i32 to index
      %swap3A_276 = arith.index_cast %add3A_271 : i32 to index
      %swap3A_277 = arith.constant 0 : index
      %swap3A_278 = tpu.vector_load %arg7[%swap3A_275, %swap3A_276, %swap3A_277] {strides = array<i32>} : memref<2x400x64xf32, #tpu.memory_space<vmem>>, vector<1x1x16xf32>,
      %swap3A_279 = vector.shape_cast %swap3A_278 : vector<1x1x16xf32> to vector<16xf32>
      %swap3A_280 = vector.shape_cast %get3A_274 : vector<16xf32> to vector<1x1x16xf32>
      tpu.vector_store %arg7[%swap3A_275, %swap3A_276, %swap3A_277], %swap3A_280 {add = true, strides = array<i32>} : memref<2x400x64xf32, #tpu.memory_space<vmem>>, vector<1x1x16xf32>,
      %add3A_281 = arith.constant 0 : i32
      %add3A_282 = arith.addi %add3A_281, %scan3A_269 : i32
      %get3A_283 = arith.index_cast %scan3A_269 : i32 to index
      %get3A_284 = arith.constant 16 : index
      %get3A_285 = tpu.vector_load %arg8[%get3A_283, %get3A_284] {strides = array<i32>} : memref<200x64xf32, #tpu.memory_space<vmem>>, vector<1x16xf32>,
      %get3A_286 = vector.shape_cast %get3A_285 : vector<1x16xf32> to vector<16xf32>
      %swap3A_287 = arith.constant 0 : i32
      %swap3A_288 = arith.index_cast %swap3A_287 : i32 to index
      %swap3A_289 = arith.index_cast %add3A_282 : i32 to index
      %swap3A_290 = arith.constant 16 : index
      %swap3A_291 = tpu.vector_load %arg7[%swap3A_288, %swap3A_289, %swap3A_290] {strides = array<i32>} : memref<2x400x64xf32, #tpu.memory_space<vmem>>, vector<1x1x16xf32>,
      %swap3A_292 = vector.shape_cast %swap3A_291 : vector<1x1x16xf32> to vector<16xf32>
      %swap3A_293 = vector.shape_cast %get3A_286 : vector<16xf32> to vector<1x1x16xf32>
      tpu.vector_store %arg7[%swap3A_288, %swap3A_289, %swap3A_290], %swap3A_293 {add = true, strides = array<i32>} : memref<2x400x64xf32, #tpu.memory_space<vmem>>, vector<1x1x16xf32>,
      %add3A_294 = arith.constant 0 : i32
      %add3A_295 = arith.addi %add3A_294, %scan3A_269 : i32
      %get3A_296 = arith.index_cast %scan3A_269 : i32 to index
      %get3A_297 = arith.constant 32 : index
      %get3A_298 = tpu.vector_load %arg8[%get3A_296, %get3A_297] {strides = array<i32>} : memref<200x64xf32, #tpu.memory_space<vmem>>, vector<1x16xf32>,
      %get3A_299 = vector.shape_cast %get3A_298 : vector<1x16xf32> to vector<16xf32>
      %swap3A_300 = arith.constant 0 : i32
      %swap3A_301 = arith.index_cast %swap3A_300 : i32 to index
      %swap3A_302 = arith.index_cast %add3A_295 : i32 to index
      %swap3A_303 = arith.constant 32 : index
      %swap3A_304 = tpu.vector_load %arg7[%swap3A_301, %swap3A_302, %swap3A_303] {strides = array<i32>} : memref<2x400x64xf32, #tpu.memory_space<vmem>>, vector<1x1x16xf32>,
      %swap3A_305 = vector.shape_cast %swap3A_304 : vector<1x1x16xf32> to vector<16xf32>
      %swap3A_306 = vector.shape_cast %get3A_299 : vector<16xf32> to vector<1x1x16xf32>
      tpu.vector_store %arg7[%swap3A_301, %swap3A_302, %swap3A_303], %swap3A_306 {add = true, strides = array<i32>} : memref<2x400x64xf32, #tpu.memory_space<vmem>>, vector<1x1x16xf32>,
      %add3A_307 = arith.constant 0 : i32
      %add3A_308 = arith.addi %add3A_307, %scan3A_269 : i32
      %get3A_309 = arith.index_cast %scan3A_269 : i32 to index
      %get3A_310 = arith.constant 48 : index
      %get3A_311 = tpu.vector_load %arg8[%get3A_309, %get3A_310] {strides = array<i32>} : memref<200x64xf32, #tpu.memory_space<vmem>>, vector<1x16xf32>,
      %get3A_312 = vector.shape_cast %get3A_311 : vector<1x16xf32> to vector<16xf32>
      %swap3A_313 = arith.constant 0 : i32
      %swap3A_314 = arith.index_cast %swap3A_313 : i32 to index
      %swap3A_315 = arith.index_cast %add3A_308 : i32 to index
      %swap3A_316 = arith.constant 48 : index
      %swap3A_317 = tpu.vector_load %arg7[%swap3A_314, %swap3A_315, %swap3A_316] {strides = array<i32>} : memref<2x400x64xf32, #tpu.memory_space<vmem>>, vector<1x1x16xf32>,
      %swap3A_318 = vector.shape_cast %swap3A_317 : vector<1x1x16xf32> to vector<16xf32>
      %swap3A_319 = vector.shape_cast %get3A_312 : vector<16xf32> to vector<1x1x16xf32>
      tpu.vector_store %arg7[%swap3A_314, %swap3A_315, %swap3A_316], %swap3A_319 {add = true, strides = array<i32>} : memref<2x400x64xf32, #tpu.memory_space<vmem>>, vector<1x1x16xf32>,
      %add3A_320 = arith.constant 200 : i32
      %add3A_321 = arith.addi %add3A_320, %scan3A_269 : i32
      %get3A_322 = arith.index_cast %scan3A_269 : i32 to index
      %get3A_323 = arith.constant 0 : index
      %get3A_324 = tpu.vector_load %arg8[%get3A_322, %get3A_323] {strides = array<i32>} : memref<200x64xf32, #tpu.memory_space<vmem>>, vector<1x16xf32>,
      %get3A_325 = vector.shape_cast %get3A_324 : vector<1x16xf32> to vector<16xf32>
      %swap3A_326 = arith.constant 0 : i32
      %swap3A_327 = arith.index_cast %swap3A_326 : i32 to index
      %swap3A_328 = arith.index_cast %add3A_321 : i32 to index
      %swap3A_329 = arith.constant 0 : index
      %swap3A_330 = tpu.vector_load %arg7[%swap3A_327, %swap3A_328, %swap3A_329] {strides = array<i32>} : memref<2x400x64xf32, #tpu.memory_space<vmem>>, vector<1x1x16xf32>,
      %swap3A_331 = vector.shape_cast %swap3A_330 : vector<1x1x16xf32> to vector<16xf32>
      %swap3A_332 = vector.shape_cast %get3A_325 : vector<16xf32> to vector<1x1x16xf32>
      tpu.vector_store %arg7[%swap3A_327, %swap3A_328, %swap3A_329], %swap3A_332 {add = true, strides = array<i32>} : memref<2x400x64xf32, #tpu.memory_space<vmem>>, vector<1x1x16xf32>,
      %add3A_333 = arith.constant 200 : i32
      %add3A_334 = arith.addi %add3A_333, %scan3A_269 : i32
      %get3A_335 = arith.index_cast %scan3A_269 : i32 to index
      %get3A_336 = arith.constant 16 : index
      %get3A_337 = tpu.vector_load %arg8[%get3A_335, %get3A_336] {strides = array<i32>} : memref<200x64xf32, #tpu.memory_space<vmem>>, vector<1x16xf32>,
      %get3A_338 = vector.shape_cast %get3A_337 : vector<1x16xf32> to vector<16xf32>
      %swap3A_339 = arith.constant 0 : i32
      %swap3A_340 = arith.index_cast %swap3A_339 : i32 to index
      %swap3A_341 = arith.index_cast %add3A_334 : i32 to index
      %swap3A_342 = arith.constant 16 : index
      %swap3A_343 = tpu.vector_load %arg7[%swap3A_340, %swap3A_341, %swap3A_342] {strides = array<i32>} : memref<2x400x64xf32, #tpu.memory_space<vmem>>, vector<1x1x16xf32>,
      %swap3A_344 = vector.shape_cast %swap3A_343 : vector<1x1x16xf32> to vector<16xf32>
      %swap3A_345 = vector.shape_cast %get3A_338 : vector<16xf32> to vector<1x1x16xf32>
      tpu.vector_store %arg7[%swap3A_340, %swap3A_341, %swap3A_342], %swap3A_345 {add = true, strides = array<i32>} : memref<2x400x64xf32, #tpu.memory_space<vmem>>, vector<1x1x16xf32>,
      %add3A_346 = arith.constant 200 : i32
      %add3A_347 = arith.addi %add3A_346, %scan3A_269 : i32
      %get3A_348 = arith.index_cast %scan3A_269 : i32 to index
      %get3A_349 = arith.constant 32 : index
      %get3A_350 = tpu.vector_load %arg8[%get3A_348, %get3A_349] {strides = array<i32>} : memref<200x64xf32, #tpu.memory_space<vmem>>, vector<1x16xf32>,
      %get3A_351 = vector.shape_cast %get3A_350 : vector<1x16xf32> to vector<16xf32>
      %swap3A_352 = arith.constant 0 : i32
      %swap3A_353 = arith.index_cast %swap3A_352 : i32 to index
      %swap3A_354 = arith.index_cast %add3A_347 : i32 to index
      %swap3A_355 = arith.constant 32 : index
      %swap3A_356 = tpu.vector_load %arg7[%swap3A_353, %swap3A_354, %swap3A_355] {strides = array<i32>} : memref<2x400x64xf32, #tpu.memory_space<vmem>>, vector<1x1x16xf32>,
      %swap3A_357 = vector.shape_cast %swap3A_356 : vector<1x1x16xf32> to vector<16xf32>
      %swap3A_358 = vector.shape_cast %get3A_351 : vector<16xf32> to vector<1x1x16xf32>
      tpu.vector_store %arg7[%swap3A_353, %swap3A_354, %swap3A_355], %swap3A_358 {add = true, strides = array<i32>} : memref<2x400x64xf32, #tpu.memory_space<vmem>>, vector<1x1x16xf32>,
      %add3A_359 = arith.constant 200 : i32
      %add3A_360 = arith.addi %add3A_359, %scan3A_269 : i32
      %get3A_361 = arith.index_cast %scan3A_269 : i32 to index
      %get3A_362 = arith.constant 48 : index
      %get3A_363 = tpu.vector_load %arg8[%get3A_361, %get3A_362] {strides = array<i32>} : memref<200x64xf32, #tpu.memory_space<vmem>>, vector<1x16xf32>,
      %get3A_364 = vector.shape_cast %get3A_363 : vector<1x16xf32> to vector<16xf32>
      %swap3A_365 = arith.constant 0 : i32
      %swap3A_366 = arith.index_cast %swap3A_365 : i32 to index
      %swap3A_367 = arith.index_cast %add3A_360 : i32 to index
      %swap3A_368 = arith.constant 48 : index
      %swap3A_369 = tpu.vector_load %arg7[%swap3A_366, %swap3A_367, %swap3A_368] {strides = array<i32>} : memref<2x400x64xf32, #tpu.memory_space<vmem>>, vector<1x1x16xf32>,
      %swap3A_370 = vector.shape_cast %swap3A_369 : vector<1x1x16xf32> to vector<16xf32>
      %swap3A_371 = vector.shape_cast %get3A_364 : vector<16xf32> to vector<1x1x16xf32>
      tpu.vector_store %arg7[%swap3A_366, %swap3A_367, %swap3A_368], %swap3A_371 {add = true, strides = array<i32>} : memref<2x400x64xf32, #tpu.memory_space<vmem>>, vector<1x1x16xf32>,
      %scan3A_372 = arith.constant 1 : i32
      %scan3A_373 = arith.addi %scan3A_269, %scan3A_372 : i32
      %add3A_374 = arith.constant 0 : i32
      %add3A_375 = arith.addi %add3A_374, %scan3A_373 : i32
      %get3A_376 = arith.index_cast %scan3A_373 : i32 to index
      %get3A_377 = arith.constant 0 : index
      %get3A_378 = tpu.vector_load %arg8[%get3A_376, %get3A_377] {strides = array<i32>} : memref<200x64xf32, #tpu.memory_space<vmem>>, vector<1x16xf32>,
      %get3A_379 = vector.shape_cast %get3A_378 : vector<1x16xf32> to vector<16xf32>
      %swap3A_380 = arith.constant 0 : i32
      %swap3A_381 = arith.index_cast %swap3A_380 : i32 to index
      %swap3A_382 = arith.index_cast %add3A_375 : i32 to index
      %swap3A_383 = arith.constant 0 : index
      %swap3A_384 = tpu.vector_load %arg7[%swap3A_381, %swap3A_382, %swap3A_383] {strides = array<i32>} : memref<2x400x64xf32, #tpu.memory_space<vmem>>, vector<1x1x16xf32>,
      %swap3A_385 = vector.shape_cast %swap3A_384 : vector<1x1x16xf32> to vector<16xf32>
      %swap3A_386 = vector.shape_cast %get3A_379 : vector<16xf32> to vector<1x1x16xf32>
      tpu.vector_store %arg7[%swap3A_381, %swap3A_382, %swap3A_383], %swap3A_386 {add = true, strides = array<i32>} : memref<2x400x64xf32, #tpu.memory_space<vmem>>, vector<1x1x16xf32>,
      %add3A_387 = arith.constant 0 : i32
      %add3A_388 = arith.addi %add3A_387, %scan3A_373 : i32
      %get3A_389 = arith.index_cast %scan3A_373 : i32 to index
      %get3A_390 = arith.constant 16 : index
      %get3A_391 = tpu.vector_load %arg8[%get3A_389, %get3A_390] {strides = array<i32>} : memref<200x64xf32, #tpu.memory_space<vmem>>, vector<1x16xf32>,
      %get3A_392 = vector.shape_cast %get3A_391 : vector<1x16xf32> to vector<16xf32>
      %swap3A_393 = arith.constant 0 : i32
      %swap3A_394 = arith.index_cast %swap3A_393 : i32 to index
      %swap3A_395 = arith.index_cast %add3A_388 : i32 to index
      %swap3A_396 = arith.constant 16 : index
      %swap3A_397 = tpu.vector_load %arg7[%swap3A_394, %swap3A_395, %swap3A_396] {strides = array<i32>} : memref<2x400x64xf32, #tpu.memory_space<vmem>>, vector<1x1x16xf32>,
      %swap3A_398 = vector.shape_cast %swap3A_397 : vector<1x1x16xf32> to vector<16xf32>
      %swap3A_399 = vector.shape_cast %get3A_392 : vector<16xf32> to vector<1x1x16xf32>
      tpu.vector_store %arg7[%swap3A_394, %swap3A_395, %swap3A_396], %swap3A_399 {add = true, strides = array<i32>} : memref<2x400x64xf32, #tpu.memory_space<vmem>>, vector<1x1x16xf32>,
      %add3A_400 = arith.constant 0 : i32
      %add3A_401 = arith.addi %add3A_400, %scan3A_373 : i32
      %get3A_402 = arith.index_cast %scan3A_373 : i32 to index
      %get3A_403 = arith.constant 32 : index
      %get3A_404 = tpu.vector_load %arg8[%get3A_402, %get3A_403] {strides = array<i32>} : memref<200x64xf32, #tpu.memory_space<vmem>>, vector<1x16xf32>,
      %get3A_405 = vector.shape_cast %get3A_404 : vector<1x16xf32> to vector<16xf32>
      %swap3A_406 = arith.constant 0 : i32
      %swap3A_407 = arith.index_cast %swap3A_406 : i32 to index
      %swap3A_408 = arith.index_cast %add3A_401 : i32 to index
      %swap3A_409 = arith.constant 32 : index
      %swap3A_410 = tpu.vector_load %arg7[%swap3A_407, %swap3A_408, %swap3A_409] {strides = array<i32>} : memref<2x400x64xf32, #tpu.memory_space<vmem>>, vector<1x1x16xf32>,
      %swap3A_411 = vector.shape_cast %swap3A_410 : vector<1x1x16xf32> to vector<16xf32>
      %swap3A_412 = vector.shape_cast %get3A_405 : vector<16xf32> to vector<1x1x16xf32>
      tpu.vector_store %arg7[%swap3A_407, %swap3A_408, %swap3A_409], %swap3A_412 {add = true, strides = array<i32>} : memref<2x400x64xf32, #tpu.memory_space<vmem>>, vector<1x1x16xf32>,
      %add3A_413 = arith.constant 0 : i32
      %add3A_414 = arith.addi %add3A_413, %scan3A_373 : i32
      %get3A_415 = arith.index_cast %scan3A_373 : i32 to index
      %get3A_416 = arith.constant 48 : index
      %get3A_417 = tpu.vector_load %arg8[%get3A_415, %get3A_416] {strides = array<i32>} : memref<200x64xf32, #tpu.memory_space<vmem>>, vector<1x16xf32>,
      %get3A_418 = vector.shape_cast %get3A_417 : vector<1x16xf32> to vector<16xf32>
      %swap3A_419 = arith.constant 0 : i32
      %swap3A_420 = arith.index_cast %swap3A_419 : i32 to index
      %swap3A_421 = arith.index_cast %add3A_414 : i32 to index
      %swap3A_422 = arith.constant 48 : index
      %swap3A_423 = tpu.vector_load %arg7[%swap3A_420, %swap3A_421, %swap3A_422] {strides = array<i32>} : memref<2x400x64xf32, #tpu.memory_space<vmem>>, vector<1x1x16xf32>,
      %swap3A_424 = vector.shape_cast %swap3A_423 : vector<1x1x16xf32> to vector<16xf32>
      %swap3A_425 = vector.shape_cast %get3A_418 : vector<16xf32> to vector<1x1x16xf32>
      tpu.vector_store %arg7[%swap3A_420, %swap3A_421, %swap3A_422], %swap3A_425 {add = true, strides = array<i32>} : memref<2x400x64xf32, #tpu.memory_space<vmem>>, vector<1x1x16xf32>,
      %add3A_426 = arith.constant 200 : i32
      %add3A_427 = arith.addi %add3A_426, %scan3A_373 : i32
      %get3A_428 = arith.index_cast %scan3A_373 : i32 to index
      %get3A_429 = arith.constant 0 : index
      %get3A_430 = tpu.vector_load %arg8[%get3A_428, %get3A_429] {strides = array<i32>} : memref<200x64xf32, #tpu.memory_space<vmem>>, vector<1x16xf32>,
      %get3A_431 = vector.shape_cast %get3A_430 : vector<1x16xf32> to vector<16xf32>
      %swap3A_432 = arith.constant 0 : i32
      %swap3A_433 = arith.index_cast %swap3A_432 : i32 to index
      %swap3A_434 = arith.index_cast %add3A_427 : i32 to index
      %swap3A_435 = arith.constant 0 : index
      %swap3A_436 = tpu.vector_load %arg7[%swap3A_433, %swap3A_434, %swap3A_435] {strides = array<i32>} : memref<2x400x64xf32, #tpu.memory_space<vmem>>, vector<1x1x16xf32>,
      %swap3A_437 = vector.shape_cast %swap3A_436 : vector<1x1x16xf32> to vector<16xf32>
      %swap3A_438 = vector.shape_cast %get3A_431 : vector<16xf32> to vector<1x1x16xf32>
      tpu.vector_store %arg7[%swap3A_433, %swap3A_434, %swap3A_435], %swap3A_438 {add = true, strides = array<i32>} : memref<2x400x64xf32, #tpu.memory_space<vmem>>, vector<1x1x16xf32>,
      %add3A_439 = arith.constant 200 : i32
      %add3A_440 = arith.addi %add3A_439, %scan3A_373 : i32
      %get3A_441 = arith.index_cast %scan3A_373 : i32 to index
      %get3A_442 = arith.constant 16 : index
      %get3A_443 = tpu.vector_load %arg8[%get3A_441, %get3A_442] {strides = array<i32>} : memref<200x64xf32, #tpu.memory_space<vmem>>, vector<1x16xf32>,
      %get3A_444 = vector.shape_cast %get3A_443 : vector<1x16xf32> to vector<16xf32>
      %swap3A_445 = arith.constant 0 : i32
      %swap3A_446 = arith.index_cast %swap3A_445 : i32 to index
      %swap3A_447 = arith.index_cast %add3A_440 : i32 to index
      %swap3A_448 = arith.constant 16 : index
      %swap3A_449 = tpu.vector_load %arg7[%swap3A_446, %swap3A_447, %swap3A_448] {strides = array<i32>} : memref<2x400x64xf32, #tpu.memory_space<vmem>>, vector<1x1x16xf32>,
      %swap3A_450 = vector.shape_cast %swap3A_449 : vector<1x1x16xf32> to vector<16xf32>
      %swap3A_451 = vector.shape_cast %get3A_444 : vector<16xf32> to vector<1x1x16xf32>
      tpu.vector_store %arg7[%swap3A_446, %swap3A_447, %swap3A_448], %swap3A_451 {add = true, strides = array<i32>} : memref<2x400x64xf32, #tpu.memory_space<vmem>>, vector<1x1x16xf32>,
      %add3A_452 = arith.constant 200 : i32
      %add3A_453 = arith.addi %add3A_452, %scan3A_373 : i32
      %get3A_454 = arith.index_cast %scan3A_373 : i32 to index
      %get3A_455 = arith.constant 32 : index
      %get3A_456 = tpu.vector_load %arg8[%get3A_454, %get3A_455] {strides = array<i32>} : memref<200x64xf32, #tpu.memory_space<vmem>>, vector<1x16xf32>,
      %get3A_457 = vector.shape_cast %get3A_456 : vector<1x16xf32> to vector<16xf32>
      %swap3A_458 = arith.constant 0 : i32
      %swap3A_459 = arith.index_cast %swap3A_458 : i32 to index
      %swap3A_460 = arith.index_cast %add3A_453 : i32 to index
      %swap3A_461 = arith.constant 32 : index
      %swap3A_462 = tpu.vector_load %arg7[%swap3A_459, %swap3A_460, %swap3A_461] {strides = array<i32>} : memref<2x400x64xf32, #tpu.memory_space<vmem>>, vector<1x1x16xf32>,
      %swap3A_463 = vector.shape_cast %swap3A_462 : vector<1x1x16xf32> to vector<16xf32>
      %swap3A_464 = vector.shape_cast %get3A_457 : vector<16xf32> to vector<1x1x16xf32>
      tpu.vector_store %arg7[%swap3A_459, %swap3A_460, %swap3A_461], %swap3A_464 {add = true, strides = array<i32>} : memref<2x400x64xf32, #tpu.memory_space<vmem>>, vector<1x1x16xf32>,
      %add3A_465 = arith.constant 200 : i32
      %add3A_466 = arith.addi %add3A_465, %scan3A_373 : i32
      %get3A_467 = arith.index_cast %scan3A_373 : i32 to index
      %get3A_468 = arith.constant 48 : index
      %get3A_469 = tpu.vector_load %arg8[%get3A_467, %get3A_468] {strides = array<i32>} : memref<200x64xf32, #tpu.memory_space<vmem>>, vector<1x16xf32>,
      %get3A_470 = vector.shape_cast %get3A_469 : vector<1x16xf32> to vector<16xf32>
      %swap3A_471 = arith.constant 0 : i32
      %swap3A_472 = arith.index_cast %swap3A_471 : i32 to index
      %swap3A_473 = arith.index_cast %add3A_466 : i32 to index
      %swap3A_474 = arith.constant 48 : index
      %swap3A_475 = tpu.vector_load %arg7[%swap3A_472, %swap3A_473, %swap3A_474] {strides = array<i32>} : memref<2x400x64xf32, #tpu.memory_space<vmem>>, vector<1x1x16xf32>,
      %swap3A_476 = vector.shape_cast %swap3A_475 : vector<1x1x16xf32> to vector<16xf32>
      %swap3A_477 = vector.shape_cast %get3A_470 : vector<16xf32> to vector<1x1x16xf32>
      tpu.vector_store %arg7[%swap3A_472, %swap3A_473, %swap3A_474], %swap3A_477 {add = true, strides = array<i32>} : memref<2x400x64xf32, #tpu.memory_space<vmem>>, vector<1x1x16xf32>,
      %scan3A_478 = arith.constant 2 : i32
      %scan3A_479 = arith.addi %scan3A_269, %scan3A_478 : i32
      %add3A_480 = arith.constant 0 : i32
      %add3A_481 = arith.addi %add3A_480, %scan3A_479 : i32
      %get3A_482 = arith.index_cast %scan3A_479 : i32 to index
      %get3A_483 = arith.constant 0 : index
      %get3A_484 = tpu.vector_load %arg8[%get3A_482, %get3A_483] {strides = array<i32>} : memref<200x64xf32, #tpu.memory_space<vmem>>, vector<1x16xf32>,
      %get3A_485 = vector.shape_cast %get3A_484 : vector<1x16xf32> to vector<16xf32>
      %swap3A_486 = arith.constant 0 : i32
      %swap3A_487 = arith.index_cast %swap3A_486 : i32 to index
      %swap3A_488 = arith.index_cast %add3A_481 : i32 to index
      %swap3A_489 = arith.constant 0 : index
      %swap3A_490 = tpu.vector_load %arg7[%swap3A_487, %swap3A_488, %swap3A_489] {strides = array<i32>} : memref<2x400x64xf32, #tpu.memory_space<vmem>>, vector<1x1x16xf32>,
      %swap3A_491 = vector.shape_cast %swap3A_490 : vector<1x1x16xf32> to vector<16xf32>
      %swap3A_492 = vector.shape_cast %get3A_485 : vector<16xf32> to vector<1x1x16xf32>
      tpu.vector_store %arg7[%swap3A_487, %swap3A_488, %swap3A_489], %swap3A_492 {add = true, strides = array<i32>} : memref<2x400x64xf32, #tpu.memory_space<vmem>>, vector<1x1x16xf32>,
      %add3A_493 = arith.constant 0 : i32
      %add3A_494 = arith.addi %add3A_493, %scan3A_479 : i32
      %get3A_495 = arith.index_cast %scan3A_479 : i32 to index
      %get3A_496 = arith.constant 16 : index
      %get3A_497 = tpu.vector_load %arg8[%get3A_495, %get3A_496] {strides = array<i32>} : memref<200x64xf32, #tpu.memory_space<vmem>>, vector<1x16xf32>,
      %get3A_498 = vector.shape_cast %get3A_497 : vector<1x16xf32> to vector<16xf32>
      %swap3A_499 = arith.constant 0 : i32
      %swap3A_500 = arith.index_cast %swap3A_499 : i32 to index
      %swap3A_501 = arith.index_cast %add3A_494 : i32 to index
      %swap3A_502 = arith.constant 16 : index
      %swap3A_503 = tpu.vector_load %arg7[%swap3A_500, %swap3A_501, %swap3A_502] {strides = array<i32>} : memref<2x400x64xf32, #tpu.memory_space<vmem>>, vector<1x1x16xf32>,
      %swap3A_504 = vector.shape_cast %swap3A_503 : vector<1x1x16xf32> to vector<16xf32>
      %swap3A_505 = vector.shape_cast %get3A_498 : vector<16xf32> to vector<1x1x16xf32>
      tpu.vector_store %arg7[%swap3A_500, %swap3A_501, %swap3A_502], %swap3A_505 {add = true, strides = array<i32>} : memref<2x400x64xf32, #tpu.memory_space<vmem>>, vector<1x1x16xf32>,
      %add3A_506 = arith.constant 0 : i32
      %add3A_507 = arith.addi %add3A_506, %scan3A_479 : i32
      %get3A_508 = arith.index_cast %scan3A_479 : i32 to index
      %get3A_509 = arith.constant 32 : index
      %get3A_510 = tpu.vector_load %arg8[%get3A_508, %get3A_509] {strides = array<i32>} : memref<200x64xf32, #tpu.memory_space<vmem>>, vector<1x16xf32>,
      %get3A_511 = vector.shape_cast %get3A_510 : vector<1x16xf32> to vector<16xf32>
      %swap3A_512 = arith.constant 0 : i32
      %swap3A_513 = arith.index_cast %swap3A_512 : i32 to index
      %swap3A_514 = arith.index_cast %add3A_507 : i32 to index
      %swap3A_515 = arith.constant 32 : index
      %swap3A_516 = tpu.vector_load %arg7[%swap3A_513, %swap3A_514, %swap3A_515] {strides = array<i32>} : memref<2x400x64xf32, #tpu.memory_space<vmem>>, vector<1x1x16xf32>,
      %swap3A_517 = vector.shape_cast %swap3A_516 : vector<1x1x16xf32> to vector<16xf32>
      %swap3A_518 = vector.shape_cast %get3A_511 : vector<16xf32> to vector<1x1x16xf32>
      tpu.vector_store %arg7[%swap3A_513, %swap3A_514, %swap3A_515], %swap3A_518 {add = true, strides = array<i32>} : memref<2x400x64xf32, #tpu.memory_space<vmem>>, vector<1x1x16xf32>,
      %add3A_519 = arith.constant 0 : i32
      %add3A_520 = arith.addi %add3A_519, %scan3A_479 : i32
      %get3A_521 = arith.index_cast %scan3A_479 : i32 to index
      %get3A_522 = arith.constant 48 : index
      %get3A_523 = tpu.vector_load %arg8[%get3A_521, %get3A_522] {strides = array<i32>} : memref<200x64xf32, #tpu.memory_space<vmem>>, vector<1x16xf32>,
      %get3A_524 = vector.shape_cast %get3A_523 : vector<1x16xf32> to vector<16xf32>
      %swap3A_525 = arith.constant 0 : i32
      %swap3A_526 = arith.index_cast %swap3A_525 : i32 to index
      %swap3A_527 = arith.index_cast %add3A_520 : i32 to index
      %swap3A_528 = arith.constant 48 : index
      %swap3A_529 = tpu.vector_load %arg7[%swap3A_526, %swap3A_527, %swap3A_528] {strides = array<i32>} : memref<2x400x64xf32, #tpu.memory_space<vmem>>, vector<1x1x16xf32>,
      %swap3A_530 = vector.shape_cast %swap3A_529 : vector<1x1x16xf32> to vector<16xf32>
      %swap3A_531 = vector.shape_cast %get3A_524 : vector<16xf32> to vector<1x1x16xf32>
      tpu.vector_store %arg7[%swap3A_526, %swap3A_527, %swap3A_528], %swap3A_531 {add = true, strides = array<i32>} : memref<2x400x64xf32, #tpu.memory_space<vmem>>, vector<1x1x16xf32>,
      %add3A_532 = arith.constant 200 : i32
      %add3A_533 = arith.addi %add3A_532, %scan3A_479 : i32
      %get3A_534 = arith.index_cast %scan3A_479 : i32 to index
      %get3A_535 = arith.constant 0 : index
      %get3A_536 = tpu.vector_load %arg8[%get3A_534, %get3A_535] {strides = array<i32>} : memref<200x64xf32, #tpu.memory_space<vmem>>, vector<1x16xf32>,
      %get3A_537 = vector.shape_cast %get3A_536 : vector<1x16xf32> to vector<16xf32>
      %swap3A_538 = arith.constant 0 : i32
      %swap3A_539 = arith.index_cast %swap3A_538 : i32 to index
      %swap3A_540 = arith.index_cast %add3A_533 : i32 to index
      %swap3A_541 = arith.constant 0 : index
      %swap3A_542 = tpu.vector_load %arg7[%swap3A_539, %swap3A_540, %swap3A_541] {strides = array<i32>} : memref<2x400x64xf32, #tpu.memory_space<vmem>>, vector<1x1x16xf32>,
      %swap3A_543 = vector.shape_cast %swap3A_542 : vector<1x1x16xf32> to vector<16xf32>
      %swap3A_544 = vector.shape_cast %get3A_537 : vector<16xf32> to vector<1x1x16xf32>
      tpu.vector_store %arg7[%swap3A_539, %swap3A_540, %swap3A_541], %swap3A_544 {add = true, strides = array<i32>} : memref<2x400x64xf32, #tpu.memory_space<vmem>>, vector<1x1x16xf32>,
      %add3A_545 = arith.constant 200 : i32
      %add3A_546 = arith.addi %add3A_545, %scan3A_479 : i32
      %get3A_547 = arith.index_cast %scan3A_479 : i32 to index
      %get3A_548 = arith.constant 16 : index
      %get3A_549 = tpu.vector_load %arg8[%get3A_547, %get3A_548] {strides = array<i32>} : memref<200x64xf32, #tpu.memory_space<vmem>>, vector<1x16xf32>,
      %get3A_550 = vector.shape_cast %get3A_549 : vector<1x16xf32> to vector<16xf32>
      %swap3A_551 = arith.constant 0 : i32
      %swap3A_552 = arith.index_cast %swap3A_551 : i32 to index
      %swap3A_553 = arith.index_cast %add3A_546 : i32 to index
      %swap3A_554 = arith.constant 16 : index
      %swap3A_555 = tpu.vector_load %arg7[%swap3A_552, %swap3A_553, %swap3A_554] {strides = array<i32>} : memref<2x400x64xf32, #tpu.memory_space<vmem>>, vector<1x1x16xf32>,
      %swap3A_556 = vector.shape_cast %swap3A_555 : vector<1x1x16xf32> to vector<16xf32>
      %swap3A_557 = vector.shape_cast %get3A_550 : vector<16xf32> to vector<1x1x16xf32>
      tpu.vector_store %arg7[%swap3A_552, %swap3A_553, %swap3A_554], %swap3A_557 {add = true, strides = array<i32>} : memref<2x400x64xf32, #tpu.memory_space<vmem>>, vector<1x1x16xf32>,
      %add3A_558 = arith.constant 200 : i32
      %add3A_559 = arith.addi %add3A_558, %scan3A_479 : i32
      %get3A_560 = arith.index_cast %scan3A_479 : i32 to index
      %get3A_561 = arith.constant 32 : index
      %get3A_562 = tpu.vector_load %arg8[%get3A_560, %get3A_561] {strides = array<i32>} : memref<200x64xf32, #tpu.memory_space<vmem>>, vector<1x16xf32>,
      %get3A_563 = vector.shape_cast %get3A_562 : vector<1x16xf32> to vector<16xf32>
      %swap3A_564 = arith.constant 0 : i32
      %swap3A_565 = arith.index_cast %swap3A_564 : i32 to index
      %swap3A_566 = arith.index_cast %add3A_559 : i32 to index
      %swap3A_567 = arith.constant 32 : index
      %swap3A_568 = tpu.vector_load %arg7[%swap3A_565, %swap3A_566, %swap3A_567] {strides = array<i32>} : memref<2x400x64xf32, #tpu.memory_space<vmem>>, vector<1x1x16xf32>,
      %swap3A_569 = vector.shape_cast %swap3A_568 : vector<1x1x16xf32> to vector<16xf32>
      %swap3A_570 = vector.shape_cast %get3A_563 : vector<16xf32> to vector<1x1x16xf32>
      tpu.vector_store %arg7[%swap3A_565, %swap3A_566, %swap3A_567], %swap3A_570 {add = true, strides = array<i32>} : memref<2x400x64xf32, #tpu.memory_space<vmem>>, vector<1x1x16xf32>,
      %add3A_571 = arith.constant 200 : i32
      %add3A_572 = arith.addi %add3A_571, %scan3A_479 : i32
      %get3A_573 = arith.index_cast %scan3A_479 : i32 to index
      %get3A_574 = arith.constant 48 : index
      %get3A_575 = tpu.vector_load %arg8[%get3A_573, %get3A_574] {strides = array<i32>} : memref<200x64xf32, #tpu.memory_space<vmem>>, vector<1x16xf32>,
      %get3A_576 = vector.shape_cast %get3A_575 : vector<1x16xf32> to vector<16xf32>
      %swap3A_577 = arith.constant 0 : i32
      %swap3A_578 = arith.index_cast %swap3A_577 : i32 to index
      %swap3A_579 = arith.index_cast %add3A_572 : i32 to index
      %swap3A_580 = arith.constant 48 : index
      %swap3A_581 = tpu.vector_load %arg7[%swap3A_578, %swap3A_579, %swap3A_580] {strides = array<i32>} : memref<2x400x64xf32, #tpu.memory_space<vmem>>, vector<1x1x16xf32>,
      %swap3A_582 = vector.shape_cast %swap3A_581 : vector<1x1x16xf32> to vector<16xf32>
      %swap3A_583 = vector.shape_cast %get3A_576 : vector<16xf32> to vector<1x1x16xf32>
      tpu.vector_store %arg7[%swap3A_578, %swap3A_579, %swap3A_580], %swap3A_583 {add = true, strides = array<i32>} : memref<2x400x64xf32, #tpu.memory_space<vmem>>, vector<1x1x16xf32>,
      %scan3A_584 = arith.constant 3 : i32
      %scan3A_585 = arith.addi %scan3A_269, %scan3A_584 : i32
      %add3A_586 = arith.constant 0 : i32
      %add3A_587 = arith.addi %add3A_586, %scan3A_585 : i32
      %get3A_588 = arith.index_cast %scan3A_585 : i32 to index
      %get3A_589 = arith.constant 0 : index
      %get3A_590 = tpu.vector_load %arg8[%get3A_588, %get3A_589] {strides = array<i32>} : memref<200x64xf32, #tpu.memory_space<vmem>>, vector<1x16xf32>,
      %get3A_591 = vector.shape_cast %get3A_590 : vector<1x16xf32> to vector<16xf32>
      %swap3A_592 = arith.constant 0 : i32
      %swap3A_593 = arith.index_cast %swap3A_592 : i32 to index
      %swap3A_594 = arith.index_cast %add3A_587 : i32 to index
      %swap3A_595 = arith.constant 0 : index
      %swap3A_596 = tpu.vector_load %arg7[%swap3A_593, %swap3A_594, %swap3A_595] {strides = array<i32>} : memref<2x400x64xf32, #tpu.memory_space<vmem>>, vector<1x1x16xf32>,
      %swap3A_597 = vector.shape_cast %swap3A_596 : vector<1x1x16xf32> to vector<16xf32>
      %swap3A_598 = vector.shape_cast %get3A_591 : vector<16xf32> to vector<1x1x16xf32>
      tpu.vector_store %arg7[%swap3A_593, %swap3A_594, %swap3A_595], %swap3A_598 {add = true, strides = array<i32>} : memref<2x400x64xf32, #tpu.memory_space<vmem>>, vector<1x1x16xf32>,
      %add3A_599 = arith.constant 0 : i32
      %add3A_600 = arith.addi %add3A_599, %scan3A_585 : i32
      %get3A_601 = arith.index_cast %scan3A_585 : i32 to index
      %get3A_602 = arith.constant 16 : index
      %get3A_603 = tpu.vector_load %arg8[%get3A_601, %get3A_602] {strides = array<i32>} : memref<200x64xf32, #tpu.memory_space<vmem>>, vector<1x16xf32>,
      %get3A_604 = vector.shape_cast %get3A_603 : vector<1x16xf32> to vector<16xf32>
      %swap3A_605 = arith.constant 0 : i32
      %swap3A_606 = arith.index_cast %swap3A_605 : i32 to index
      %swap3A_607 = arith.index_cast %add3A_600 : i32 to index
      %swap3A_608 = arith.constant 16 : index
      %swap3A_609 = tpu.vector_load %arg7[%swap3A_606, %swap3A_607, %swap3A_608] {strides = array<i32>} : memref<2x400x64xf32, #tpu.memory_space<vmem>>, vector<1x1x16xf32>,
      %swap3A_610 = vector.shape_cast %swap3A_609 : vector<1x1x16xf32> to vector<16xf32>
      %swap3A_611 = vector.shape_cast %get3A_604 : vector<16xf32> to vector<1x1x16xf32>
      tpu.vector_store %arg7[%swap3A_606, %swap3A_607, %swap3A_608], %swap3A_611 {add = true, strides = array<i32>} : memref<2x400x64xf32, #tpu.memory_space<vmem>>, vector<1x1x16xf32>,
      %add3A_612 = arith.constant 0 : i32
      %add3A_613 = arith.addi %add3A_612, %scan3A_585 : i32
      %get3A_614 = arith.index_cast %scan3A_585 : i32 to index
      %get3A_615 = arith.constant 32 : index
      %get3A_616 = tpu.vector_load %arg8[%get3A_614, %get3A_615] {strides = array<i32>} : memref<200x64xf32, #tpu.memory_space<vmem>>, vector<1x16xf32>,
      %get3A_617 = vector.shape_cast %get3A_616 : vector<1x16xf32> to vector<16xf32>
      %swap3A_618 = arith.constant 0 : i32
      %swap3A_619 = arith.index_cast %swap3A_618 : i32 to index
      %swap3A_620 = arith.index_cast %add3A_613 : i32 to index
      %swap3A_621 = arith.constant 32 : index
      %swap3A_622 = tpu.vector_load %arg7[%swap3A_619, %swap3A_620, %swap3A_621] {strides = array<i32>} : memref<2x400x64xf32, #tpu.memory_space<vmem>>, vector<1x1x16xf32>,
      %swap3A_623 = vector.shape_cast %swap3A_622 : vector<1x1x16xf32> to vector<16xf32>
      %swap3A_624 = vector.shape_cast %get3A_617 : vector<16xf32> to vector<1x1x16xf32>
      tpu.vector_store %arg7[%swap3A_619, %swap3A_620, %swap3A_621], %swap3A_624 {add = true, strides = array<i32>} : memref<2x400x64xf32, #tpu.memory_space<vmem>>, vector<1x1x16xf32>,
      %add3A_625 = arith.constant 0 : i32
      %add3A_626 = arith.addi %add3A_625, %scan3A_585 : i32
      %get3A_627 = arith.index_cast %scan3A_585 : i32 to index
      %get3A_628 = arith.constant 48 : index
      %get3A_629 = tpu.vector_load %arg8[%get3A_627, %get3A_628] {strides = array<i32>} : memref<200x64xf32, #tpu.memory_space<vmem>>, vector<1x16xf32>,
      %get3A_630 = vector.shape_cast %get3A_629 : vector<1x16xf32> to vector<16xf32>
      %swap3A_631 = arith.constant 0 : i32
      %swap3A_632 = arith.index_cast %swap3A_631 : i32 to index
      %swap3A_633 = arith.index_cast %add3A_626 : i32 to index
      %swap3A_634 = arith.constant 48 : index
      %swap3A_635 = tpu.vector_load %arg7[%swap3A_632, %swap3A_633, %swap3A_634] {strides = array<i32>} : memref<2x400x64xf32, #tpu.memory_space<vmem>>, vector<1x1x16xf32>,
      %swap3A_636 = vector.shape_cast %swap3A_635 : vector<1x1x16xf32> to vector<16xf32>
      %swap3A_637 = vector.shape_cast %get3A_630 : vector<16xf32> to vector<1x1x16xf32>
      tpu.vector_store %arg7[%swap3A_632, %swap3A_633, %swap3A_634], %swap3A_637 {add = true, strides = array<i32>} : memref<2x400x64xf32, #tpu.memory_space<vmem>>, vector<1x1x16xf32>,
      %add3A_638 = arith.constant 200 : i32
      %add3A_639 = arith.addi %add3A_638, %scan3A_585 : i32
      %get3A_640 = arith.index_cast %scan3A_585 : i32 to index
      %get3A_641 = arith.constant 0 : index
      %get3A_642 = tpu.vector_load %arg8[%get3A_640, %get3A_641] {strides = array<i32>} : memref<200x64xf32, #tpu.memory_space<vmem>>, vector<1x16xf32>,
      %get3A_643 = vector.shape_cast %get3A_642 : vector<1x16xf32> to vector<16xf32>
      %swap3A_644 = arith.constant 0 : i32
      %swap3A_645 = arith.index_cast %swap3A_644 : i32 to index
      %swap3A_646 = arith.index_cast %add3A_639 : i32 to index
      %swap3A_647 = arith.constant 0 : index
      %swap3A_648 = tpu.vector_load %arg7[%swap3A_645, %swap3A_646, %swap3A_647] {strides = array<i32>} : memref<2x400x64xf32, #tpu.memory_space<vmem>>, vector<1x1x16xf32>,
      %swap3A_649 = vector.shape_cast %swap3A_648 : vector<1x1x16xf32> to vector<16xf32>
      %swap3A_650 = vector.shape_cast %get3A_643 : vector<16xf32> to vector<1x1x16xf32>
      tpu.vector_store %arg7[%swap3A_645, %swap3A_646, %swap3A_647], %swap3A_650 {add = true, strides = array<i32>} : memref<2x400x64xf32, #tpu.memory_space<vmem>>, vector<1x1x16xf32>,
      %add3A_651 = arith.constant 200 : i32
      %add3A_652 = arith.addi %add3A_651, %scan3A_585 : i32
      %get3A_653 = arith.index_cast %scan3A_585 : i32 to index
      %get3A_654 = arith.constant 16 : index
      %get3A_655 = tpu.vector_load %arg8[%get3A_653, %get3A_654] {strides = array<i32>} : memref<200x64xf32, #tpu.memory_space<vmem>>, vector<1x16xf32>,
      %get3A_656 = vector.shape_cast %get3A_655 : vector<1x16xf32> to vector<16xf32>
      %swap3A_657 = arith.constant 0 : i32
      %swap3A_658 = arith.index_cast %swap3A_657 : i32 to index
      %swap3A_659 = arith.index_cast %add3A_652 : i32 to index
      %swap3A_660 = arith.constant 16 : index
      %swap3A_661 = tpu.vector_load %arg7[%swap3A_658, %swap3A_659, %swap3A_660] {strides = array<i32>} : memref<2x400x64xf32, #tpu.memory_space<vmem>>, vector<1x1x16xf32>,
      %swap3A_662 = vector.shape_cast %swap3A_661 : vector<1x1x16xf32> to vector<16xf32>
      %swap3A_663 = vector.shape_cast %get3A_656 : vector<16xf32> to vector<1x1x16xf32>
      tpu.vector_store %arg7[%swap3A_658, %swap3A_659, %swap3A_660], %swap3A_663 {add = true, strides = array<i32>} : memref<2x400x64xf32, #tpu.memory_space<vmem>>, vector<1x1x16xf32>,
      %add3A_664 = arith.constant 200 : i32
      %add3A_665 = arith.addi %add3A_664, %scan3A_585 : i32
      %get3A_666 = arith.index_cast %scan3A_585 : i32 to index
      %get3A_667 = arith.constant 32 : index
      %get3A_668 = tpu.vector_load %arg8[%get3A_666, %get3A_667] {strides = array<i32>} : memref<200x64xf32, #tpu.memory_space<vmem>>, vector<1x16xf32>,
      %get3A_669 = vector.shape_cast %get3A_668 : vector<1x16xf32> to vector<16xf32>
      %swap3A_670 = arith.constant 0 : i32
      %swap3A_671 = arith.index_cast %swap3A_670 : i32 to index
      %swap3A_672 = arith.index_cast %add3A_665 : i32 to index
      %swap3A_673 = arith.constant 32 : index
      %swap3A_674 = tpu.vector_load %arg7[%swap3A_671, %swap3A_672, %swap3A_673] {strides = array<i32>} : memref<2x400x64xf32, #tpu.memory_space<vmem>>, vector<1x1x16xf32>,
      %swap3A_675 = vector.shape_cast %swap3A_674 : vector<1x1x16xf32> to vector<16xf32>
      %swap3A_676 = vector.shape_cast %get3A_669 : vector<16xf32> to vector<1x1x16xf32>
      tpu.vector_store %arg7[%swap3A_671, %swap3A_672, %swap3A_673], %swap3A_676 {add = true, strides = array<i32>} : memref<2x400x64xf32, #tpu.memory_space<vmem>>, vector<1x1x16xf32>,
      %add3A_677 = arith.constant 200 : i32
      %add3A_678 = arith.addi %add3A_677, %scan3A_585 : i32
      %get3A_679 = arith.index_cast %scan3A_585 : i32 to index
      %get3A_680 = arith.constant 48 : index
      %get3A_681 = tpu.vector_load %arg8[%get3A_679, %get3A_680] {strides = array<i32>} : memref<200x64xf32, #tpu.memory_space<vmem>>, vector<1x16xf32>,
      %get3A_682 = vector.shape_cast %get3A_681 : vector<1x16xf32> to vector<16xf32>
      %swap3A_683 = arith.constant 0 : i32
      %swap3A_684 = arith.index_cast %swap3A_683 : i32 to index
      %swap3A_685 = arith.index_cast %add3A_678 : i32 to index
      %swap3A_686 = arith.constant 48 : index
      %swap3A_687 = tpu.vector_load %arg7[%swap3A_684, %swap3A_685, %swap3A_686] {strides = array<i32>} : memref<2x400x64xf32, #tpu.memory_space<vmem>>, vector<1x1x16xf32>,
      %swap3A_688 = vector.shape_cast %swap3A_687 : vector<1x1x16xf32> to vector<16xf32>
      %swap3A_689 = vector.shape_cast %get3A_682 : vector<16xf32> to vector<1x1x16xf32>
      tpu.vector_store %arg7[%swap3A_684, %swap3A_685, %swap3A_686], %swap3A_689 {add = true, strides = array<i32>} : memref<2x400x64xf32, #tpu.memory_space<vmem>>, vector<1x1x16xf32>,
    }
    %scan3A_150 = arith.constant 200 : i32
    %add3A_151 = arith.constant 0 : i32
    %add3A_152 = arith.addi %mul3A_2, %add3A_151 : i32
    %dma_start3A_153 = arith.constant 0 : i32
    %dma_start3A_154 = arith.constant 0 : i32
    %dma_start3A_155 = arith.constant 0 : i32
    %dma_start3A_156 = tpu.memref_slice %arg7[%dma_start3A_153, %dma_start3A_154, %dma_start3A_155] : memref<2x400x64xf32, #tpu.memory_space<vmem>> -> memref<1x400x64xf32, #tpu.memory_space<vmem>>
    %dma_start3A_157 = tpu.memref_squeeze %dma_start3A_156 : memref<1x400x64xf32, #tpu.memory_space<vmem>> -> memref<400x64xf32, #tpu.memory_space<vmem>>
    %dma_start3A_158 = arith.constant 0 : i32
    %dma_start3A_159 = tpu.memref_slice %arg5[%add3A_152, %dma_start3A_158] : memref<819200x64xf32, #tpu.memory_space<hbm>> -> memref<400x64xf32, #tpu.memory_space<hbm>>
    %dma_start3A_160 = arith.constant 0 : i32
    %dma_start3A_161 = tpu.memref_slice %arg5[%add3A_152, %dma_start3A_160] : memref<819200x64xf32, #tpu.memory_space<hbm>> -> memref<400x64xf32, #tpu.memory_space<hbm>>
    %dma_start3A_162 = arith.constant 0 : i32
    %dma_start3A_163 = arith.constant 0 : i32
    %dma_start3A_164 = tpu.memref_slice %arg7[%dma_start3A_153, %dma_start3A_162, %dma_start3A_163] : memref<2x400x64xf32, #tpu.memory_space<vmem>> -> memref<1x400x64xf32, #tpu.memory_space<vmem>>
    %dma_start3A_165 = tpu.memref_squeeze %dma_start3A_164 : memref<1x400x64xf32, #tpu.memory_space<vmem>> -> memref<400x64xf32, #tpu.memory_space<vmem>>
    tpu.enqueue_dma source(%dma_start3A_165 : memref<400x64xf32, #tpu.memory_space<vmem>>) target(%dma_start3A_161 : memref<400x64xf32, #tpu.memory_space<hbm>>) target_semaphore(%arg11 : memref<!tpu.dma_semaphore, #tpu.memory_space<semaphore_mem>>)
    %scan3A_166 = arith.constant 0 : i32
    %scan3A_167 = arith.constant 31 : i32
    %scan3A_168 = arith.addi %scan3A_166, %scan3A_167 : i32
    %scan3A_169 = arith.constant 1 : i32
    scf.for %scan3A_269 = %scan3A_166 to %scan3A_168 step %scan3A_169  : i32 {
      %mul3A_270 = arith.constant 2 : i32
      %mul3A_271 = arith.muli %mul3A_270, %scan3A_269 : i32
      %add3A_272 = arith.constant 1 : i32
      %add3A_273 = arith.addi %mul3A_271, %add3A_272 : i32
      %mul3A_274 = arith.constant 4 : i32
      %mul3A_275 = arith.muli %add3A_273, %mul3A_274 : i32
      %add3A_276 = arith.constant 0 : i32
      %add3A_277 = arith.addi %mul3A_275, %add3A_276 : i32
      %dma_wait3A_278 = arith.constant 1 : i32
      %dma_wait3A_279 = arith.constant 0 : i32
      %dma_wait3A_280 = arith.constant 0 : i32
      %dma_wait3A_281 = tpu.memref_slice %arg7[%dma_wait3A_278, %dma_wait3A_279, %dma_wait3A_280] : memref<2x400x64xf32, #tpu.memory_space<vmem>> -> memref<1x100x64xf32, #tpu.memory_space<vmem>>
      %dma_wait3A_282 = tpu.memref_squeeze %dma_wait3A_281 : memref<1x100x64xf32, #tpu.memory_space<vmem>> -> memref<100x64xf32, #tpu.memory_space<vmem>>
      %dma_wait3A_283 = arith.constant 0 : i32
      %dma_wait3A_284 = tpu.memref_slice %arg6[%add3A_277, %dma_wait3A_283] : memref<256x100xi32, #tpu.memory_space<vmem>> -> memref<1x100xi32, #tpu.memory_space<vmem>>
      %dma_wait3A_285 = tpu.memref_squeeze %dma_wait3A_284 : memref<1x100xi32, #tpu.memory_space<vmem>> -> memref<100xi32, #tpu.memory_space<vmem>>
      %dma_wait3A_286 = arith.constant 0 : i32
      %dma_wait3A_287 = arith.constant 0 : i32
      %dma_wait3A_288 = tpu.memref_slice %arg2[%dma_wait3A_286, %dma_wait3A_287] : memref<1000000x64xf32, #tpu.memory_space<hbm>> -> memref<1000000x64xf32, #tpu.memory_space<hbm>>
      tpu.wait_indirect_dma semaphore(%arg10 : memref<!tpu.dma_semaphore, #tpu.memory_space<semaphore_mem>>) src(%dma_wait3A_288 : memref<1000000x64xf32, #tpu.memory_space<hbm>>) dst(%dma_wait3A_282 : memref<100x64xf32, #tpu.memory_space<vmem>>)
      %mul3A_289 = arith.constant 4 : i32
      %mul3A_290 = arith.muli %add3A_273, %mul3A_289 : i32
      %add3A_291 = arith.constant 1 : i32
      %add3A_292 = arith.addi %mul3A_290, %add3A_291 : i32
      %dma_wait3A_293 = arith.constant 1 : i32
      %dma_wait3A_294 = arith.constant 100 : i32
      %dma_wait3A_295 = arith.constant 0 : i32
      %dma_wait3A_296 = tpu.memref_slice %arg7[%dma_wait3A_293, %dma_wait3A_294, %dma_wait3A_295] : memref<2x400x64xf32, #tpu.memory_space<vmem>> -> memref<1x100x64xf32, #tpu.memory_space<vmem>>
      %dma_wait3A_297 = tpu.memref_squeeze %dma_wait3A_296 : memref<1x100x64xf32, #tpu.memory_space<vmem>> -> memref<100x64xf32, #tpu.memory_space<vmem>>
      %dma_wait3A_298 = arith.constant 0 : i32
      %dma_wait3A_299 = tpu.memref_slice %arg6[%add3A_292, %dma_wait3A_298] : memref<256x100xi32, #tpu.memory_space<vmem>> -> memref<1x100xi32, #tpu.memory_space<vmem>>
      %dma_wait3A_300 = tpu.memref_squeeze %dma_wait3A_299 : memref<1x100xi32, #tpu.memory_space<vmem>> -> memref<100xi32, #tpu.memory_space<vmem>>
      %dma_wait3A_301 = arith.constant 0 : i32
      %dma_wait3A_302 = arith.constant 0 : i32
      %dma_wait3A_303 = tpu.memref_slice %arg2[%dma_wait3A_301, %dma_wait3A_302] : memref<1000000x64xf32, #tpu.memory_space<hbm>> -> memref<1000000x64xf32, #tpu.memory_space<hbm>>
      tpu.wait_indirect_dma semaphore(%arg10 : memref<!tpu.dma_semaphore, #tpu.memory_space<semaphore_mem>>) src(%dma_wait3A_303 : memref<1000000x64xf32, #tpu.memory_space<hbm>>) dst(%dma_wait3A_297 : memref<100x64xf32, #tpu.memory_space<vmem>>)
      %mul3A_304 = arith.constant 4 : i32
      %mul3A_305 = arith.muli %add3A_273, %mul3A_304 : i32
      %add3A_306 = arith.constant 2 : i32
      %add3A_307 = arith.addi %mul3A_305, %add3A_306 : i32
      %dma_wait3A_308 = arith.constant 1 : i32
      %dma_wait3A_309 = arith.constant 200 : i32
      %dma_wait3A_310 = arith.constant 0 : i32
      %dma_wait3A_311 = tpu.memref_slice %arg7[%dma_wait3A_308, %dma_wait3A_309, %dma_wait3A_310] : memref<2x400x64xf32, #tpu.memory_space<vmem>> -> memref<1x100x64xf32, #tpu.memory_space<vmem>>
      %dma_wait3A_312 = tpu.memref_squeeze %dma_wait3A_311 : memref<1x100x64xf32, #tpu.memory_space<vmem>> -> memref<100x64xf32, #tpu.memory_space<vmem>>
      %dma_wait3A_313 = arith.constant 0 : i32
      %dma_wait3A_314 = tpu.memref_slice %arg6[%add3A_307, %dma_wait3A_313] : memref<256x100xi32, #tpu.memory_space<vmem>> -> memref<1x100xi32, #tpu.memory_space<vmem>>
      %dma_wait3A_315 = tpu.memref_squeeze %dma_wait3A_314 : memref<1x100xi32, #tpu.memory_space<vmem>> -> memref<100xi32, #tpu.memory_space<vmem>>
      %dma_wait3A_316 = arith.constant 0 : i32
      %dma_wait3A_317 = arith.constant 0 : i32
      %dma_wait3A_318 = tpu.memref_slice %arg2[%dma_wait3A_316, %dma_wait3A_317] : memref<1000000x64xf32, #tpu.memory_space<hbm>> -> memref<1000000x64xf32, #tpu.memory_space<hbm>>
      tpu.wait_indirect_dma semaphore(%arg10 : memref<!tpu.dma_semaphore, #tpu.memory_space<semaphore_mem>>) src(%dma_wait3A_318 : memref<1000000x64xf32, #tpu.memory_space<hbm>>) dst(%dma_wait3A_312 : memref<100x64xf32, #tpu.memory_space<vmem>>)
      %mul3A_319 = arith.constant 4 : i32
      %mul3A_320 = arith.muli %add3A_273, %mul3A_319 : i32
      %add3A_321 = arith.constant 3 : i32
      %add3A_322 = arith.addi %mul3A_320, %add3A_321 : i32
      %dma_wait3A_323 = arith.constant 1 : i32
      %dma_wait3A_324 = arith.constant 300 : i32
      %dma_wait3A_325 = arith.constant 0 : i32
      %dma_wait3A_326 = tpu.memref_slice %arg7[%dma_wait3A_323, %dma_wait3A_324, %dma_wait3A_325] : memref<2x400x64xf32, #tpu.memory_space<vmem>> -> memref<1x100x64xf32, #tpu.memory_space<vmem>>
      %dma_wait3A_327 = tpu.memref_squeeze %dma_wait3A_326 : memref<1x100x64xf32, #tpu.memory_space<vmem>> -> memref<100x64xf32, #tpu.memory_space<vmem>>
      %dma_wait3A_328 = arith.constant 0 : i32
      %dma_wait3A_329 = tpu.memref_slice %arg6[%add3A_322, %dma_wait3A_328] : memref<256x100xi32, #tpu.memory_space<vmem>> -> memref<1x100xi32, #tpu.memory_space<vmem>>
      %dma_wait3A_330 = tpu.memref_squeeze %dma_wait3A_329 : memref<1x100xi32, #tpu.memory_space<vmem>> -> memref<100xi32, #tpu.memory_space<vmem>>
      %dma_wait3A_331 = arith.constant 0 : i32
      %dma_wait3A_332 = arith.constant 0 : i32
      %dma_wait3A_333 = tpu.memref_slice %arg2[%dma_wait3A_331, %dma_wait3A_332] : memref<1000000x64xf32, #tpu.memory_space<hbm>> -> memref<1000000x64xf32, #tpu.memory_space<hbm>>
      tpu.wait_indirect_dma semaphore(%arg10 : memref<!tpu.dma_semaphore, #tpu.memory_space<semaphore_mem>>) src(%dma_wait3A_333 : memref<1000000x64xf32, #tpu.memory_space<hbm>>) dst(%dma_wait3A_327 : memref<100x64xf32, #tpu.memory_space<vmem>>)
      %scan3A_334 = arith.constant 0 : i32
      %scan3A_335 = arith.constant 200 : i32
      %scan3A_336 = arith.addi %scan3A_334, %scan3A_335 : i32
      %scan3A_337 = arith.constant 4 : i32
      scf.for %scan3A_599 = %scan3A_334 to %scan3A_336 step %scan3A_337  : i32 {
        %add3A_600 = arith.constant 0 : i32
        %add3A_601 = arith.addi %add3A_600, %scan3A_599 : i32
        %get3A = arith.index_cast %scan3A_599 : i32 to index
        %get3A_602 = arith.constant 0 : index
        %get3A_603 = tpu.vector_load %arg8[%get3A, %get3A_602] {strides = array<i32>} : memref<200x64xf32, #tpu.memory_space<vmem>>, vector<1x16xf32>,
        %get3A_604 = vector.shape_cast %get3A_603 : vector<1x16xf32> to vector<16xf32>
        %swap3A = arith.constant 1 : i32
        %swap3A_605 = arith.index_cast %swap3A : i32 to index
        %swap3A_606 = arith.index_cast %add3A_601 : i32 to index
        %swap3A_607 = arith.constant 0 : index
        %swap3A_608 = tpu.vector_load %arg7[%swap3A_605, %swap3A_606, %swap3A_607] {strides = array<i32>} : memref<2x400x64xf32, #tpu.memory_space<vmem>>, vector<1x1x16xf32>,
        %swap3A_609 = vector.shape_cast %swap3A_608 : vector<1x1x16xf32> to vector<16xf32>
        %swap3A_610 = vector.shape_cast %get3A_604 : vector<16xf32> to vector<1x1x16xf32>
        tpu.vector_store %arg7[%swap3A_605, %swap3A_606, %swap3A_607], %swap3A_610 {add = true, strides = array<i32>} : memref<2x400x64xf32, #tpu.memory_space<vmem>>, vector<1x1x16xf32>,
        %add3A_611 = arith.constant 0 : i32
        %add3A_612 = arith.addi %add3A_611, %scan3A_599 : i32
        %get3A_613 = arith.index_cast %scan3A_599 : i32 to index
        %get3A_614 = arith.constant 16 : index
        %get3A_615 = tpu.vector_load %arg8[%get3A_613, %get3A_614] {strides = array<i32>} : memref<200x64xf32, #tpu.memory_space<vmem>>, vector<1x16xf32>,
        %get3A_616 = vector.shape_cast %get3A_615 : vector<1x16xf32> to vector<16xf32>
        %swap3A_617 = arith.constant 1 : i32
        %swap3A_618 = arith.index_cast %swap3A_617 : i32 to index
        %swap3A_619 = arith.index_cast %add3A_612 : i32 to index
        %swap3A_620 = arith.constant 16 : index
        %swap3A_621 = tpu.vector_load %arg7[%swap3A_618, %swap3A_619, %swap3A_620] {strides = array<i32>} : memref<2x400x64xf32, #tpu.memory_space<vmem>>, vector<1x1x16xf32>,
        %swap3A_622 = vector.shape_cast %swap3A_621 : vector<1x1x16xf32> to vector<16xf32>
        %swap3A_623 = vector.shape_cast %get3A_616 : vector<16xf32> to vector<1x1x16xf32>
        tpu.vector_store %arg7[%swap3A_618, %swap3A_619, %swap3A_620], %swap3A_623 {add = true, strides = array<i32>} : memref<2x400x64xf32, #tpu.memory_space<vmem>>, vector<1x1x16xf32>,
        %add3A_624 = arith.constant 0 : i32
        %add3A_625 = arith.addi %add3A_624, %scan3A_599 : i32
        %get3A_626 = arith.index_cast %scan3A_599 : i32 to index
        %get3A_627 = arith.constant 32 : index
        %get3A_628 = tpu.vector_load %arg8[%get3A_626, %get3A_627] {strides = array<i32>} : memref<200x64xf32, #tpu.memory_space<vmem>>, vector<1x16xf32>,
        %get3A_629 = vector.shape_cast %get3A_628 : vector<1x16xf32> to vector<16xf32>
        %swap3A_630 = arith.constant 1 : i32
        %swap3A_631 = arith.index_cast %swap3A_630 : i32 to index
        %swap3A_632 = arith.index_cast %add3A_625 : i32 to index
        %swap3A_633 = arith.constant 32 : index
        %swap3A_634 = tpu.vector_load %arg7[%swap3A_631, %swap3A_632, %swap3A_633] {strides = array<i32>} : memref<2x400x64xf32, #tpu.memory_space<vmem>>, vector<1x1x16xf32>,
        %swap3A_635 = vector.shape_cast %swap3A_634 : vector<1x1x16xf32> to vector<16xf32>
        %swap3A_636 = vector.shape_cast %get3A_629 : vector<16xf32> to vector<1x1x16xf32>
        tpu.vector_store %arg7[%swap3A_631, %swap3A_632, %swap3A_633], %swap3A_636 {add = true, strides = array<i32>} : memref<2x400x64xf32, #tpu.memory_space<vmem>>, vector<1x1x16xf32>,
        %add3A_637 = arith.constant 0 : i32
        %add3A_638 = arith.addi %add3A_637, %scan3A_599 : i32
        %get3A_639 = arith.index_cast %scan3A_599 : i32 to index
        %get3A_640 = arith.constant 48 : index
        %get3A_641 = tpu.vector_load %arg8[%get3A_639, %get3A_640] {strides = array<i32>} : memref<200x64xf32, #tpu.memory_space<vmem>>, vector<1x16xf32>,
        %get3A_642 = vector.shape_cast %get3A_641 : vector<1x16xf32> to vector<16xf32>
        %swap3A_643 = arith.constant 1 : i32
        %swap3A_644 = arith.index_cast %swap3A_643 : i32 to index
        %swap3A_645 = arith.index_cast %add3A_638 : i32 to index
        %swap3A_646 = arith.constant 48 : index
        %swap3A_647 = tpu.vector_load %arg7[%swap3A_644, %swap3A_645, %swap3A_646] {strides = array<i32>} : memref<2x400x64xf32, #tpu.memory_space<vmem>>, vector<1x1x16xf32>,
        %swap3A_648 = vector.shape_cast %swap3A_647 : vector<1x1x16xf32> to vector<16xf32>
        %swap3A_649 = vector.shape_cast %get3A_642 : vector<16xf32> to vector<1x1x16xf32>
        tpu.vector_store %arg7[%swap3A_644, %swap3A_645, %swap3A_646], %swap3A_649 {add = true, strides = array<i32>} : memref<2x400x64xf32, #tpu.memory_space<vmem>>, vector<1x1x16xf32>,
        %add3A_650 = arith.constant 200 : i32
        %add3A_651 = arith.addi %add3A_650, %scan3A_599 : i32
        %get3A_652 = arith.index_cast %scan3A_599 : i32 to index
        %get3A_653 = arith.constant 0 : index
        %get3A_654 = tpu.vector_load %arg8[%get3A_652, %get3A_653] {strides = array<i32>} : memref<200x64xf32, #tpu.memory_space<vmem>>, vector<1x16xf32>,
        %get3A_655 = vector.shape_cast %get3A_654 : vector<1x16xf32> to vector<16xf32>
        %swap3A_656 = arith.constant 1 : i32
        %swap3A_657 = arith.index_cast %swap3A_656 : i32 to index
        %swap3A_658 = arith.index_cast %add3A_651 : i32 to index
        %swap3A_659 = arith.constant 0 : index
        %swap3A_660 = tpu.vector_load %arg7[%swap3A_657, %swap3A_658, %swap3A_659] {strides = array<i32>} : memref<2x400x64xf32, #tpu.memory_space<vmem>>, vector<1x1x16xf32>,
        %swap3A_661 = vector.shape_cast %swap3A_660 : vector<1x1x16xf32> to vector<16xf32>
        %swap3A_662 = vector.shape_cast %get3A_655 : vector<16xf32> to vector<1x1x16xf32>
        tpu.vector_store %arg7[%swap3A_657, %swap3A_658, %swap3A_659], %swap3A_662 {add = true, strides = array<i32>} : memref<2x400x64xf32, #tpu.memory_space<vmem>>, vector<1x1x16xf32>,
        %add3A_663 = arith.constant 200 : i32
        %add3A_664 = arith.addi %add3A_663, %scan3A_599 : i32
        %get3A_665 = arith.index_cast %scan3A_599 : i32 to index
        %get3A_666 = arith.constant 16 : index
        %get3A_667 = tpu.vector_load %arg8[%get3A_665, %get3A_666] {strides = array<i32>} : memref<200x64xf32, #tpu.memory_space<vmem>>, vector<1x16xf32>,
        %get3A_668 = vector.shape_cast %get3A_667 : vector<1x16xf32> to vector<16xf32>
        %swap3A_669 = arith.constant 1 : i32
        %swap3A_670 = arith.index_cast %swap3A_669 : i32 to index
        %swap3A_671 = arith.index_cast %add3A_664 : i32 to index
        %swap3A_672 = arith.constant 16 : index
        %swap3A_673 = tpu.vector_load %arg7[%swap3A_670, %swap3A_671, %swap3A_672] {strides = array<i32>} : memref<2x400x64xf32, #tpu.memory_space<vmem>>, vector<1x1x16xf32>,
        %swap3A_674 = vector.shape_cast %swap3A_673 : vector<1x1x16xf32> to vector<16xf32>
        %swap3A_675 = vector.shape_cast %get3A_668 : vector<16xf32> to vector<1x1x16xf32>
        tpu.vector_store %arg7[%swap3A_670, %swap3A_671, %swap3A_672], %swap3A_675 {add = true, strides = array<i32>} : memref<2x400x64xf32, #tpu.memory_space<vmem>>, vector<1x1x16xf32>,
        %add3A_676 = arith.constant 200 : i32
        %add3A_677 = arith.addi %add3A_676, %scan3A_599 : i32
        %get3A_678 = arith.index_cast %scan3A_599 : i32 to index
        %get3A_679 = arith.constant 32 : index
        %get3A_680 = tpu.vector_load %arg8[%get3A_678, %get3A_679] {strides = array<i32>} : memref<200x64xf32, #tpu.memory_space<vmem>>, vector<1x16xf32>,
        %get3A_681 = vector.shape_cast %get3A_680 : vector<1x16xf32> to vector<16xf32>
        %swap3A_682 = arith.constant 1 : i32
        %swap3A_683 = arith.index_cast %swap3A_682 : i32 to index
        %swap3A_684 = arith.index_cast %add3A_677 : i32 to index
        %swap3A_685 = arith.constant 32 : index
        %swap3A_686 = tpu.vector_load %arg7[%swap3A_683, %swap3A_684, %swap3A_685] {strides = array<i32>} : memref<2x400x64xf32, #tpu.memory_space<vmem>>, vector<1x1x16xf32>,
        %swap3A_687 = vector.shape_cast %swap3A_686 : vector<1x1x16xf32> to vector<16xf32>
        %swap3A_688 = vector.shape_cast %get3A_681 : vector<16xf32> to vector<1x1x16xf32>
        tpu.vector_store %arg7[%swap3A_683, %swap3A_684, %swap3A_685], %swap3A_688 {add = true, strides = array<i32>} : memref<2x400x64xf32, #tpu.memory_space<vmem>>, vector<1x1x16xf32>,
        %add3A_689 = arith.constant 200 : i32
        %add3A_690 = arith.addi %add3A_689, %scan3A_599 : i32
        %get3A_691 = arith.index_cast %scan3A_599 : i32 to index
        %get3A_692 = arith.constant 48 : index
        %get3A_693 = tpu.vector_load %arg8[%get3A_691, %get3A_692] {strides = array<i32>} : memref<200x64xf32, #tpu.memory_space<vmem>>, vector<1x16xf32>,
        %get3A_694 = vector.shape_cast %get3A_693 : vector<1x16xf32> to vector<16xf32>
        %swap3A_695 = arith.constant 1 : i32
        %swap3A_696 = arith.index_cast %swap3A_695 : i32 to index
        %swap3A_697 = arith.index_cast %add3A_690 : i32 to index
        %swap3A_698 = arith.constant 48 : index
        %swap3A_699 = tpu.vector_load %arg7[%swap3A_696, %swap3A_697, %swap3A_698] {strides = array<i32>} : memref<2x400x64xf32, #tpu.memory_space<vmem>>, vector<1x1x16xf32>,
        %swap3A_700 = vector.shape_cast %swap3A_699 : vector<1x1x16xf32> to vector<16xf32>
        %swap3A_701 = vector.shape_cast %get3A_694 : vector<16xf32> to vector<1x1x16xf32>
        tpu.vector_store %arg7[%swap3A_696, %swap3A_697, %swap3A_698], %swap3A_701 {add = true, strides = array<i32>} : memref<2x400x64xf32, #tpu.memory_space<vmem>>, vector<1x1x16xf32>,
        %scan3A_702 = arith.constant 1 : i32
        %scan3A_703 = arith.addi %scan3A_599, %scan3A_702 : i32
        %add3A_704 = arith.constant 0 : i32
        %add3A_705 = arith.addi %add3A_704, %scan3A_703 : i32
        %get3A_706 = arith.index_cast %scan3A_703 : i32 to index
        %get3A_707 = arith.constant 0 : index
        %get3A_708 = tpu.vector_load %arg8[%get3A_706, %get3A_707] {strides = array<i32>} : memref<200x64xf32, #tpu.memory_space<vmem>>, vector<1x16xf32>,
        %get3A_709 = vector.shape_cast %get3A_708 : vector<1x16xf32> to vector<16xf32>
        %swap3A_710 = arith.constant 1 : i32
        %swap3A_711 = arith.index_cast %swap3A_710 : i32 to index
        %swap3A_712 = arith.index_cast %add3A_705 : i32 to index
        %swap3A_713 = arith.constant 0 : index
        %swap3A_714 = tpu.vector_load %arg7[%swap3A_711, %swap3A_712, %swap3A_713] {strides = array<i32>} : memref<2x400x64xf32, #tpu.memory_space<vmem>>, vector<1x1x16xf32>,
        %swap3A_715 = vector.shape_cast %swap3A_714 : vector<1x1x16xf32> to vector<16xf32>
        %swap3A_716 = vector.shape_cast %get3A_709 : vector<16xf32> to vector<1x1x16xf32>
        tpu.vector_store %arg7[%swap3A_711, %swap3A_712, %swap3A_713], %swap3A_716 {add = true, strides = array<i32>} : memref<2x400x64xf32, #tpu.memory_space<vmem>>, vector<1x1x16xf32>,
        %add3A_717 = arith.constant 0 : i32
        %add3A_718 = arith.addi %add3A_717, %scan3A_703 : i32
        %get3A_719 = arith.index_cast %scan3A_703 : i32 to index
        %get3A_720 = arith.constant 16 : index
        %get3A_721 = tpu.vector_load %arg8[%get3A_719, %get3A_720] {strides = array<i32>} : memref<200x64xf32, #tpu.memory_space<vmem>>, vector<1x16xf32>,
        %get3A_722 = vector.shape_cast %get3A_721 : vector<1x16xf32> to vector<16xf32>
        %swap3A_723 = arith.constant 1 : i32
        %swap3A_724 = arith.index_cast %swap3A_723 : i32 to index
        %swap3A_725 = arith.index_cast %add3A_718 : i32 to index
        %swap3A_726 = arith.constant 16 : index
        %swap3A_727 = tpu.vector_load %arg7[%swap3A_724, %swap3A_725, %swap3A_726] {strides = array<i32>} : memref<2x400x64xf32, #tpu.memory_space<vmem>>, vector<1x1x16xf32>,
        %swap3A_728 = vector.shape_cast %swap3A_727 : vector<1x1x16xf32> to vector<16xf32>
        %swap3A_729 = vector.shape_cast %get3A_722 : vector<16xf32> to vector<1x1x16xf32>
        tpu.vector_store %arg7[%swap3A_724, %swap3A_725, %swap3A_726], %swap3A_729 {add = true, strides = array<i32>} : memref<2x400x64xf32, #tpu.memory_space<vmem>>, vector<1x1x16xf32>,
        %add3A_730 = arith.constant 0 : i32
        %add3A_731 = arith.addi %add3A_730, %scan3A_703 : i32
        %get3A_732 = arith.index_cast %scan3A_703 : i32 to index
        %get3A_733 = arith.constant 32 : index
        %get3A_734 = tpu.vector_load %arg8[%get3A_732, %get3A_733] {strides = array<i32>} : memref<200x64xf32, #tpu.memory_space<vmem>>, vector<1x16xf32>,
        %get3A_735 = vector.shape_cast %get3A_734 : vector<1x16xf32> to vector<16xf32>
        %swap3A_736 = arith.constant 1 : i32
        %swap3A_737 = arith.index_cast %swap3A_736 : i32 to index
        %swap3A_738 = arith.index_cast %add3A_731 : i32 to index
        %swap3A_739 = arith.constant 32 : index
        %swap3A_740 = tpu.vector_load %arg7[%swap3A_737, %swap3A_738, %swap3A_739] {strides = array<i32>} : memref<2x400x64xf32, #tpu.memory_space<vmem>>, vector<1x1x16xf32>,
        %swap3A_741 = vector.shape_cast %swap3A_740 : vector<1x1x16xf32> to vector<16xf32>
        %swap3A_742 = vector.shape_cast %get3A_735 : vector<16xf32> to vector<1x1x16xf32>
        tpu.vector_store %arg7[%swap3A_737, %swap3A_738, %swap3A_739], %swap3A_742 {add = true, strides = array<i32>} : memref<2x400x64xf32, #tpu.memory_space<vmem>>, vector<1x1x16xf32>,
        %add3A_743 = arith.constant 0 : i32
        %add3A_744 = arith.addi %add3A_743, %scan3A_703 : i32
        %get3A_745 = arith.index_cast %scan3A_703 : i32 to index
        %get3A_746 = arith.constant 48 : index
        %get3A_747 = tpu.vector_load %arg8[%get3A_745, %get3A_746] {strides = array<i32>} : memref<200x64xf32, #tpu.memory_space<vmem>>, vector<1x16xf32>,
        %get3A_748 = vector.shape_cast %get3A_747 : vector<1x16xf32> to vector<16xf32>
        %swap3A_749 = arith.constant 1 : i32
        %swap3A_750 = arith.index_cast %swap3A_749 : i32 to index
        %swap3A_751 = arith.index_cast %add3A_744 : i32 to index
        %swap3A_752 = arith.constant 48 : index
        %swap3A_753 = tpu.vector_load %arg7[%swap3A_750, %swap3A_751, %swap3A_752] {strides = array<i32>} : memref<2x400x64xf32, #tpu.memory_space<vmem>>, vector<1x1x16xf32>,
        %swap3A_754 = vector.shape_cast %swap3A_753 : vector<1x1x16xf32> to vector<16xf32>
        %swap3A_755 = vector.shape_cast %get3A_748 : vector<16xf32> to vector<1x1x16xf32>
        tpu.vector_store %arg7[%swap3A_750, %swap3A_751, %swap3A_752], %swap3A_755 {add = true, strides = array<i32>} : memref<2x400x64xf32, #tpu.memory_space<vmem>>, vector<1x1x16xf32>,
        %add3A_756 = arith.constant 200 : i32
        %add3A_757 = arith.addi %add3A_756, %scan3A_703 : i32
        %get3A_758 = arith.index_cast %scan3A_703 : i32 to index
        %get3A_759 = arith.constant 0 : index
        %get3A_760 = tpu.vector_load %arg8[%get3A_758, %get3A_759] {strides = array<i32>} : memref<200x64xf32, #tpu.memory_space<vmem>>, vector<1x16xf32>,
        %get3A_761 = vector.shape_cast %get3A_760 : vector<1x16xf32> to vector<16xf32>
        %swap3A_762 = arith.constant 1 : i32
        %swap3A_763 = arith.index_cast %swap3A_762 : i32 to index
        %swap3A_764 = arith.index_cast %add3A_757 : i32 to index
        %swap3A_765 = arith.constant 0 : index
        %swap3A_766 = tpu.vector_load %arg7[%swap3A_763, %swap3A_764, %swap3A_765] {strides = array<i32>} : memref<2x400x64xf32, #tpu.memory_space<vmem>>, vector<1x1x16xf32>,
        %swap3A_767 = vector.shape_cast %swap3A_766 : vector<1x1x16xf32> to vector<16xf32>
        %swap3A_768 = vector.shape_cast %get3A_761 : vector<16xf32> to vector<1x1x16xf32>
        tpu.vector_store %arg7[%swap3A_763, %swap3A_764, %swap3A_765], %swap3A_768 {add = true, strides = array<i32>} : memref<2x400x64xf32, #tpu.memory_space<vmem>>, vector<1x1x16xf32>,
        %add3A_769 = arith.constant 200 : i32
        %add3A_770 = arith.addi %add3A_769, %scan3A_703 : i32
        %get3A_771 = arith.index_cast %scan3A_703 : i32 to index
        %get3A_772 = arith.constant 16 : index
        %get3A_773 = tpu.vector_load %arg8[%get3A_771, %get3A_772] {strides = array<i32>} : memref<200x64xf32, #tpu.memory_space<vmem>>, vector<1x16xf32>,
        %get3A_774 = vector.shape_cast %get3A_773 : vector<1x16xf32> to vector<16xf32>
        %swap3A_775 = arith.constant 1 : i32
        %swap3A_776 = arith.index_cast %swap3A_775 : i32 to index
        %swap3A_777 = arith.index_cast %add3A_770 : i32 to index
        %swap3A_778 = arith.constant 16 : index
        %swap3A_779 = tpu.vector_load %arg7[%swap3A_776, %swap3A_777, %swap3A_778] {strides = array<i32>} : memref<2x400x64xf32, #tpu.memory_space<vmem>>, vector<1x1x16xf32>,
        %swap3A_780 = vector.shape_cast %swap3A_779 : vector<1x1x16xf32> to vector<16xf32>
        %swap3A_781 = vector.shape_cast %get3A_774 : vector<16xf32> to vector<1x1x16xf32>
        tpu.vector_store %arg7[%swap3A_776, %swap3A_777, %swap3A_778], %swap3A_781 {add = true, strides = array<i32>} : memref<2x400x64xf32, #tpu.memory_space<vmem>>, vector<1x1x16xf32>,
        %add3A_782 = arith.constant 200 : i32
        %add3A_783 = arith.addi %add3A_782, %scan3A_703 : i32
        %get3A_784 = arith.index_cast %scan3A_703 : i32 to index
        %get3A_785 = arith.constant 32 : index
        %get3A_786 = tpu.vector_load %arg8[%get3A_784, %get3A_785] {strides = array<i32>} : memref<200x64xf32, #tpu.memory_space<vmem>>, vector<1x16xf32>,
        %get3A_787 = vector.shape_cast %get3A_786 : vector<1x16xf32> to vector<16xf32>
        %swap3A_788 = arith.constant 1 : i32
        %swap3A_789 = arith.index_cast %swap3A_788 : i32 to index
        %swap3A_790 = arith.index_cast %add3A_783 : i32 to index
        %swap3A_791 = arith.constant 32 : index
        %swap3A_792 = tpu.vector_load %arg7[%swap3A_789, %swap3A_790, %swap3A_791] {strides = array<i32>} : memref<2x400x64xf32, #tpu.memory_space<vmem>>, vector<1x1x16xf32>,
        %swap3A_793 = vector.shape_cast %swap3A_792 : vector<1x1x16xf32> to vector<16xf32>
        %swap3A_794 = vector.shape_cast %get3A_787 : vector<16xf32> to vector<1x1x16xf32>
        tpu.vector_store %arg7[%swap3A_789, %swap3A_790, %swap3A_791], %swap3A_794 {add = true, strides = array<i32>} : memref<2x400x64xf32, #tpu.memory_space<vmem>>, vector<1x1x16xf32>,
        %add3A_795 = arith.constant 200 : i32
        %add3A_796 = arith.addi %add3A_795, %scan3A_703 : i32
        %get3A_797 = arith.index_cast %scan3A_703 : i32 to index
        %get3A_798 = arith.constant 48 : index
        %get3A_799 = tpu.vector_load %arg8[%get3A_797, %get3A_798] {strides = array<i32>} : memref<200x64xf32, #tpu.memory_space<vmem>>, vector<1x16xf32>,
        %get3A_800 = vector.shape_cast %get3A_799 : vector<1x16xf32> to vector<16xf32>
        %swap3A_801 = arith.constant 1 : i32
        %swap3A_802 = arith.index_cast %swap3A_801 : i32 to index
        %swap3A_803 = arith.index_cast %add3A_796 : i32 to index
        %swap3A_804 = arith.constant 48 : index
        %swap3A_805 = tpu.vector_load %arg7[%swap3A_802, %swap3A_803, %swap3A_804] {strides = array<i32>} : memref<2x400x64xf32, #tpu.memory_space<vmem>>, vector<1x1x16xf32>,
        %swap3A_806 = vector.shape_cast %swap3A_805 : vector<1x1x16xf32> to vector<16xf32>
        %swap3A_807 = vector.shape_cast %get3A_800 : vector<16xf32> to vector<1x1x16xf32>
        tpu.vector_store %arg7[%swap3A_802, %swap3A_803, %swap3A_804], %swap3A_807 {add = true, strides = array<i32>} : memref<2x400x64xf32, #tpu.memory_space<vmem>>, vector<1x1x16xf32>,
        %scan3A_808 = arith.constant 2 : i32
        %scan3A_809 = arith.addi %scan3A_599, %scan3A_808 : i32
        %add3A_810 = arith.constant 0 : i32
        %add3A_811 = arith.addi %add3A_810, %scan3A_809 : i32
        %get3A_812 = arith.index_cast %scan3A_809 : i32 to index
        %get3A_813 = arith.constant 0 : index
        %get3A_814 = tpu.vector_load %arg8[%get3A_812, %get3A_813] {strides = array<i32>} : memref<200x64xf32, #tpu.memory_space<vmem>>, vector<1x16xf32>,
        %get3A_815 = vector.shape_cast %get3A_814 : vector<1x16xf32> to vector<16xf32>
        %swap3A_816 = arith.constant 1 : i32
        %swap3A_817 = arith.index_cast %swap3A_816 : i32 to index
        %swap3A_818 = arith.index_cast %add3A_811 : i32 to index
        %swap3A_819 = arith.constant 0 : index
        %swap3A_820 = tpu.vector_load %arg7[%swap3A_817, %swap3A_818, %swap3A_819] {strides = array<i32>} : memref<2x400x64xf32, #tpu.memory_space<vmem>>, vector<1x1x16xf32>,
        %swap3A_821 = vector.shape_cast %swap3A_820 : vector<1x1x16xf32> to vector<16xf32>
        %swap3A_822 = vector.shape_cast %get3A_815 : vector<16xf32> to vector<1x1x16xf32>
        tpu.vector_store %arg7[%swap3A_817, %swap3A_818, %swap3A_819], %swap3A_822 {add = true, strides = array<i32>} : memref<2x400x64xf32, #tpu.memory_space<vmem>>, vector<1x1x16xf32>,
        %add3A_823 = arith.constant 0 : i32
        %add3A_824 = arith.addi %add3A_823, %scan3A_809 : i32
        %get3A_825 = arith.index_cast %scan3A_809 : i32 to index
        %get3A_826 = arith.constant 16 : index
        %get3A_827 = tpu.vector_load %arg8[%get3A_825, %get3A_826] {strides = array<i32>} : memref<200x64xf32, #tpu.memory_space<vmem>>, vector<1x16xf32>,
        %get3A_828 = vector.shape_cast %get3A_827 : vector<1x16xf32> to vector<16xf32>
        %swap3A_829 = arith.constant 1 : i32
        %swap3A_830 = arith.index_cast %swap3A_829 : i32 to index
        %swap3A_831 = arith.index_cast %add3A_824 : i32 to index
        %swap3A_832 = arith.constant 16 : index
        %swap3A_833 = tpu.vector_load %arg7[%swap3A_830, %swap3A_831, %swap3A_832] {strides = array<i32>} : memref<2x400x64xf32, #tpu.memory_space<vmem>>, vector<1x1x16xf32>,
        %swap3A_834 = vector.shape_cast %swap3A_833 : vector<1x1x16xf32> to vector<16xf32>
        %swap3A_835 = vector.shape_cast %get3A_828 : vector<16xf32> to vector<1x1x16xf32>
        tpu.vector_store %arg7[%swap3A_830, %swap3A_831, %swap3A_832], %swap3A_835 {add = true, strides = array<i32>} : memref<2x400x64xf32, #tpu.memory_space<vmem>>, vector<1x1x16xf32>,
        %add3A_836 = arith.constant 0 : i32
        %add3A_837 = arith.addi %add3A_836, %scan3A_809 : i32
        %get3A_838 = arith.index_cast %scan3A_809 : i32 to index
        %get3A_839 = arith.constant 32 : index
        %get3A_840 = tpu.vector_load %arg8[%get3A_838, %get3A_839] {strides = array<i32>} : memref<200x64xf32, #tpu.memory_space<vmem>>, vector<1x16xf32>,
        %get3A_841 = vector.shape_cast %get3A_840 : vector<1x16xf32> to vector<16xf32>
        %swap3A_842 = arith.constant 1 : i32
        %swap3A_843 = arith.index_cast %swap3A_842 : i32 to index
        %swap3A_844 = arith.index_cast %add3A_837 : i32 to index
        %swap3A_845 = arith.constant 32 : index
        %swap3A_846 = tpu.vector_load %arg7[%swap3A_843, %swap3A_844, %swap3A_845] {strides = array<i32>} : memref<2x400x64xf32, #tpu.memory_space<vmem>>, vector<1x1x16xf32>,
        %swap3A_847 = vector.shape_cast %swap3A_846 : vector<1x1x16xf32> to vector<16xf32>
        %swap3A_848 = vector.shape_cast %get3A_841 : vector<16xf32> to vector<1x1x16xf32>
        tpu.vector_store %arg7[%swap3A_843, %swap3A_844, %swap3A_845], %swap3A_848 {add = true, strides = array<i32>} : memref<2x400x64xf32, #tpu.memory_space<vmem>>, vector<1x1x16xf32>,
        %add3A_849 = arith.constant 0 : i32
        %add3A_850 = arith.addi %add3A_849, %scan3A_809 : i32
        %get3A_851 = arith.index_cast %scan3A_809 : i32 to index
        %get3A_852 = arith.constant 48 : index
        %get3A_853 = tpu.vector_load %arg8[%get3A_851, %get3A_852] {strides = array<i32>} : memref<200x64xf32, #tpu.memory_space<vmem>>, vector<1x16xf32>,
        %get3A_854 = vector.shape_cast %get3A_853 : vector<1x16xf32> to vector<16xf32>
        %swap3A_855 = arith.constant 1 : i32
        %swap3A_856 = arith.index_cast %swap3A_855 : i32 to index
        %swap3A_857 = arith.index_cast %add3A_850 : i32 to index
        %swap3A_858 = arith.constant 48 : index
        %swap3A_859 = tpu.vector_load %arg7[%swap3A_856, %swap3A_857, %swap3A_858] {strides = array<i32>} : memref<2x400x64xf32, #tpu.memory_space<vmem>>, vector<1x1x16xf32>,
        %swap3A_860 = vector.shape_cast %swap3A_859 : vector<1x1x16xf32> to vector<16xf32>
        %swap3A_861 = vector.shape_cast %get3A_854 : vector<16xf32> to vector<1x1x16xf32>
        tpu.vector_store %arg7[%swap3A_856, %swap3A_857, %swap3A_858], %swap3A_861 {add = true, strides = array<i32>} : memref<2x400x64xf32, #tpu.memory_space<vmem>>, vector<1x1x16xf32>,
        %add3A_862 = arith.constant 200 : i32
        %add3A_863 = arith.addi %add3A_862, %scan3A_809 : i32
        %get3A_864 = arith.index_cast %scan3A_809 : i32 to index
        %get3A_865 = arith.constant 0 : index
        %get3A_866 = tpu.vector_load %arg8[%get3A_864, %get3A_865] {strides = array<i32>} : memref<200x64xf32, #tpu.memory_space<vmem>>, vector<1x16xf32>,
        %get3A_867 = vector.shape_cast %get3A_866 : vector<1x16xf32> to vector<16xf32>
        %swap3A_868 = arith.constant 1 : i32
        %swap3A_869 = arith.index_cast %swap3A_868 : i32 to index
        %swap3A_870 = arith.index_cast %add3A_863 : i32 to index
        %swap3A_871 = arith.constant 0 : index
        %swap3A_872 = tpu.vector_load %arg7[%swap3A_869, %swap3A_870, %swap3A_871] {strides = array<i32>} : memref<2x400x64xf32, #tpu.memory_space<vmem>>, vector<1x1x16xf32>,
        %swap3A_873 = vector.shape_cast %swap3A_872 : vector<1x1x16xf32> to vector<16xf32>
        %swap3A_874 = vector.shape_cast %get3A_867 : vector<16xf32> to vector<1x1x16xf32>
        tpu.vector_store %arg7[%swap3A_869, %swap3A_870, %swap3A_871], %swap3A_874 {add = true, strides = array<i32>} : memref<2x400x64xf32, #tpu.memory_space<vmem>>, vector<1x1x16xf32>,
        %add3A_875 = arith.constant 200 : i32
        %add3A_876 = arith.addi %add3A_875, %scan3A_809 : i32
        %get3A_877 = arith.index_cast %scan3A_809 : i32 to index
        %get3A_878 = arith.constant 16 : index
        %get3A_879 = tpu.vector_load %arg8[%get3A_877, %get3A_878] {strides = array<i32>} : memref<200x64xf32, #tpu.memory_space<vmem>>, vector<1x16xf32>,
        %get3A_880 = vector.shape_cast %get3A_879 : vector<1x16xf32> to vector<16xf32>
        %swap3A_881 = arith.constant 1 : i32
        %swap3A_882 = arith.index_cast %swap3A_881 : i32 to index
        %swap3A_883 = arith.index_cast %add3A_876 : i32 to index
        %swap3A_884 = arith.constant 16 : index
        %swap3A_885 = tpu.vector_load %arg7[%swap3A_882, %swap3A_883, %swap3A_884] {strides = array<i32>} : memref<2x400x64xf32, #tpu.memory_space<vmem>>, vector<1x1x16xf32>,
        %swap3A_886 = vector.shape_cast %swap3A_885 : vector<1x1x16xf32> to vector<16xf32>
        %swap3A_887 = vector.shape_cast %get3A_880 : vector<16xf32> to vector<1x1x16xf32>
        tpu.vector_store %arg7[%swap3A_882, %swap3A_883, %swap3A_884], %swap3A_887 {add = true, strides = array<i32>} : memref<2x400x64xf32, #tpu.memory_space<vmem>>, vector<1x1x16xf32>,
        %add3A_888 = arith.constant 200 : i32
        %add3A_889 = arith.addi %add3A_888, %scan3A_809 : i32
        %get3A_890 = arith.index_cast %scan3A_809 : i32 to index
        %get3A_891 = arith.constant 32 : index
        %get3A_892 = tpu.vector_load %arg8[%get3A_890, %get3A_891] {strides = array<i32>} : memref<200x64xf32, #tpu.memory_space<vmem>>, vector<1x16xf32>,
        %get3A_893 = vector.shape_cast %get3A_892 : vector<1x16xf32> to vector<16xf32>
        %swap3A_894 = arith.constant 1 : i32
        %swap3A_895 = arith.index_cast %swap3A_894 : i32 to index
        %swap3A_896 = arith.index_cast %add3A_889 : i32 to index
        %swap3A_897 = arith.constant 32 : index
        %swap3A_898 = tpu.vector_load %arg7[%swap3A_895, %swap3A_896, %swap3A_897] {strides = array<i32>} : memref<2x400x64xf32, #tpu.memory_space<vmem>>, vector<1x1x16xf32>,
        %swap3A_899 = vector.shape_cast %swap3A_898 : vector<1x1x16xf32> to vector<16xf32>
        %swap3A_900 = vector.shape_cast %get3A_893 : vector<16xf32> to vector<1x1x16xf32>
        tpu.vector_store %arg7[%swap3A_895, %swap3A_896, %swap3A_897], %swap3A_900 {add = true, strides = array<i32>} : memref<2x400x64xf32, #tpu.memory_space<vmem>>, vector<1x1x16xf32>,
        %add3A_901 = arith.constant 200 : i32
        %add3A_902 = arith.addi %add3A_901, %scan3A_809 : i32
        %get3A_903 = arith.index_cast %scan3A_809 : i32 to index
        %get3A_904 = arith.constant 48 : index
        %get3A_905 = tpu.vector_load %arg8[%get3A_903, %get3A_904] {strides = array<i32>} : memref<200x64xf32, #tpu.memory_space<vmem>>, vector<1x16xf32>,
        %get3A_906 = vector.shape_cast %get3A_905 : vector<1x16xf32> to vector<16xf32>
        %swap3A_907 = arith.constant 1 : i32
        %swap3A_908 = arith.index_cast %swap3A_907 : i32 to index
        %swap3A_909 = arith.index_cast %add3A_902 : i32 to index
        %swap3A_910 = arith.constant 48 : index
        %swap3A_911 = tpu.vector_load %arg7[%swap3A_908, %swap3A_909, %swap3A_910] {strides = array<i32>} : memref<2x400x64xf32, #tpu.memory_space<vmem>>, vector<1x1x16xf32>,
        %swap3A_912 = vector.shape_cast %swap3A_911 : vector<1x1x16xf32> to vector<16xf32>
        %swap3A_913 = vector.shape_cast %get3A_906 : vector<16xf32> to vector<1x1x16xf32>
        tpu.vector_store %arg7[%swap3A_908, %swap3A_909, %swap3A_910], %swap3A_913 {add = true, strides = array<i32>} : memref<2x400x64xf32, #tpu.memory_space<vmem>>, vector<1x1x16xf32>,
        %scan3A_914 = arith.constant 3 : i32
        %scan3A_915 = arith.addi %scan3A_599, %scan3A_914 : i32
        %add3A_916 = arith.constant 0 : i32
        %add3A_917 = arith.addi %add3A_916, %scan3A_915 : i32
        %get3A_918 = arith.index_cast %scan3A_915 : i32 to index
        %get3A_919 = arith.constant 0 : index
        %get3A_920 = tpu.vector_load %arg8[%get3A_918, %get3A_919] {strides = array<i32>} : memref<200x64xf32, #tpu.memory_space<vmem>>, vector<1x16xf32>,
        %get3A_921 = vector.shape_cast %get3A_920 : vector<1x16xf32> to vector<16xf32>
        %swap3A_922 = arith.constant 1 : i32
        %swap3A_923 = arith.index_cast %swap3A_922 : i32 to index
        %swap3A_924 = arith.index_cast %add3A_917 : i32 to index
        %swap3A_925 = arith.constant 0 : index
        %swap3A_926 = tpu.vector_load %arg7[%swap3A_923, %swap3A_924, %swap3A_925] {strides = array<i32>} : memref<2x400x64xf32, #tpu.memory_space<vmem>>, vector<1x1x16xf32>,
        %swap3A_927 = vector.shape_cast %swap3A_926 : vector<1x1x16xf32> to vector<16xf32>
        %swap3A_928 = vector.shape_cast %get3A_921 : vector<16xf32> to vector<1x1x16xf32>
        tpu.vector_store %arg7[%swap3A_923, %swap3A_924, %swap3A_925], %swap3A_928 {add = true, strides = array<i32>} : memref<2x400x64xf32, #tpu.memory_space<vmem>>, vector<1x1x16xf32>,
        %add3A_929 = arith.constant 0 : i32
        %add3A_930 = arith.addi %add3A_929, %scan3A_915 : i32
        %get3A_931 = arith.index_cast %scan3A_915 : i32 to index
        %get3A_932 = arith.constant 16 : index
        %get3A_933 = tpu.vector_load %arg8[%get3A_931, %get3A_932] {strides = array<i32>} : memref<200x64xf32, #tpu.memory_space<vmem>>, vector<1x16xf32>,
        %get3A_934 = vector.shape_cast %get3A_933 : vector<1x16xf32> to vector<16xf32>
        %swap3A_935 = arith.constant 1 : i32
        %swap3A_936 = arith.index_cast %swap3A_935 : i32 to index
        %swap3A_937 = arith.index_cast %add3A_930 : i32 to index
        %swap3A_938 = arith.constant 16 : index
        %swap3A_939 = tpu.vector_load %arg7[%swap3A_936, %swap3A_937, %swap3A_938] {strides = array<i32>} : memref<2x400x64xf32, #tpu.memory_space<vmem>>, vector<1x1x16xf32>,
        %swap3A_940 = vector.shape_cast %swap3A_939 : vector<1x1x16xf32> to vector<16xf32>
        %swap3A_941 = vector.shape_cast %get3A_934 : vector<16xf32> to vector<1x1x16xf32>
        tpu.vector_store %arg7[%swap3A_936, %swap3A_937, %swap3A_938], %swap3A_941 {add = true, strides = array<i32>} : memref<2x400x64xf32, #tpu.memory_space<vmem>>, vector<1x1x16xf32>,
        %add3A_942 = arith.constant 0 : i32
        %add3A_943 = arith.addi %add3A_942, %scan3A_915 : i32
        %get3A_944 = arith.index_cast %scan3A_915 : i32 to index
        %get3A_945 = arith.constant 32 : index
        %get3A_946 = tpu.vector_load %arg8[%get3A_944, %get3A_945] {strides = array<i32>} : memref<200x64xf32, #tpu.memory_space<vmem>>, vector<1x16xf32>,
        %get3A_947 = vector.shape_cast %get3A_946 : vector<1x16xf32> to vector<16xf32>
        %swap3A_948 = arith.constant 1 : i32
        %swap3A_949 = arith.index_cast %swap3A_948 : i32 to index
        %swap3A_950 = arith.index_cast %add3A_943 : i32 to index
        %swap3A_951 = arith.constant 32 : index
        %swap3A_952 = tpu.vector_load %arg7[%swap3A_949, %swap3A_950, %swap3A_951] {strides = array<i32>} : memref<2x400x64xf32, #tpu.memory_space<vmem>>, vector<1x1x16xf32>,
        %swap3A_953 = vector.shape_cast %swap3A_952 : vector<1x1x16xf32> to vector<16xf32>
        %swap3A_954 = vector.shape_cast %get3A_947 : vector<16xf32> to vector<1x1x16xf32>
        tpu.vector_store %arg7[%swap3A_949, %swap3A_950, %swap3A_951], %swap3A_954 {add = true, strides = array<i32>} : memref<2x400x64xf32, #tpu.memory_space<vmem>>, vector<1x1x16xf32>,
        %add3A_955 = arith.constant 0 : i32
        %add3A_956 = arith.addi %add3A_955, %scan3A_915 : i32
        %get3A_957 = arith.index_cast %scan3A_915 : i32 to index
        %get3A_958 = arith.constant 48 : index
        %get3A_959 = tpu.vector_load %arg8[%get3A_957, %get3A_958] {strides = array<i32>} : memref<200x64xf32, #tpu.memory_space<vmem>>, vector<1x16xf32>,
        %get3A_960 = vector.shape_cast %get3A_959 : vector<1x16xf32> to vector<16xf32>
        %swap3A_961 = arith.constant 1 : i32
        %swap3A_962 = arith.index_cast %swap3A_961 : i32 to index
        %swap3A_963 = arith.index_cast %add3A_956 : i32 to index
        %swap3A_964 = arith.constant 48 : index
        %swap3A_965 = tpu.vector_load %arg7[%swap3A_962, %swap3A_963, %swap3A_964] {strides = array<i32>} : memref<2x400x64xf32, #tpu.memory_space<vmem>>, vector<1x1x16xf32>,
        %swap3A_966 = vector.shape_cast %swap3A_965 : vector<1x1x16xf32> to vector<16xf32>
        %swap3A_967 = vector.shape_cast %get3A_960 : vector<16xf32> to vector<1x1x16xf32>
        tpu.vector_store %arg7[%swap3A_962, %swap3A_963, %swap3A_964], %swap3A_967 {add = true, strides = array<i32>} : memref<2x400x64xf32, #tpu.memory_space<vmem>>, vector<1x1x16xf32>,
        %add3A_968 = arith.constant 200 : i32
        %add3A_969 = arith.addi %add3A_968, %scan3A_915 : i32
        %get3A_970 = arith.index_cast %scan3A_915 : i32 to index
        %get3A_971 = arith.constant 0 : index
        %get3A_972 = tpu.vector_load %arg8[%get3A_970, %get3A_971] {strides = array<i32>} : memref<200x64xf32, #tpu.memory_space<vmem>>, vector<1x16xf32>,
        %get3A_973 = vector.shape_cast %get3A_972 : vector<1x16xf32> to vector<16xf32>
        %swap3A_974 = arith.constant 1 : i32
        %swap3A_975 = arith.index_cast %swap3A_974 : i32 to index
        %swap3A_976 = arith.index_cast %add3A_969 : i32 to index
        %swap3A_977 = arith.constant 0 : index
        %swap3A_978 = tpu.vector_load %arg7[%swap3A_975, %swap3A_976, %swap3A_977] {strides = array<i32>} : memref<2x400x64xf32, #tpu.memory_space<vmem>>, vector<1x1x16xf32>,
        %swap3A_979 = vector.shape_cast %swap3A_978 : vector<1x1x16xf32> to vector<16xf32>
        %swap3A_980 = vector.shape_cast %get3A_973 : vector<16xf32> to vector<1x1x16xf32>
        tpu.vector_store %arg7[%swap3A_975, %swap3A_976, %swap3A_977], %swap3A_980 {add = true, strides = array<i32>} : memref<2x400x64xf32, #tpu.memory_space<vmem>>, vector<1x1x16xf32>,
        %add3A_981 = arith.constant 200 : i32
        %add3A_982 = arith.addi %add3A_981, %scan3A_915 : i32
        %get3A_983 = arith.index_cast %scan3A_915 : i32 to index
        %get3A_984 = arith.constant 16 : index
        %get3A_985 = tpu.vector_load %arg8[%get3A_983, %get3A_984] {strides = array<i32>} : memref<200x64xf32, #tpu.memory_space<vmem>>, vector<1x16xf32>,
        %get3A_986 = vector.shape_cast %get3A_985 : vector<1x16xf32> to vector<16xf32>
        %swap3A_987 = arith.constant 1 : i32
        %swap3A_988 = arith.index_cast %swap3A_987 : i32 to index
        %swap3A_989 = arith.index_cast %add3A_982 : i32 to index
        %swap3A_990 = arith.constant 16 : index
        %swap3A_991 = tpu.vector_load %arg7[%swap3A_988, %swap3A_989, %swap3A_990] {strides = array<i32>} : memref<2x400x64xf32, #tpu.memory_space<vmem>>, vector<1x1x16xf32>,
        %swap3A_992 = vector.shape_cast %swap3A_991 : vector<1x1x16xf32> to vector<16xf32>
        %swap3A_993 = vector.shape_cast %get3A_986 : vector<16xf32> to vector<1x1x16xf32>
        tpu.vector_store %arg7[%swap3A_988, %swap3A_989, %swap3A_990], %swap3A_993 {add = true, strides = array<i32>} : memref<2x400x64xf32, #tpu.memory_space<vmem>>, vector<1x1x16xf32>,
        %add3A_994 = arith.constant 200 : i32
        %add3A_995 = arith.addi %add3A_994, %scan3A_915 : i32
        %get3A_996 = arith.index_cast %scan3A_915 : i32 to index
        %get3A_997 = arith.constant 32 : index
        %get3A_998 = tpu.vector_load %arg8[%get3A_996, %get3A_997] {strides = array<i32>} : memref<200x64xf32, #tpu.memory_space<vmem>>, vector<1x16xf32>,
        %get3A_999 = vector.shape_cast %get3A_998 : vector<1x16xf32> to vector<16xf32>
        %swap3A_1000 = arith.constant 1 : i32
        %swap3A_1001 = arith.index_cast %swap3A_1000 : i32 to index
        %swap3A_1002 = arith.index_cast %add3A_995 : i32 to index
        %swap3A_1003 = arith.constant 32 : index
        %swap3A_1004 = tpu.vector_load %arg7[%swap3A_1001, %swap3A_1002, %swap3A_1003] {strides = array<i32>} : memref<2x400x64xf32, #tpu.memory_space<vmem>>, vector<1x1x16xf32>,
        %swap3A_1005 = vector.shape_cast %swap3A_1004 : vector<1x1x16xf32> to vector<16xf32>
        %swap3A_1006 = vector.shape_cast %get3A_999 : vector<16xf32> to vector<1x1x16xf32>
        tpu.vector_store %arg7[%swap3A_1001, %swap3A_1002, %swap3A_1003], %swap3A_1006 {add = true, strides = array<i32>} : memref<2x400x64xf32, #tpu.memory_space<vmem>>, vector<1x1x16xf32>,
        %add3A_1007 = arith.constant 200 : i32
        %add3A_1008 = arith.addi %add3A_1007, %scan3A_915 : i32
        %get3A_1009 = arith.index_cast %scan3A_915 : i32 to index
        %get3A_1010 = arith.constant 48 : index
        %get3A_1011 = tpu.vector_load %arg8[%get3A_1009, %get3A_1010] {strides = array<i32>} : memref<200x64xf32, #tpu.memory_space<vmem>>, vector<1x16xf32>,
        %get3A_1012 = vector.shape_cast %get3A_1011 : vector<1x16xf32> to vector<16xf32>
        %swap3A_1013 = arith.constant 1 : i32
        %swap3A_1014 = arith.index_cast %swap3A_1013 : i32 to index
        %swap3A_1015 = arith.index_cast %add3A_1008 : i32 to index
        %swap3A_1016 = arith.constant 48 : index
        %swap3A_1017 = tpu.vector_load %arg7[%swap3A_1014, %swap3A_1015, %swap3A_1016] {strides = array<i32>} : memref<2x400x64xf32, #tpu.memory_space<vmem>>, vector<1x1x16xf32>,
        %swap3A_1018 = vector.shape_cast %swap3A_1017 : vector<1x1x16xf32> to vector<16xf32>
        %swap3A_1019 = vector.shape_cast %get3A_1012 : vector<16xf32> to vector<1x1x16xf32>
        tpu.vector_store %arg7[%swap3A_1014, %swap3A_1015, %swap3A_1016], %swap3A_1019 {add = true, strides = array<i32>} : memref<2x400x64xf32, #tpu.memory_space<vmem>>, vector<1x1x16xf32>,
      }
      %scan3A_338 = arith.constant 200 : i32
      %mul3A_339 = arith.constant 400 : i32
      %mul3A_340 = arith.muli %add3A_273, %mul3A_339 : i32
      %add3A_341 = arith.addi %mul3A_2, %mul3A_340 : i32
      %dma_start3A_342 = arith.constant 1 : i32
      %dma_start3A_343 = arith.constant 0 : i32
      %dma_start3A_344 = arith.constant 0 : i32
      %dma_start3A_345 = tpu.memref_slice %arg7[%dma_start3A_342, %dma_start3A_343, %dma_start3A_344] : memref<2x400x64xf32, #tpu.memory_space<vmem>> -> memref<1x400x64xf32, #tpu.memory_space<vmem>>
      %dma_start3A_346 = tpu.memref_squeeze %dma_start3A_345 : memref<1x400x64xf32, #tpu.memory_space<vmem>> -> memref<400x64xf32, #tpu.memory_space<vmem>>
      %dma_start3A_347 = arith.constant 0 : i32
      %dma_start3A_348 = tpu.memref_slice %arg5[%add3A_341, %dma_start3A_347] : memref<819200x64xf32, #tpu.memory_space<hbm>> -> memref<400x64xf32, #tpu.memory_space<hbm>>
      %dma_start3A_349 = arith.constant 0 : i32
      %dma_start3A_350 = tpu.memref_slice %arg5[%add3A_341, %dma_start3A_349] : memref<819200x64xf32, #tpu.memory_space<hbm>> -> memref<400x64xf32, #tpu.memory_space<hbm>>
      %dma_start3A_351 = arith.constant 0 : i32
      %dma_start3A_352 = arith.constant 0 : i32
      %dma_start3A_353 = tpu.memref_slice %arg7[%dma_start3A_342, %dma_start3A_351, %dma_start3A_352] : memref<2x400x64xf32, #tpu.memory_space<vmem>> -> memref<1x400x64xf32, #tpu.memory_space<vmem>>
      %dma_start3A_354 = tpu.memref_squeeze %dma_start3A_353 : memref<1x400x64xf32, #tpu.memory_space<vmem>> -> memref<400x64xf32, #tpu.memory_space<vmem>>
      tpu.enqueue_dma source(%dma_start3A_354 : memref<400x64xf32, #tpu.memory_space<vmem>>) target(%dma_start3A_350 : memref<400x64xf32, #tpu.memory_space<hbm>>) target_semaphore(%arg12 : memref<!tpu.dma_semaphore, #tpu.memory_space<semaphore_mem>>)
      %sub3A = arith.constant 1 : i32
      %sub3A_355 = arith.subi %add3A_273, %sub3A : i32
      %mul3A_356 = arith.constant 400 : i32
      %mul3A_357 = arith.muli %sub3A_355, %mul3A_356 : i32
      %add3A_358 = arith.addi %mul3A_2, %mul3A_357 : i32
      %dma_wait3A_359 = arith.constant 0 : i32
      %dma_wait3A_360 = arith.constant 0 : i32
      %dma_wait3A_361 = arith.constant 0 : i32
      %dma_wait3A_362 = tpu.memref_slice %arg7[%dma_wait3A_359, %dma_wait3A_360, %dma_wait3A_361] : memref<2x400x64xf32, #tpu.memory_space<vmem>> -> memref<1x400x64xf32, #tpu.memory_space<vmem>>
      %dma_wait3A_363 = tpu.memref_squeeze %dma_wait3A_362 : memref<1x400x64xf32, #tpu.memory_space<vmem>> -> memref<400x64xf32, #tpu.memory_space<vmem>>
      %dma_wait3A_364 = arith.constant 0 : i32
      %dma_wait3A_365 = tpu.memref_slice %arg5[%add3A_358, %dma_wait3A_364] : memref<819200x64xf32, #tpu.memory_space<hbm>> -> memref<400x64xf32, #tpu.memory_space<hbm>>
      %dma_wait3A_366 = arith.constant 0 : i32
      %dma_wait3A_367 = tpu.memref_slice %arg5[%add3A_358, %dma_wait3A_366] : memref<819200x64xf32, #tpu.memory_space<hbm>> -> memref<400x64xf32, #tpu.memory_space<hbm>>
      %dma_wait3A_368 = arith.constant 0 : i32
      %dma_wait3A_369 = arith.constant 0 : i32
      %dma_wait3A_370 = tpu.memref_slice %arg7[%dma_wait3A_359, %dma_wait3A_368, %dma_wait3A_369] : memref<2x400x64xf32, #tpu.memory_space<vmem>> -> memref<1x400x64xf32, #tpu.memory_space<vmem>>
      %dma_wait3A_371 = tpu.memref_squeeze %dma_wait3A_370 : memref<1x400x64xf32, #tpu.memory_space<vmem>> -> memref<400x64xf32, #tpu.memory_space<vmem>>
      tpu.wait_dma2 semaphore(%arg11 : memref<!tpu.dma_semaphore, #tpu.memory_space<semaphore_mem>>) src(%dma_wait3A_371 : memref<400x64xf32, #tpu.memory_space<vmem>>) dst(%dma_wait3A_367 : memref<400x64xf32, #tpu.memory_space<hbm>>)
      %add3A_372 = arith.constant 1 : i32
      %add3A_373 = arith.addi %add3A_273, %add3A_372 : i32
      %mul3A_374 = arith.constant 4 : i32
      %mul3A_375 = arith.muli %add3A_373, %mul3A_374 : i32
      %add3A_376 = arith.constant 0 : i32
      %add3A_377 = arith.addi %mul3A_375, %add3A_376 : i32
      %dma_start3A_378 = arith.constant 0 : i32
      %dma_start3A_379 = arith.constant 0 : i32
      %dma_start3A_380 = arith.constant 0 : i32
      %dma_start3A_381 = tpu.memref_slice %arg7[%dma_start3A_378, %dma_start3A_379, %dma_start3A_380] : memref<2x400x64xf32, #tpu.memory_space<vmem>> -> memref<1x100x64xf32, #tpu.memory_space<vmem>>
      %dma_start3A_382 = tpu.memref_squeeze %dma_start3A_381 : memref<1x100x64xf32, #tpu.memory_space<vmem>> -> memref<100x64xf32, #tpu.memory_space<vmem>>
      %dma_start3A_383 = arith.constant 0 : i32
      %dma_start3A_384 = tpu.memref_slice %arg6[%add3A_377, %dma_start3A_383] : memref<256x100xi32, #tpu.memory_space<vmem>> -> memref<1x100xi32, #tpu.memory_space<vmem>>
      %dma_start3A_385 = tpu.memref_squeeze %dma_start3A_384 : memref<1x100xi32, #tpu.memory_space<vmem>> -> memref<100xi32, #tpu.memory_space<vmem>>
      %dma_start3A_386 = arith.constant 0 : i32
      %dma_start3A_387 = arith.constant 0 : i32
      %dma_start3A_388 = tpu.memref_slice %arg2[%dma_start3A_386, %dma_start3A_387] : memref<1000000x64xf32, #tpu.memory_space<hbm>> -> memref<1000000x64xf32, #tpu.memory_space<hbm>>
      tpu.enqueue_indirect_dma source(%dma_start3A_388 : memref<1000000x64xf32, #tpu.memory_space<hbm>>) target(%dma_start3A_382 : memref<100x64xf32, #tpu.memory_space<vmem>>) offsets(%dma_start3A_385 : memref<100xi32, #tpu.memory_space<vmem>>) semaphore(%arg9 : memref<!tpu.dma_semaphore, #tpu.memory_space<semaphore_mem>>)
      %mul3A_389 = arith.constant 4 : i32
      %mul3A_390 = arith.muli %add3A_373, %mul3A_389 : i32
      %add3A_391 = arith.constant 1 : i32
      %add3A_392 = arith.addi %mul3A_390, %add3A_391 : i32
      %dma_start3A_393 = arith.constant 0 : i32
      %dma_start3A_394 = arith.constant 100 : i32
      %dma_start3A_395 = arith.constant 0 : i32
      %dma_start3A_396 = tpu.memref_slice %arg7[%dma_start3A_393, %dma_start3A_394, %dma_start3A_395] : memref<2x400x64xf32, #tpu.memory_space<vmem>> -> memref<1x100x64xf32, #tpu.memory_space<vmem>>
      %dma_start3A_397 = tpu.memref_squeeze %dma_start3A_396 : memref<1x100x64xf32, #tpu.memory_space<vmem>> -> memref<100x64xf32, #tpu.memory_space<vmem>>
      %dma_start3A_398 = arith.constant 0 : i32
      %dma_start3A_399 = tpu.memref_slice %arg6[%add3A_392, %dma_start3A_398] : memref<256x100xi32, #tpu.memory_space<vmem>> -> memref<1x100xi32, #tpu.memory_space<vmem>>
      %dma_start3A_400 = tpu.memref_squeeze %dma_start3A_399 : memref<1x100xi32, #tpu.memory_space<vmem>> -> memref<100xi32, #tpu.memory_space<vmem>>
      %dma_start3A_401 = arith.constant 0 : i32
      %dma_start3A_402 = arith.constant 0 : i32
      %dma_start3A_403 = tpu.memref_slice %arg2[%dma_start3A_401, %dma_start3A_402] : memref<1000000x64xf32, #tpu.memory_space<hbm>> -> memref<1000000x64xf32, #tpu.memory_space<hbm>>
      tpu.enqueue_indirect_dma source(%dma_start3A_403 : memref<1000000x64xf32, #tpu.memory_space<hbm>>) target(%dma_start3A_397 : memref<100x64xf32, #tpu.memory_space<vmem>>) offsets(%dma_start3A_400 : memref<100xi32, #tpu.memory_space<vmem>>) semaphore(%arg9 : memref<!tpu.dma_semaphore, #tpu.memory_space<semaphore_mem>>)
      %mul3A_404 = arith.constant 4 : i32
      %mul3A_405 = arith.muli %add3A_373, %mul3A_404 : i32
      %add3A_406 = arith.constant 2 : i32
      %add3A_407 = arith.addi %mul3A_405, %add3A_406 : i32
      %dma_start3A_408 = arith.constant 0 : i32
      %dma_start3A_409 = arith.constant 200 : i32
      %dma_start3A_410 = arith.constant 0 : i32
      %dma_start3A_411 = tpu.memref_slice %arg7[%dma_start3A_408, %dma_start3A_409, %dma_start3A_410] : memref<2x400x64xf32, #tpu.memory_space<vmem>> -> memref<1x100x64xf32, #tpu.memory_space<vmem>>
      %dma_start3A_412 = tpu.memref_squeeze %dma_start3A_411 : memref<1x100x64xf32, #tpu.memory_space<vmem>> -> memref<100x64xf32, #tpu.memory_space<vmem>>
      %dma_start3A_413 = arith.constant 0 : i32
      %dma_start3A_414 = tpu.memref_slice %arg6[%add3A_407, %dma_start3A_413] : memref<256x100xi32, #tpu.memory_space<vmem>> -> memref<1x100xi32, #tpu.memory_space<vmem>>
      %dma_start3A_415 = tpu.memref_squeeze %dma_start3A_414 : memref<1x100xi32, #tpu.memory_space<vmem>> -> memref<100xi32, #tpu.memory_space<vmem>>
      %dma_start3A_416 = arith.constant 0 : i32
      %dma_start3A_417 = arith.constant 0 : i32
      %dma_start3A_418 = tpu.memref_slice %arg2[%dma_start3A_416, %dma_start3A_417] : memref<1000000x64xf32, #tpu.memory_space<hbm>> -> memref<1000000x64xf32, #tpu.memory_space<hbm>>
      tpu.enqueue_indirect_dma source(%dma_start3A_418 : memref<1000000x64xf32, #tpu.memory_space<hbm>>) target(%dma_start3A_412 : memref<100x64xf32, #tpu.memory_space<vmem>>) offsets(%dma_start3A_415 : memref<100xi32, #tpu.memory_space<vmem>>) semaphore(%arg9 : memref<!tpu.dma_semaphore, #tpu.memory_space<semaphore_mem>>)
      %mul3A_419 = arith.constant 4 : i32
      %mul3A_420 = arith.muli %add3A_373, %mul3A_419 : i32
      %add3A_421 = arith.constant 3 : i32
      %add3A_422 = arith.addi %mul3A_420, %add3A_421 : i32
      %dma_start3A_423 = arith.constant 0 : i32
      %dma_start3A_424 = arith.constant 300 : i32
      %dma_start3A_425 = arith.constant 0 : i32
      %dma_start3A_426 = tpu.memref_slice %arg7[%dma_start3A_423, %dma_start3A_424, %dma_start3A_425] : memref<2x400x64xf32, #tpu.memory_space<vmem>> -> memref<1x100x64xf32, #tpu.memory_space<vmem>>
      %dma_start3A_427 = tpu.memref_squeeze %dma_start3A_426 : memref<1x100x64xf32, #tpu.memory_space<vmem>> -> memref<100x64xf32, #tpu.memory_space<vmem>>
      %dma_start3A_428 = arith.constant 0 : i32
      %dma_start3A_429 = tpu.memref_slice %arg6[%add3A_422, %dma_start3A_428] : memref<256x100xi32, #tpu.memory_space<vmem>> -> memref<1x100xi32, #tpu.memory_space<vmem>>
      %dma_start3A_430 = tpu.memref_squeeze %dma_start3A_429 : memref<1x100xi32, #tpu.memory_space<vmem>> -> memref<100xi32, #tpu.memory_space<vmem>>
      %dma_start3A_431 = arith.constant 0 : i32
      %dma_start3A_432 = arith.constant 0 : i32
      %dma_start3A_433 = tpu.memref_slice %arg2[%dma_start3A_431, %dma_start3A_432] : memref<1000000x64xf32, #tpu.memory_space<hbm>> -> memref<1000000x64xf32, #tpu.memory_space<hbm>>
      tpu.enqueue_indirect_dma source(%dma_start3A_433 : memref<1000000x64xf32, #tpu.memory_space<hbm>>) target(%dma_start3A_427 : memref<100x64xf32, #tpu.memory_space<vmem>>) offsets(%dma_start3A_430 : memref<100xi32, #tpu.memory_space<vmem>>) semaphore(%arg9 : memref<!tpu.dma_semaphore, #tpu.memory_space<semaphore_mem>>)
      %mul3A_434 = arith.constant 2 : i32
      %mul3A_435 = arith.muli %mul3A_434, %scan3A_269 : i32
      %add3A_436 = arith.constant 2 : i32
      %add3A_437 = arith.addi %mul3A_435, %add3A_436 : i32
      %mul3A_438 = arith.constant 4 : i32
      %mul3A_439 = arith.muli %add3A_437, %mul3A_438 : i32
      %add3A_440 = arith.constant 0 : i32
      %add3A_441 = arith.addi %mul3A_439, %add3A_440 : i32
      %dma_wait3A_442 = arith.constant 0 : i32
      %dma_wait3A_443 = arith.constant 0 : i32
      %dma_wait3A_444 = arith.constant 0 : i32
      %dma_wait3A_445 = tpu.memref_slice %arg7[%dma_wait3A_442, %dma_wait3A_443, %dma_wait3A_444] : memref<2x400x64xf32, #tpu.memory_space<vmem>> -> memref<1x100x64xf32, #tpu.memory_space<vmem>>
      %dma_wait3A_446 = tpu.memref_squeeze %dma_wait3A_445 : memref<1x100x64xf32, #tpu.memory_space<vmem>> -> memref<100x64xf32, #tpu.memory_space<vmem>>
      %dma_wait3A_447 = arith.constant 0 : i32
      %dma_wait3A_448 = tpu.memref_slice %arg6[%add3A_441, %dma_wait3A_447] : memref<256x100xi32, #tpu.memory_space<vmem>> -> memref<1x100xi32, #tpu.memory_space<vmem>>
      %dma_wait3A_449 = tpu.memref_squeeze %dma_wait3A_448 : memref<1x100xi32, #tpu.memory_space<vmem>> -> memref<100xi32, #tpu.memory_space<vmem>>
      %dma_wait3A_450 = arith.constant 0 : i32
      %dma_wait3A_451 = arith.constant 0 : i32
      %dma_wait3A_452 = tpu.memref_slice %arg2[%dma_wait3A_450, %dma_wait3A_451] : memref<1000000x64xf32, #tpu.memory_space<hbm>> -> memref<1000000x64xf32, #tpu.memory_space<hbm>>
      tpu.wait_indirect_dma semaphore(%arg9 : memref<!tpu.dma_semaphore, #tpu.memory_space<semaphore_mem>>) src(%dma_wait3A_452 : memref<1000000x64xf32, #tpu.memory_space<hbm>>) dst(%dma_wait3A_446 : memref<100x64xf32, #tpu.memory_space<vmem>>)
      %mul3A_453 = arith.constant 4 : i32
      %mul3A_454 = arith.muli %add3A_437, %mul3A_453 : i32
      %add3A_455 = arith.constant 1 : i32
      %add3A_456 = arith.addi %mul3A_454, %add3A_455 : i32
      %dma_wait3A_457 = arith.constant 0 : i32
      %dma_wait3A_458 = arith.constant 100 : i32
      %dma_wait3A_459 = arith.constant 0 : i32
      %dma_wait3A_460 = tpu.memref_slice %arg7[%dma_wait3A_457, %dma_wait3A_458, %dma_wait3A_459] : memref<2x400x64xf32, #tpu.memory_space<vmem>> -> memref<1x100x64xf32, #tpu.memory_space<vmem>>
      %dma_wait3A_461 = tpu.memref_squeeze %dma_wait3A_460 : memref<1x100x64xf32, #tpu.memory_space<vmem>> -> memref<100x64xf32, #tpu.memory_space<vmem>>
      %dma_wait3A_462 = arith.constant 0 : i32
      %dma_wait3A_463 = tpu.memref_slice %arg6[%add3A_456, %dma_wait3A_462] : memref<256x100xi32, #tpu.memory_space<vmem>> -> memref<1x100xi32, #tpu.memory_space<vmem>>
      %dma_wait3A_464 = tpu.memref_squeeze %dma_wait3A_463 : memref<1x100xi32, #tpu.memory_space<vmem>> -> memref<100xi32, #tpu.memory_space<vmem>>
      %dma_wait3A_465 = arith.constant 0 : i32
      %dma_wait3A_466 = arith.constant 0 : i32
      %dma_wait3A_467 = tpu.memref_slice %arg2[%dma_wait3A_465, %dma_wait3A_466] : memref<1000000x64xf32, #tpu.memory_space<hbm>> -> memref<1000000x64xf32, #tpu.memory_space<hbm>>
      tpu.wait_indirect_dma semaphore(%arg9 : memref<!tpu.dma_semaphore, #tpu.memory_space<semaphore_mem>>) src(%dma_wait3A_467 : memref<1000000x64xf32, #tpu.memory_space<hbm>>) dst(%dma_wait3A_461 : memref<100x64xf32, #tpu.memory_space<vmem>>)
      %mul3A_468 = arith.constant 4 : i32
      %mul3A_469 = arith.muli %add3A_437, %mul3A_468 : i32
      %add3A_470 = arith.constant 2 : i32
      %add3A_471 = arith.addi %mul3A_469, %add3A_470 : i32
      %dma_wait3A_472 = arith.constant 0 : i32
      %dma_wait3A_473 = arith.constant 200 : i32
      %dma_wait3A_474 = arith.constant 0 : i32
      %dma_wait3A_475 = tpu.memref_slice %arg7[%dma_wait3A_472, %dma_wait3A_473, %dma_wait3A_474] : memref<2x400x64xf32, #tpu.memory_space<vmem>> -> memref<1x100x64xf32, #tpu.memory_space<vmem>>
      %dma_wait3A_476 = tpu.memref_squeeze %dma_wait3A_475 : memref<1x100x64xf32, #tpu.memory_space<vmem>> -> memref<100x64xf32, #tpu.memory_space<vmem>>
      %dma_wait3A_477 = arith.constant 0 : i32
      %dma_wait3A_478 = tpu.memref_slice %arg6[%add3A_471, %dma_wait3A_477] : memref<256x100xi32, #tpu.memory_space<vmem>> -> memref<1x100xi32, #tpu.memory_space<vmem>>
      %dma_wait3A_479 = tpu.memref_squeeze %dma_wait3A_478 : memref<1x100xi32, #tpu.memory_space<vmem>> -> memref<100xi32, #tpu.memory_space<vmem>>
      %dma_wait3A_480 = arith.constant 0 : i32
      %dma_wait3A_481 = arith.constant 0 : i32
      %dma_wait3A_482 = tpu.memref_slice %arg2[%dma_wait3A_480, %dma_wait3A_481] : memref<1000000x64xf32, #tpu.memory_space<hbm>> -> memref<1000000x64xf32, #tpu.memory_space<hbm>>
      tpu.wait_indirect_dma semaphore(%arg9 : memref<!tpu.dma_semaphore, #tpu.memory_space<semaphore_mem>>) src(%dma_wait3A_482 : memref<1000000x64xf32, #tpu.memory_space<hbm>>) dst(%dma_wait3A_476 : memref<100x64xf32, #tpu.memory_space<vmem>>)
      %mul3A_483 = arith.constant 4 : i32
      %mul3A_484 = arith.muli %add3A_437, %mul3A_483 : i32
      %add3A_485 = arith.constant 3 : i32
      %add3A_486 = arith.addi %mul3A_484, %add3A_485 : i32
      %dma_wait3A_487 = arith.constant 0 : i32
      %dma_wait3A_488 = arith.constant 300 : i32
      %dma_wait3A_489 = arith.constant 0 : i32
      %dma_wait3A_490 = tpu.memref_slice %arg7[%dma_wait3A_487, %dma_wait3A_488, %dma_wait3A_489] : memref<2x400x64xf32, #tpu.memory_space<vmem>> -> memref<1x100x64xf32, #tpu.memory_space<vmem>>
      %dma_wait3A_491 = tpu.memref_squeeze %dma_wait3A_490 : memref<1x100x64xf32, #tpu.memory_space<vmem>> -> memref<100x64xf32, #tpu.memory_space<vmem>>
      %dma_wait3A_492 = arith.constant 0 : i32
      %dma_wait3A_493 = tpu.memref_slice %arg6[%add3A_486, %dma_wait3A_492] : memref<256x100xi32, #tpu.memory_space<vmem>> -> memref<1x100xi32, #tpu.memory_space<vmem>>
      %dma_wait3A_494 = tpu.memref_squeeze %dma_wait3A_493 : memref<1x100xi32, #tpu.memory_space<vmem>> -> memref<100xi32, #tpu.memory_space<vmem>>
      %dma_wait3A_495 = arith.constant 0 : i32
      %dma_wait3A_496 = arith.constant 0 : i32
      %dma_wait3A_497 = tpu.memref_slice %arg2[%dma_wait3A_495, %dma_wait3A_496] : memref<1000000x64xf32, #tpu.memory_space<hbm>> -> memref<1000000x64xf32, #tpu.memory_space<hbm>>
      tpu.wait_indirect_dma semaphore(%arg9 : memref<!tpu.dma_semaphore, #tpu.memory_space<semaphore_mem>>) src(%dma_wait3A_497 : memref<1000000x64xf32, #tpu.memory_space<hbm>>) dst(%dma_wait3A_491 : memref<100x64xf32, #tpu.memory_space<vmem>>)
      %scan3A_498 = arith.constant 0 : i32
      %scan3A_499 = arith.constant 200 : i32
      %scan3A_500 = arith.addi %scan3A_498, %scan3A_499 : i32
      %scan3A_501 = arith.constant 4 : i32
      scf.for %scan3A_599 = %scan3A_498 to %scan3A_500 step %scan3A_501  : i32 {
        %add3A_600 = arith.constant 0 : i32
        %add3A_601 = arith.addi %add3A_600, %scan3A_599 : i32
        %get3A = arith.index_cast %scan3A_599 : i32 to index
        %get3A_602 = arith.constant 0 : index
        %get3A_603 = tpu.vector_load %arg8[%get3A, %get3A_602] {strides = array<i32>} : memref<200x64xf32, #tpu.memory_space<vmem>>, vector<1x16xf32>,
        %get3A_604 = vector.shape_cast %get3A_603 : vector<1x16xf32> to vector<16xf32>
        %swap3A = arith.constant 0 : i32
        %swap3A_605 = arith.index_cast %swap3A : i32 to index
        %swap3A_606 = arith.index_cast %add3A_601 : i32 to index
        %swap3A_607 = arith.constant 0 : index
        %swap3A_608 = tpu.vector_load %arg7[%swap3A_605, %swap3A_606, %swap3A_607] {strides = array<i32>} : memref<2x400x64xf32, #tpu.memory_space<vmem>>, vector<1x1x16xf32>,
        %swap3A_609 = vector.shape_cast %swap3A_608 : vector<1x1x16xf32> to vector<16xf32>
        %swap3A_610 = vector.shape_cast %get3A_604 : vector<16xf32> to vector<1x1x16xf32>
        tpu.vector_store %arg7[%swap3A_605, %swap3A_606, %swap3A_607], %swap3A_610 {add = true, strides = array<i32>} : memref<2x400x64xf32, #tpu.memory_space<vmem>>, vector<1x1x16xf32>,
        %add3A_611 = arith.constant 0 : i32
        %add3A_612 = arith.addi %add3A_611, %scan3A_599 : i32
        %get3A_613 = arith.index_cast %scan3A_599 : i32 to index
        %get3A_614 = arith.constant 16 : index
        %get3A_615 = tpu.vector_load %arg8[%get3A_613, %get3A_614] {strides = array<i32>} : memref<200x64xf32, #tpu.memory_space<vmem>>, vector<1x16xf32>,
        %get3A_616 = vector.shape_cast %get3A_615 : vector<1x16xf32> to vector<16xf32>
        %swap3A_617 = arith.constant 0 : i32
        %swap3A_618 = arith.index_cast %swap3A_617 : i32 to index
        %swap3A_619 = arith.index_cast %add3A_612 : i32 to index
        %swap3A_620 = arith.constant 16 : index
        %swap3A_621 = tpu.vector_load %arg7[%swap3A_618, %swap3A_619, %swap3A_620] {strides = array<i32>} : memref<2x400x64xf32, #tpu.memory_space<vmem>>, vector<1x1x16xf32>,
        %swap3A_622 = vector.shape_cast %swap3A_621 : vector<1x1x16xf32> to vector<16xf32>
        %swap3A_623 = vector.shape_cast %get3A_616 : vector<16xf32> to vector<1x1x16xf32>
        tpu.vector_store %arg7[%swap3A_618, %swap3A_619, %swap3A_620], %swap3A_623 {add = true, strides = array<i32>} : memref<2x400x64xf32, #tpu.memory_space<vmem>>, vector<1x1x16xf32>,
        %add3A_624 = arith.constant 0 : i32
        %add3A_625 = arith.addi %add3A_624, %scan3A_599 : i32
        %get3A_626 = arith.index_cast %scan3A_599 : i32 to index
        %get3A_627 = arith.constant 32 : index
        %get3A_628 = tpu.vector_load %arg8[%get3A_626, %get3A_627] {strides = array<i32>} : memref<200x64xf32, #tpu.memory_space<vmem>>, vector<1x16xf32>,
        %get3A_629 = vector.shape_cast %get3A_628 : vector<1x16xf32> to vector<16xf32>
        %swap3A_630 = arith.constant 0 : i32
        %swap3A_631 = arith.index_cast %swap3A_630 : i32 to index
        %swap3A_632 = arith.index_cast %add3A_625 : i32 to index
        %swap3A_633 = arith.constant 32 : index
        %swap3A_634 = tpu.vector_load %arg7[%swap3A_631, %swap3A_632, %swap3A_633] {strides = array<i32>} : memref<2x400x64xf32, #tpu.memory_space<vmem>>, vector<1x1x16xf32>,
        %swap3A_635 = vector.shape_cast %swap3A_634 : vector<1x1x16xf32> to vector<16xf32>
        %swap3A_636 = vector.shape_cast %get3A_629 : vector<16xf32> to vector<1x1x16xf32>
        tpu.vector_store %arg7[%swap3A_631, %swap3A_632, %swap3A_633], %swap3A_636 {add = true, strides = array<i32>} : memref<2x400x64xf32, #tpu.memory_space<vmem>>, vector<1x1x16xf32>,
        %add3A_637 = arith.constant 0 : i32
        %add3A_638 = arith.addi %add3A_637, %scan3A_599 : i32
        %get3A_639 = arith.index_cast %scan3A_599 : i32 to index
        %get3A_640 = arith.constant 48 : index
        %get3A_641 = tpu.vector_load %arg8[%get3A_639, %get3A_640] {strides = array<i32>} : memref<200x64xf32, #tpu.memory_space<vmem>>, vector<1x16xf32>,
        %get3A_642 = vector.shape_cast %get3A_641 : vector<1x16xf32> to vector<16xf32>
        %swap3A_643 = arith.constant 0 : i32
        %swap3A_644 = arith.index_cast %swap3A_643 : i32 to index
        %swap3A_645 = arith.index_cast %add3A_638 : i32 to index
        %swap3A_646 = arith.constant 48 : index
        %swap3A_647 = tpu.vector_load %arg7[%swap3A_644, %swap3A_645, %swap3A_646] {strides = array<i32>} : memref<2x400x64xf32, #tpu.memory_space<vmem>>, vector<1x1x16xf32>,
        %swap3A_648 = vector.shape_cast %swap3A_647 : vector<1x1x16xf32> to vector<16xf32>
        %swap3A_649 = vector.shape_cast %get3A_642 : vector<16xf32> to vector<1x1x16xf32>
        tpu.vector_store %arg7[%swap3A_644, %swap3A_645, %swap3A_646], %swap3A_649 {add = true, strides = array<i32>} : memref<2x400x64xf32, #tpu.memory_space<vmem>>, vector<1x1x16xf32>,
        %add3A_650 = arith.constant 200 : i32
        %add3A_651 = arith.addi %add3A_650, %scan3A_599 : i32
        %get3A_652 = arith.index_cast %scan3A_599 : i32 to index
        %get3A_653 = arith.constant 0 : index
        %get3A_654 = tpu.vector_load %arg8[%get3A_652, %get3A_653] {strides = array<i32>} : memref<200x64xf32, #tpu.memory_space<vmem>>, vector<1x16xf32>,
        %get3A_655 = vector.shape_cast %get3A_654 : vector<1x16xf32> to vector<16xf32>
        %swap3A_656 = arith.constant 0 : i32
        %swap3A_657 = arith.index_cast %swap3A_656 : i32 to index
        %swap3A_658 = arith.index_cast %add3A_651 : i32 to index
        %swap3A_659 = arith.constant 0 : index
        %swap3A_660 = tpu.vector_load %arg7[%swap3A_657, %swap3A_658, %swap3A_659] {strides = array<i32>} : memref<2x400x64xf32, #tpu.memory_space<vmem>>, vector<1x1x16xf32>,
        %swap3A_661 = vector.shape_cast %swap3A_660 : vector<1x1x16xf32> to vector<16xf32>
        %swap3A_662 = vector.shape_cast %get3A_655 : vector<16xf32> to vector<1x1x16xf32>
        tpu.vector_store %arg7[%swap3A_657, %swap3A_658, %swap3A_659], %swap3A_662 {add = true, strides = array<i32>} : memref<2x400x64xf32, #tpu.memory_space<vmem>>, vector<1x1x16xf32>,
        %add3A_663 = arith.constant 200 : i32
        %add3A_664 = arith.addi %add3A_663, %scan3A_599 : i32
        %get3A_665 = arith.index_cast %scan3A_599 : i32 to index
        %get3A_666 = arith.constant 16 : index
        %get3A_667 = tpu.vector_load %arg8[%get3A_665, %get3A_666] {strides = array<i32>} : memref<200x64xf32, #tpu.memory_space<vmem>>, vector<1x16xf32>,
        %get3A_668 = vector.shape_cast %get3A_667 : vector<1x16xf32> to vector<16xf32>
        %swap3A_669 = arith.constant 0 : i32
        %swap3A_670 = arith.index_cast %swap3A_669 : i32 to index
        %swap3A_671 = arith.index_cast %add3A_664 : i32 to index
        %swap3A_672 = arith.constant 16 : index
        %swap3A_673 = tpu.vector_load %arg7[%swap3A_670, %swap3A_671, %swap3A_672] {strides = array<i32>} : memref<2x400x64xf32, #tpu.memory_space<vmem>>, vector<1x1x16xf32>,
        %swap3A_674 = vector.shape_cast %swap3A_673 : vector<1x1x16xf32> to vector<16xf32>
        %swap3A_675 = vector.shape_cast %get3A_668 : vector<16xf32> to vector<1x1x16xf32>
        tpu.vector_store %arg7[%swap3A_670, %swap3A_671, %swap3A_672], %swap3A_675 {add = true, strides = array<i32>} : memref<2x400x64xf32, #tpu.memory_space<vmem>>, vector<1x1x16xf32>,
        %add3A_676 = arith.constant 200 : i32
        %add3A_677 = arith.addi %add3A_676, %scan3A_599 : i32
        %get3A_678 = arith.index_cast %scan3A_599 : i32 to index
        %get3A_679 = arith.constant 32 : index
        %get3A_680 = tpu.vector_load %arg8[%get3A_678, %get3A_679] {strides = array<i32>} : memref<200x64xf32, #tpu.memory_space<vmem>>, vector<1x16xf32>,
        %get3A_681 = vector.shape_cast %get3A_680 : vector<1x16xf32> to vector<16xf32>
        %swap3A_682 = arith.constant 0 : i32
        %swap3A_683 = arith.index_cast %swap3A_682 : i32 to index
        %swap3A_684 = arith.index_cast %add3A_677 : i32 to index
        %swap3A_685 = arith.constant 32 : index
        %swap3A_686 = tpu.vector_load %arg7[%swap3A_683, %swap3A_684, %swap3A_685] {strides = array<i32>} : memref<2x400x64xf32, #tpu.memory_space<vmem>>, vector<1x1x16xf32>,
        %swap3A_687 = vector.shape_cast %swap3A_686 : vector<1x1x16xf32> to vector<16xf32>
        %swap3A_688 = vector.shape_cast %get3A_681 : vector<16xf32> to vector<1x1x16xf32>
        tpu.vector_store %arg7[%swap3A_683, %swap3A_684, %swap3A_685], %swap3A_688 {add = true, strides = array<i32>} : memref<2x400x64xf32, #tpu.memory_space<vmem>>, vector<1x1x16xf32>,
        %add3A_689 = arith.constant 200 : i32
        %add3A_690 = arith.addi %add3A_689, %scan3A_599 : i32
        %get3A_691 = arith.index_cast %scan3A_599 : i32 to index
        %get3A_692 = arith.constant 48 : index
        %get3A_693 = tpu.vector_load %arg8[%get3A_691, %get3A_692] {strides = array<i32>} : memref<200x64xf32, #tpu.memory_space<vmem>>, vector<1x16xf32>,
        %get3A_694 = vector.shape_cast %get3A_693 : vector<1x16xf32> to vector<16xf32>
        %swap3A_695 = arith.constant 0 : i32
        %swap3A_696 = arith.index_cast %swap3A_695 : i32 to index
        %swap3A_697 = arith.index_cast %add3A_690 : i32 to index
        %swap3A_698 = arith.constant 48 : index
        %swap3A_699 = tpu.vector_load %arg7[%swap3A_696, %swap3A_697, %swap3A_698] {strides = array<i32>} : memref<2x400x64xf32, #tpu.memory_space<vmem>>, vector<1x1x16xf32>,
        %swap3A_700 = vector.shape_cast %swap3A_699 : vector<1x1x16xf32> to vector<16xf32>
        %swap3A_701 = vector.shape_cast %get3A_694 : vector<16xf32> to vector<1x1x16xf32>
        tpu.vector_store %arg7[%swap3A_696, %swap3A_697, %swap3A_698], %swap3A_701 {add = true, strides = array<i32>} : memref<2x400x64xf32, #tpu.memory_space<vmem>>, vector<1x1x16xf32>,
        %scan3A_702 = arith.constant 1 : i32
        %scan3A_703 = arith.addi %scan3A_599, %scan3A_702 : i32
        %add3A_704 = arith.constant 0 : i32
        %add3A_705 = arith.addi %add3A_704, %scan3A_703 : i32
        %get3A_706 = arith.index_cast %scan3A_703 : i32 to index
        %get3A_707 = arith.constant 0 : index
        %get3A_708 = tpu.vector_load %arg8[%get3A_706, %get3A_707] {strides = array<i32>} : memref<200x64xf32, #tpu.memory_space<vmem>>, vector<1x16xf32>,
        %get3A_709 = vector.shape_cast %get3A_708 : vector<1x16xf32> to vector<16xf32>
        %swap3A_710 = arith.constant 0 : i32
        %swap3A_711 = arith.index_cast %swap3A_710 : i32 to index
        %swap3A_712 = arith.index_cast %add3A_705 : i32 to index
        %swap3A_713 = arith.constant 0 : index
        %swap3A_714 = tpu.vector_load %arg7[%swap3A_711, %swap3A_712, %swap3A_713] {strides = array<i32>} : memref<2x400x64xf32, #tpu.memory_space<vmem>>, vector<1x1x16xf32>,
        %swap3A_715 = vector.shape_cast %swap3A_714 : vector<1x1x16xf32> to vector<16xf32>
        %swap3A_716 = vector.shape_cast %get3A_709 : vector<16xf32> to vector<1x1x16xf32>
        tpu.vector_store %arg7[%swap3A_711, %swap3A_712, %swap3A_713], %swap3A_716 {add = true, strides = array<i32>} : memref<2x400x64xf32, #tpu.memory_space<vmem>>, vector<1x1x16xf32>,
        %add3A_717 = arith.constant 0 : i32
        %add3A_718 = arith.addi %add3A_717, %scan3A_703 : i32
        %get3A_719 = arith.index_cast %scan3A_703 : i32 to index
        %get3A_720 = arith.constant 16 : index
        %get3A_721 = tpu.vector_load %arg8[%get3A_719, %get3A_720] {strides = array<i32>} : memref<200x64xf32, #tpu.memory_space<vmem>>, vector<1x16xf32>,
        %get3A_722 = vector.shape_cast %get3A_721 : vector<1x16xf32> to vector<16xf32>
        %swap3A_723 = arith.constant 0 : i32
        %swap3A_724 = arith.index_cast %swap3A_723 : i32 to index
        %swap3A_725 = arith.index_cast %add3A_718 : i32 to index
        %swap3A_726 = arith.constant 16 : index
        %swap3A_727 = tpu.vector_load %arg7[%swap3A_724, %swap3A_725, %swap3A_726] {strides = array<i32>} : memref<2x400x64xf32, #tpu.memory_space<vmem>>, vector<1x1x16xf32>,
        %swap3A_728 = vector.shape_cast %swap3A_727 : vector<1x1x16xf32> to vector<16xf32>
        %swap3A_729 = vector.shape_cast %get3A_722 : vector<16xf32> to vector<1x1x16xf32>
        tpu.vector_store %arg7[%swap3A_724, %swap3A_725, %swap3A_726], %swap3A_729 {add = true, strides = array<i32>} : memref<2x400x64xf32, #tpu.memory_space<vmem>>, vector<1x1x16xf32>,
        %add3A_730 = arith.constant 0 : i32
        %add3A_731 = arith.addi %add3A_730, %scan3A_703 : i32
        %get3A_732 = arith.index_cast %scan3A_703 : i32 to index
        %get3A_733 = arith.constant 32 : index
        %get3A_734 = tpu.vector_load %arg8[%get3A_732, %get3A_733] {strides = array<i32>} : memref<200x64xf32, #tpu.memory_space<vmem>>, vector<1x16xf32>,
        %get3A_735 = vector.shape_cast %get3A_734 : vector<1x16xf32> to vector<16xf32>
        %swap3A_736 = arith.constant 0 : i32
        %swap3A_737 = arith.index_cast %swap3A_736 : i32 to index
        %swap3A_738 = arith.index_cast %add3A_731 : i32 to index
        %swap3A_739 = arith.constant 32 : index
        %swap3A_740 = tpu.vector_load %arg7[%swap3A_737, %swap3A_738, %swap3A_739] {strides = array<i32>} : memref<2x400x64xf32, #tpu.memory_space<vmem>>, vector<1x1x16xf32>,
        %swap3A_741 = vector.shape_cast %swap3A_740 : vector<1x1x16xf32> to vector<16xf32>
        %swap3A_742 = vector.shape_cast %get3A_735 : vector<16xf32> to vector<1x1x16xf32>
        tpu.vector_store %arg7[%swap3A_737, %swap3A_738, %swap3A_739], %swap3A_742 {add = true, strides = array<i32>} : memref<2x400x64xf32, #tpu.memory_space<vmem>>, vector<1x1x16xf32>,
        %add3A_743 = arith.constant 0 : i32
        %add3A_744 = arith.addi %add3A_743, %scan3A_703 : i32
        %get3A_745 = arith.index_cast %scan3A_703 : i32 to index
        %get3A_746 = arith.constant 48 : index
        %get3A_747 = tpu.vector_load %arg8[%get3A_745, %get3A_746] {strides = array<i32>} : memref<200x64xf32, #tpu.memory_space<vmem>>, vector<1x16xf32>,
        %get3A_748 = vector.shape_cast %get3A_747 : vector<1x16xf32> to vector<16xf32>
        %swap3A_749 = arith.constant 0 : i32
        %swap3A_750 = arith.index_cast %swap3A_749 : i32 to index
        %swap3A_751 = arith.index_cast %add3A_744 : i32 to index
        %swap3A_752 = arith.constant 48 : index
        %swap3A_753 = tpu.vector_load %arg7[%swap3A_750, %swap3A_751, %swap3A_752] {strides = array<i32>} : memref<2x400x64xf32, #tpu.memory_space<vmem>>, vector<1x1x16xf32>,
        %swap3A_754 = vector.shape_cast %swap3A_753 : vector<1x1x16xf32> to vector<16xf32>
        %swap3A_755 = vector.shape_cast %get3A_748 : vector<16xf32> to vector<1x1x16xf32>
        tpu.vector_store %arg7[%swap3A_750, %swap3A_751, %swap3A_752], %swap3A_755 {add = true, strides = array<i32>} : memref<2x400x64xf32, #tpu.memory_space<vmem>>, vector<1x1x16xf32>,
        %add3A_756 = arith.constant 200 : i32
        %add3A_757 = arith.addi %add3A_756, %scan3A_703 : i32
        %get3A_758 = arith.index_cast %scan3A_703 : i32 to index
        %get3A_759 = arith.constant 0 : index
        %get3A_760 = tpu.vector_load %arg8[%get3A_758, %get3A_759] {strides = array<i32>} : memref<200x64xf32, #tpu.memory_space<vmem>>, vector<1x16xf32>,
        %get3A_761 = vector.shape_cast %get3A_760 : vector<1x16xf32> to vector<16xf32>
        %swap3A_762 = arith.constant 0 : i32
        %swap3A_763 = arith.index_cast %swap3A_762 : i32 to index
        %swap3A_764 = arith.index_cast %add3A_757 : i32 to index
        %swap3A_765 = arith.constant 0 : index
        %swap3A_766 = tpu.vector_load %arg7[%swap3A_763, %swap3A_764, %swap3A_765] {strides = array<i32>} : memref<2x400x64xf32, #tpu.memory_space<vmem>>, vector<1x1x16xf32>,
        %swap3A_767 = vector.shape_cast %swap3A_766 : vector<1x1x16xf32> to vector<16xf32>
        %swap3A_768 = vector.shape_cast %get3A_761 : vector<16xf32> to vector<1x1x16xf32>
        tpu.vector_store %arg7[%swap3A_763, %swap3A_764, %swap3A_765], %swap3A_768 {add = true, strides = array<i32>} : memref<2x400x64xf32, #tpu.memory_space<vmem>>, vector<1x1x16xf32>,
        %add3A_769 = arith.constant 200 : i32
        %add3A_770 = arith.addi %add3A_769, %scan3A_703 : i32
        %get3A_771 = arith.index_cast %scan3A_703 : i32 to index
        %get3A_772 = arith.constant 16 : index
        %get3A_773 = tpu.vector_load %arg8[%get3A_771, %get3A_772] {strides = array<i32>} : memref<200x64xf32, #tpu.memory_space<vmem>>, vector<1x16xf32>,
        %get3A_774 = vector.shape_cast %get3A_773 : vector<1x16xf32> to vector<16xf32>
        %swap3A_775 = arith.constant 0 : i32
        %swap3A_776 = arith.index_cast %swap3A_775 : i32 to index
        %swap3A_777 = arith.index_cast %add3A_770 : i32 to index
        %swap3A_778 = arith.constant 16 : index
        %swap3A_779 = tpu.vector_load %arg7[%swap3A_776, %swap3A_777, %swap3A_778] {strides = array<i32>} : memref<2x400x64xf32, #tpu.memory_space<vmem>>, vector<1x1x16xf32>,
        %swap3A_780 = vector.shape_cast %swap3A_779 : vector<1x1x16xf32> to vector<16xf32>
        %swap3A_781 = vector.shape_cast %get3A_774 : vector<16xf32> to vector<1x1x16xf32>
        tpu.vector_store %arg7[%swap3A_776, %swap3A_777, %swap3A_778], %swap3A_781 {add = true, strides = array<i32>} : memref<2x400x64xf32, #tpu.memory_space<vmem>>, vector<1x1x16xf32>,
        %add3A_782 = arith.constant 200 : i32
        %add3A_783 = arith.addi %add3A_782, %scan3A_703 : i32
        %get3A_784 = arith.index_cast %scan3A_703 : i32 to index
        %get3A_785 = arith.constant 32 : index
        %get3A_786 = tpu.vector_load %arg8[%get3A_784, %get3A_785] {strides = array<i32>} : memref<200x64xf32, #tpu.memory_space<vmem>>, vector<1x16xf32>,
        %get3A_787 = vector.shape_cast %get3A_786 : vector<1x16xf32> to vector<16xf32>
        %swap3A_788 = arith.constant 0 : i32
        %swap3A_789 = arith.index_cast %swap3A_788 : i32 to index
        %swap3A_790 = arith.index_cast %add3A_783 : i32 to index
        %swap3A_791 = arith.constant 32 : index
        %swap3A_792 = tpu.vector_load %arg7[%swap3A_789, %swap3A_790, %swap3A_791] {strides = array<i32>} : memref<2x400x64xf32, #tpu.memory_space<vmem>>, vector<1x1x16xf32>,
        %swap3A_793 = vector.shape_cast %swap3A_792 : vector<1x1x16xf32> to vector<16xf32>
        %swap3A_794 = vector.shape_cast %get3A_787 : vector<16xf32> to vector<1x1x16xf32>
        tpu.vector_store %arg7[%swap3A_789, %swap3A_790, %swap3A_791], %swap3A_794 {add = true, strides = array<i32>} : memref<2x400x64xf32, #tpu.memory_space<vmem>>, vector<1x1x16xf32>,
        %add3A_795 = arith.constant 200 : i32
        %add3A_796 = arith.addi %add3A_795, %scan3A_703 : i32
        %get3A_797 = arith.index_cast %scan3A_703 : i32 to index
        %get3A_798 = arith.constant 48 : index
        %get3A_799 = tpu.vector_load %arg8[%get3A_797, %get3A_798] {strides = array<i32>} : memref<200x64xf32, #tpu.memory_space<vmem>>, vector<1x16xf32>,
        %get3A_800 = vector.shape_cast %get3A_799 : vector<1x16xf32> to vector<16xf32>
        %swap3A_801 = arith.constant 0 : i32
        %swap3A_802 = arith.index_cast %swap3A_801 : i32 to index
        %swap3A_803 = arith.index_cast %add3A_796 : i32 to index
        %swap3A_804 = arith.constant 48 : index
        %swap3A_805 = tpu.vector_load %arg7[%swap3A_802, %swap3A_803, %swap3A_804] {strides = array<i32>} : memref<2x400x64xf32, #tpu.memory_space<vmem>>, vector<1x1x16xf32>,
        %swap3A_806 = vector.shape_cast %swap3A_805 : vector<1x1x16xf32> to vector<16xf32>
        %swap3A_807 = vector.shape_cast %get3A_800 : vector<16xf32> to vector<1x1x16xf32>
        tpu.vector_store %arg7[%swap3A_802, %swap3A_803, %swap3A_804], %swap3A_807 {add = true, strides = array<i32>} : memref<2x400x64xf32, #tpu.memory_space<vmem>>, vector<1x1x16xf32>,
        %scan3A_808 = arith.constant 2 : i32
        %scan3A_809 = arith.addi %scan3A_599, %scan3A_808 : i32
        %add3A_810 = arith.constant 0 : i32
        %add3A_811 = arith.addi %add3A_810, %scan3A_809 : i32
        %get3A_812 = arith.index_cast %scan3A_809 : i32 to index
        %get3A_813 = arith.constant 0 : index
        %get3A_814 = tpu.vector_load %arg8[%get3A_812, %get3A_813] {strides = array<i32>} : memref<200x64xf32, #tpu.memory_space<vmem>>, vector<1x16xf32>,
        %get3A_815 = vector.shape_cast %get3A_814 : vector<1x16xf32> to vector<16xf32>
        %swap3A_816 = arith.constant 0 : i32
        %swap3A_817 = arith.index_cast %swap3A_816 : i32 to index
        %swap3A_818 = arith.index_cast %add3A_811 : i32 to index
        %swap3A_819 = arith.constant 0 : index
        %swap3A_820 = tpu.vector_load %arg7[%swap3A_817, %swap3A_818, %swap3A_819] {strides = array<i32>} : memref<2x400x64xf32, #tpu.memory_space<vmem>>, vector<1x1x16xf32>,
        %swap3A_821 = vector.shape_cast %swap3A_820 : vector<1x1x16xf32> to vector<16xf32>
        %swap3A_822 = vector.shape_cast %get3A_815 : vector<16xf32> to vector<1x1x16xf32>
        tpu.vector_store %arg7[%swap3A_817, %swap3A_818, %swap3A_819], %swap3A_822 {add = true, strides = array<i32>} : memref<2x400x64xf32, #tpu.memory_space<vmem>>, vector<1x1x16xf32>,
        %add3A_823 = arith.constant 0 : i32
        %add3A_824 = arith.addi %add3A_823, %scan3A_809 : i32
        %get3A_825 = arith.index_cast %scan3A_809 : i32 to index
        %get3A_826 = arith.constant 16 : index
        %get3A_827 = tpu.vector_load %arg8[%get3A_825, %get3A_826] {strides = array<i32>} : memref<200x64xf32, #tpu.memory_space<vmem>>, vector<1x16xf32>,
        %get3A_828 = vector.shape_cast %get3A_827 : vector<1x16xf32> to vector<16xf32>
        %swap3A_829 = arith.constant 0 : i32
        %swap3A_830 = arith.index_cast %swap3A_829 : i32 to index
        %swap3A_831 = arith.index_cast %add3A_824 : i32 to index
        %swap3A_832 = arith.constant 16 : index
        %swap3A_833 = tpu.vector_load %arg7[%swap3A_830, %swap3A_831, %swap3A_832] {strides = array<i32>} : memref<2x400x64xf32, #tpu.memory_space<vmem>>, vector<1x1x16xf32>,
        %swap3A_834 = vector.shape_cast %swap3A_833 : vector<1x1x16xf32> to vector<16xf32>
        %swap3A_835 = vector.shape_cast %get3A_828 : vector<16xf32> to vector<1x1x16xf32>
        tpu.vector_store %arg7[%swap3A_830, %swap3A_831, %swap3A_832], %swap3A_835 {add = true, strides = array<i32>} : memref<2x400x64xf32, #tpu.memory_space<vmem>>, vector<1x1x16xf32>,
        %add3A_836 = arith.constant 0 : i32
        %add3A_837 = arith.addi %add3A_836, %scan3A_809 : i32
        %get3A_838 = arith.index_cast %scan3A_809 : i32 to index
        %get3A_839 = arith.constant 32 : index
        %get3A_840 = tpu.vector_load %arg8[%get3A_838, %get3A_839] {strides = array<i32>} : memref<200x64xf32, #tpu.memory_space<vmem>>, vector<1x16xf32>,
        %get3A_841 = vector.shape_cast %get3A_840 : vector<1x16xf32> to vector<16xf32>
        %swap3A_842 = arith.constant 0 : i32
        %swap3A_843 = arith.index_cast %swap3A_842 : i32 to index
        %swap3A_844 = arith.index_cast %add3A_837 : i32 to index
        %swap3A_845 = arith.constant 32 : index
        %swap3A_846 = tpu.vector_load %arg7[%swap3A_843, %swap3A_844, %swap3A_845] {strides = array<i32>} : memref<2x400x64xf32, #tpu.memory_space<vmem>>, vector<1x1x16xf32>,
        %swap3A_847 = vector.shape_cast %swap3A_846 : vector<1x1x16xf32> to vector<16xf32>
        %swap3A_848 = vector.shape_cast %get3A_841 : vector<16xf32> to vector<1x1x16xf32>
        tpu.vector_store %arg7[%swap3A_843, %swap3A_844, %swap3A_845], %swap3A_848 {add = true, strides = array<i32>} : memref<2x400x64xf32, #tpu.memory_space<vmem>>, vector<1x1x16xf32>,
        %add3A_849 = arith.constant 0 : i32
        %add3A_850 = arith.addi %add3A_849, %scan3A_809 : i32
        %get3A_851 = arith.index_cast %scan3A_809 : i32 to index
        %get3A_852 = arith.constant 48 : index
        %get3A_853 = tpu.vector_load %arg8[%get3A_851, %get3A_852] {strides = array<i32>} : memref<200x64xf32, #tpu.memory_space<vmem>>, vector<1x16xf32>,
        %get3A_854 = vector.shape_cast %get3A_853 : vector<1x16xf32> to vector<16xf32>
        %swap3A_855 = arith.constant 0 : i32
        %swap3A_856 = arith.index_cast %swap3A_855 : i32 to index
        %swap3A_857 = arith.index_cast %add3A_850 : i32 to index
        %swap3A_858 = arith.constant 48 : index
        %swap3A_859 = tpu.vector_load %arg7[%swap3A_856, %swap3A_857, %swap3A_858] {strides = array<i32>} : memref<2x400x64xf32, #tpu.memory_space<vmem>>, vector<1x1x16xf32>,
        %swap3A_860 = vector.shape_cast %swap3A_859 : vector<1x1x16xf32> to vector<16xf32>
        %swap3A_861 = vector.shape_cast %get3A_854 : vector<16xf32> to vector<1x1x16xf32>
        tpu.vector_store %arg7[%swap3A_856, %swap3A_857, %swap3A_858], %swap3A_861 {add = true, strides = array<i32>} : memref<2x400x64xf32, #tpu.memory_space<vmem>>, vector<1x1x16xf32>,
        %add3A_862 = arith.constant 200 : i32
        %add3A_863 = arith.addi %add3A_862, %scan3A_809 : i32
        %get3A_864 = arith.index_cast %scan3A_809 : i32 to index
        %get3A_865 = arith.constant 0 : index
        %get3A_866 = tpu.vector_load %arg8[%get3A_864, %get3A_865] {strides = array<i32>} : memref<200x64xf32, #tpu.memory_space<vmem>>, vector<1x16xf32>,
        %get3A_867 = vector.shape_cast %get3A_866 : vector<1x16xf32> to vector<16xf32>
        %swap3A_868 = arith.constant 0 : i32
        %swap3A_869 = arith.index_cast %swap3A_868 : i32 to index
        %swap3A_870 = arith.index_cast %add3A_863 : i32 to index
        %swap3A_871 = arith.constant 0 : index
        %swap3A_872 = tpu.vector_load %arg7[%swap3A_869, %swap3A_870, %swap3A_871] {strides = array<i32>} : memref<2x400x64xf32, #tpu.memory_space<vmem>>, vector<1x1x16xf32>,
        %swap3A_873 = vector.shape_cast %swap3A_872 : vector<1x1x16xf32> to vector<16xf32>
        %swap3A_874 = vector.shape_cast %get3A_867 : vector<16xf32> to vector<1x1x16xf32>
        tpu.vector_store %arg7[%swap3A_869, %swap3A_870, %swap3A_871], %swap3A_874 {add = true, strides = array<i32>} : memref<2x400x64xf32, #tpu.memory_space<vmem>>, vector<1x1x16xf32>,
        %add3A_875 = arith.constant 200 : i32
        %add3A_876 = arith.addi %add3A_875, %scan3A_809 : i32
        %get3A_877 = arith.index_cast %scan3A_809 : i32 to index
        %get3A_878 = arith.constant 16 : index
        %get3A_879 = tpu.vector_load %arg8[%get3A_877, %get3A_878] {strides = array<i32>} : memref<200x64xf32, #tpu.memory_space<vmem>>, vector<1x16xf32>,
        %get3A_880 = vector.shape_cast %get3A_879 : vector<1x16xf32> to vector<16xf32>
        %swap3A_881 = arith.constant 0 : i32
        %swap3A_882 = arith.index_cast %swap3A_881 : i32 to index
        %swap3A_883 = arith.index_cast %add3A_876 : i32 to index
        %swap3A_884 = arith.constant 16 : index
        %swap3A_885 = tpu.vector_load %arg7[%swap3A_882, %swap3A_883, %swap3A_884] {strides = array<i32>} : memref<2x400x64xf32, #tpu.memory_space<vmem>>, vector<1x1x16xf32>,
        %swap3A_886 = vector.shape_cast %swap3A_885 : vector<1x1x16xf32> to vector<16xf32>
        %swap3A_887 = vector.shape_cast %get3A_880 : vector<16xf32> to vector<1x1x16xf32>
        tpu.vector_store %arg7[%swap3A_882, %swap3A_883, %swap3A_884], %swap3A_887 {add = true, strides = array<i32>} : memref<2x400x64xf32, #tpu.memory_space<vmem>>, vector<1x1x16xf32>,
        %add3A_888 = arith.constant 200 : i32
        %add3A_889 = arith.addi %add3A_888, %scan3A_809 : i32
        %get3A_890 = arith.index_cast %scan3A_809 : i32 to index
        %get3A_891 = arith.constant 32 : index
        %get3A_892 = tpu.vector_load %arg8[%get3A_890, %get3A_891] {strides = array<i32>} : memref<200x64xf32, #tpu.memory_space<vmem>>, vector<1x16xf32>,
        %get3A_893 = vector.shape_cast %get3A_892 : vector<1x16xf32> to vector<16xf32>
        %swap3A_894 = arith.constant 0 : i32
        %swap3A_895 = arith.index_cast %swap3A_894 : i32 to index
        %swap3A_896 = arith.index_cast %add3A_889 : i32 to index
        %swap3A_897 = arith.constant 32 : index
        %swap3A_898 = tpu.vector_load %arg7[%swap3A_895, %swap3A_896, %swap3A_897] {strides = array<i32>} : memref<2x400x64xf32, #tpu.memory_space<vmem>>, vector<1x1x16xf32>,
        %swap3A_899 = vector.shape_cast %swap3A_898 : vector<1x1x16xf32> to vector<16xf32>
        %swap3A_900 = vector.shape_cast %get3A_893 : vector<16xf32> to vector<1x1x16xf32>
        tpu.vector_store %arg7[%swap3A_895, %swap3A_896, %swap3A_897], %swap3A_900 {add = true, strides = array<i32>} : memref<2x400x64xf32, #tpu.memory_space<vmem>>, vector<1x1x16xf32>,
        %add3A_901 = arith.constant 200 : i32
        %add3A_902 = arith.addi %add3A_901, %scan3A_809 : i32
        %get3A_903 = arith.index_cast %scan3A_809 : i32 to index
        %get3A_904 = arith.constant 48 : index
        %get3A_905 = tpu.vector_load %arg8[%get3A_903, %get3A_904] {strides = array<i32>} : memref<200x64xf32, #tpu.memory_space<vmem>>, vector<1x16xf32>,
        %get3A_906 = vector.shape_cast %get3A_905 : vector<1x16xf32> to vector<16xf32>
        %swap3A_907 = arith.constant 0 : i32
        %swap3A_908 = arith.index_cast %swap3A_907 : i32 to index
        %swap3A_909 = arith.index_cast %add3A_902 : i32 to index
        %swap3A_910 = arith.constant 48 : index
        %swap3A_911 = tpu.vector_load %arg7[%swap3A_908, %swap3A_909, %swap3A_910] {strides = array<i32>} : memref<2x400x64xf32, #tpu.memory_space<vmem>>, vector<1x1x16xf32>,
        %swap3A_912 = vector.shape_cast %swap3A_911 : vector<1x1x16xf32> to vector<16xf32>
        %swap3A_913 = vector.shape_cast %get3A_906 : vector<16xf32> to vector<1x1x16xf32>
        tpu.vector_store %arg7[%swap3A_908, %swap3A_909, %swap3A_910], %swap3A_913 {add = true, strides = array<i32>} : memref<2x400x64xf32, #tpu.memory_space<vmem>>, vector<1x1x16xf32>,
        %scan3A_914 = arith.constant 3 : i32
        %scan3A_915 = arith.addi %scan3A_599, %scan3A_914 : i32
        %add3A_916 = arith.constant 0 : i32
        %add3A_917 = arith.addi %add3A_916, %scan3A_915 : i32
        %get3A_918 = arith.index_cast %scan3A_915 : i32 to index
        %get3A_919 = arith.constant 0 : index
        %get3A_920 = tpu.vector_load %arg8[%get3A_918, %get3A_919] {strides = array<i32>} : memref<200x64xf32, #tpu.memory_space<vmem>>, vector<1x16xf32>,
        %get3A_921 = vector.shape_cast %get3A_920 : vector<1x16xf32> to vector<16xf32>
        %swap3A_922 = arith.constant 0 : i32
        %swap3A_923 = arith.index_cast %swap3A_922 : i32 to index
        %swap3A_924 = arith.index_cast %add3A_917 : i32 to index
        %swap3A_925 = arith.constant 0 : index
        %swap3A_926 = tpu.vector_load %arg7[%swap3A_923, %swap3A_924, %swap3A_925] {strides = array<i32>} : memref<2x400x64xf32, #tpu.memory_space<vmem>>, vector<1x1x16xf32>,
        %swap3A_927 = vector.shape_cast %swap3A_926 : vector<1x1x16xf32> to vector<16xf32>
        %swap3A_928 = vector.shape_cast %get3A_921 : vector<16xf32> to vector<1x1x16xf32>
        tpu.vector_store %arg7[%swap3A_923, %swap3A_924, %swap3A_925], %swap3A_928 {add = true, strides = array<i32>} : memref<2x400x64xf32, #tpu.memory_space<vmem>>, vector<1x1x16xf32>,
        %add3A_929 = arith.constant 0 : i32
        %add3A_930 = arith.addi %add3A_929, %scan3A_915 : i32
        %get3A_931 = arith.index_cast %scan3A_915 : i32 to index
        %get3A_932 = arith.constant 16 : index
        %get3A_933 = tpu.vector_load %arg8[%get3A_931, %get3A_932] {strides = array<i32>} : memref<200x64xf32, #tpu.memory_space<vmem>>, vector<1x16xf32>,
        %get3A_934 = vector.shape_cast %get3A_933 : vector<1x16xf32> to vector<16xf32>
        %swap3A_935 = arith.constant 0 : i32
        %swap3A_936 = arith.index_cast %swap3A_935 : i32 to index
        %swap3A_937 = arith.index_cast %add3A_930 : i32 to index
        %swap3A_938 = arith.constant 16 : index
        %swap3A_939 = tpu.vector_load %arg7[%swap3A_936, %swap3A_937, %swap3A_938] {strides = array<i32>} : memref<2x400x64xf32, #tpu.memory_space<vmem>>, vector<1x1x16xf32>,
        %swap3A_940 = vector.shape_cast %swap3A_939 : vector<1x1x16xf32> to vector<16xf32>
        %swap3A_941 = vector.shape_cast %get3A_934 : vector<16xf32> to vector<1x1x16xf32>
        tpu.vector_store %arg7[%swap3A_936, %swap3A_937, %swap3A_938], %swap3A_941 {add = true, strides = array<i32>} : memref<2x400x64xf32, #tpu.memory_space<vmem>>, vector<1x1x16xf32>,
        %add3A_942 = arith.constant 0 : i32
        %add3A_943 = arith.addi %add3A_942, %scan3A_915 : i32
        %get3A_944 = arith.index_cast %scan3A_915 : i32 to index
        %get3A_945 = arith.constant 32 : index
        %get3A_946 = tpu.vector_load %arg8[%get3A_944, %get3A_945] {strides = array<i32>} : memref<200x64xf32, #tpu.memory_space<vmem>>, vector<1x16xf32>,
        %get3A_947 = vector.shape_cast %get3A_946 : vector<1x16xf32> to vector<16xf32>
        %swap3A_948 = arith.constant 0 : i32
        %swap3A_949 = arith.index_cast %swap3A_948 : i32 to index
        %swap3A_950 = arith.index_cast %add3A_943 : i32 to index
        %swap3A_951 = arith.constant 32 : index
        %swap3A_952 = tpu.vector_load %arg7[%swap3A_949, %swap3A_950, %swap3A_951] {strides = array<i32>} : memref<2x400x64xf32, #tpu.memory_space<vmem>>, vector<1x1x16xf32>,
        %swap3A_953 = vector.shape_cast %swap3A_952 : vector<1x1x16xf32> to vector<16xf32>
        %swap3A_954 = vector.shape_cast %get3A_947 : vector<16xf32> to vector<1x1x16xf32>
        tpu.vector_store %arg7[%swap3A_949, %swap3A_950, %swap3A_951], %swap3A_954 {add = true, strides = array<i32>} : memref<2x400x64xf32, #tpu.memory_space<vmem>>, vector<1x1x16xf32>,
        %add3A_955 = arith.constant 0 : i32
        %add3A_956 = arith.addi %add3A_955, %scan3A_915 : i32
        %get3A_957 = arith.index_cast %scan3A_915 : i32 to index
        %get3A_958 = arith.constant 48 : index
        %get3A_959 = tpu.vector_load %arg8[%get3A_957, %get3A_958] {strides = array<i32>} : memref<200x64xf32, #tpu.memory_space<vmem>>, vector<1x16xf32>,
        %get3A_960 = vector.shape_cast %get3A_959 : vector<1x16xf32> to vector<16xf32>
        %swap3A_961 = arith.constant 0 : i32
        %swap3A_962 = arith.index_cast %swap3A_961 : i32 to index
        %swap3A_963 = arith.index_cast %add3A_956 : i32 to index
        %swap3A_964 = arith.constant 48 : index
        %swap3A_965 = tpu.vector_load %arg7[%swap3A_962, %swap3A_963, %swap3A_964] {strides = array<i32>} : memref<2x400x64xf32, #tpu.memory_space<vmem>>, vector<1x1x16xf32>,
        %swap3A_966 = vector.shape_cast %swap3A_965 : vector<1x1x16xf32> to vector<16xf32>
        %swap3A_967 = vector.shape_cast %get3A_960 : vector<16xf32> to vector<1x1x16xf32>
        tpu.vector_store %arg7[%swap3A_962, %swap3A_963, %swap3A_964], %swap3A_967 {add = true, strides = array<i32>} : memref<2x400x64xf32, #tpu.memory_space<vmem>>, vector<1x1x16xf32>,
        %add3A_968 = arith.constant 200 : i32
        %add3A_969 = arith.addi %add3A_968, %scan3A_915 : i32
        %get3A_970 = arith.index_cast %scan3A_915 : i32 to index
        %get3A_971 = arith.constant 0 : index
        %get3A_972 = tpu.vector_load %arg8[%get3A_970, %get3A_971] {strides = array<i32>} : memref<200x64xf32, #tpu.memory_space<vmem>>, vector<1x16xf32>,
        %get3A_973 = vector.shape_cast %get3A_972 : vector<1x16xf32> to vector<16xf32>
        %swap3A_974 = arith.constant 0 : i32
        %swap3A_975 = arith.index_cast %swap3A_974 : i32 to index
        %swap3A_976 = arith.index_cast %add3A_969 : i32 to index
        %swap3A_977 = arith.constant 0 : index
        %swap3A_978 = tpu.vector_load %arg7[%swap3A_975, %swap3A_976, %swap3A_977] {strides = array<i32>} : memref<2x400x64xf32, #tpu.memory_space<vmem>>, vector<1x1x16xf32>,
        %swap3A_979 = vector.shape_cast %swap3A_978 : vector<1x1x16xf32> to vector<16xf32>
        %swap3A_980 = vector.shape_cast %get3A_973 : vector<16xf32> to vector<1x1x16xf32>
        tpu.vector_store %arg7[%swap3A_975, %swap3A_976, %swap3A_977], %swap3A_980 {add = true, strides = array<i32>} : memref<2x400x64xf32, #tpu.memory_space<vmem>>, vector<1x1x16xf32>,
        %add3A_981 = arith.constant 200 : i32
        %add3A_982 = arith.addi %add3A_981, %scan3A_915 : i32
        %get3A_983 = arith.index_cast %scan3A_915 : i32 to index
        %get3A_984 = arith.constant 16 : index
        %get3A_985 = tpu.vector_load %arg8[%get3A_983, %get3A_984] {strides = array<i32>} : memref<200x64xf32, #tpu.memory_space<vmem>>, vector<1x16xf32>,
        %get3A_986 = vector.shape_cast %get3A_985 : vector<1x16xf32> to vector<16xf32>
        %swap3A_987 = arith.constant 0 : i32
        %swap3A_988 = arith.index_cast %swap3A_987 : i32 to index
        %swap3A_989 = arith.index_cast %add3A_982 : i32 to index
        %swap3A_990 = arith.constant 16 : index
        %swap3A_991 = tpu.vector_load %arg7[%swap3A_988, %swap3A_989, %swap3A_990] {strides = array<i32>} : memref<2x400x64xf32, #tpu.memory_space<vmem>>, vector<1x1x16xf32>,
        %swap3A_992 = vector.shape_cast %swap3A_991 : vector<1x1x16xf32> to vector<16xf32>
        %swap3A_993 = vector.shape_cast %get3A_986 : vector<16xf32> to vector<1x1x16xf32>
        tpu.vector_store %arg7[%swap3A_988, %swap3A_989, %swap3A_990], %swap3A_993 {add = true, strides = array<i32>} : memref<2x400x64xf32, #tpu.memory_space<vmem>>, vector<1x1x16xf32>,
        %add3A_994 = arith.constant 200 : i32
        %add3A_995 = arith.addi %add3A_994, %scan3A_915 : i32
        %get3A_996 = arith.index_cast %scan3A_915 : i32 to index
        %get3A_997 = arith.constant 32 : index
        %get3A_998 = tpu.vector_load %arg8[%get3A_996, %get3A_997] {strides = array<i32>} : memref<200x64xf32, #tpu.memory_space<vmem>>, vector<1x16xf32>,
        %get3A_999 = vector.shape_cast %get3A_998 : vector<1x16xf32> to vector<16xf32>
        %swap3A_1000 = arith.constant 0 : i32
        %swap3A_1001 = arith.index_cast %swap3A_1000 : i32 to index
        %swap3A_1002 = arith.index_cast %add3A_995 : i32 to index
        %swap3A_1003 = arith.constant 32 : index
        %swap3A_1004 = tpu.vector_load %arg7[%swap3A_1001, %swap3A_1002, %swap3A_1003] {strides = array<i32>} : memref<2x400x64xf32, #tpu.memory_space<vmem>>, vector<1x1x16xf32>,
        %swap3A_1005 = vector.shape_cast %swap3A_1004 : vector<1x1x16xf32> to vector<16xf32>
        %swap3A_1006 = vector.shape_cast %get3A_999 : vector<16xf32> to vector<1x1x16xf32>
        tpu.vector_store %arg7[%swap3A_1001, %swap3A_1002, %swap3A_1003], %swap3A_1006 {add = true, strides = array<i32>} : memref<2x400x64xf32, #tpu.memory_space<vmem>>, vector<1x1x16xf32>,
        %add3A_1007 = arith.constant 200 : i32
        %add3A_1008 = arith.addi %add3A_1007, %scan3A_915 : i32
        %get3A_1009 = arith.index_cast %scan3A_915 : i32 to index
        %get3A_1010 = arith.constant 48 : index
        %get3A_1011 = tpu.vector_load %arg8[%get3A_1009, %get3A_1010] {strides = array<i32>} : memref<200x64xf32, #tpu.memory_space<vmem>>, vector<1x16xf32>,
        %get3A_1012 = vector.shape_cast %get3A_1011 : vector<1x16xf32> to vector<16xf32>
        %swap3A_1013 = arith.constant 0 : i32
        %swap3A_1014 = arith.index_cast %swap3A_1013 : i32 to index
        %swap3A_1015 = arith.index_cast %add3A_1008 : i32 to index
        %swap3A_1016 = arith.constant 48 : index
        %swap3A_1017 = tpu.vector_load %arg7[%swap3A_1014, %swap3A_1015, %swap3A_1016] {strides = array<i32>} : memref<2x400x64xf32, #tpu.memory_space<vmem>>, vector<1x1x16xf32>,
        %swap3A_1018 = vector.shape_cast %swap3A_1017 : vector<1x1x16xf32> to vector<16xf32>
        %swap3A_1019 = vector.shape_cast %get3A_1012 : vector<16xf32> to vector<1x1x16xf32>
        tpu.vector_store %arg7[%swap3A_1014, %swap3A_1015, %swap3A_1016], %swap3A_1019 {add = true, strides = array<i32>} : memref<2x400x64xf32, #tpu.memory_space<vmem>>, vector<1x1x16xf32>,
      }
      %scan3A_502 = arith.constant 200 : i32
      %mul3A_503 = arith.constant 400 : i32
      %mul3A_504 = arith.muli %add3A_437, %mul3A_503 : i32
      %add3A_505 = arith.addi %mul3A_2, %mul3A_504 : i32
      %dma_start3A_506 = arith.constant 0 : i32
      %dma_start3A_507 = arith.constant 0 : i32
      %dma_start3A_508 = arith.constant 0 : i32
      %dma_start3A_509 = tpu.memref_slice %arg7[%dma_start3A_506, %dma_start3A_507, %dma_start3A_508] : memref<2x400x64xf32, #tpu.memory_space<vmem>> -> memref<1x400x64xf32, #tpu.memory_space<vmem>>
      %dma_start3A_510 = tpu.memref_squeeze %dma_start3A_509 : memref<1x400x64xf32, #tpu.memory_space<vmem>> -> memref<400x64xf32, #tpu.memory_space<vmem>>
      %dma_start3A_511 = arith.constant 0 : i32
      %dma_start3A_512 = tpu.memref_slice %arg5[%add3A_505, %dma_start3A_511] : memref<819200x64xf32, #tpu.memory_space<hbm>> -> memref<400x64xf32, #tpu.memory_space<hbm>>
      %dma_start3A_513 = arith.constant 0 : i32
      %dma_start3A_514 = tpu.memref_slice %arg5[%add3A_505, %dma_start3A_513] : memref<819200x64xf32, #tpu.memory_space<hbm>> -> memref<400x64xf32, #tpu.memory_space<hbm>>
      %dma_start3A_515 = arith.constant 0 : i32
      %dma_start3A_516 = arith.constant 0 : i32
      %dma_start3A_517 = tpu.memref_slice %arg7[%dma_start3A_506, %dma_start3A_515, %dma_start3A_516] : memref<2x400x64xf32, #tpu.memory_space<vmem>> -> memref<1x400x64xf32, #tpu.memory_space<vmem>>
      %dma_start3A_518 = tpu.memref_squeeze %dma_start3A_517 : memref<1x400x64xf32, #tpu.memory_space<vmem>> -> memref<400x64xf32, #tpu.memory_space<vmem>>
      tpu.enqueue_dma source(%dma_start3A_518 : memref<400x64xf32, #tpu.memory_space<vmem>>) target(%dma_start3A_514 : memref<400x64xf32, #tpu.memory_space<hbm>>) target_semaphore(%arg11 : memref<!tpu.dma_semaphore, #tpu.memory_space<semaphore_mem>>)
      %sub3A_519 = arith.constant 1 : i32
      %sub3A_520 = arith.subi %add3A_437, %sub3A_519 : i32
      %mul3A_521 = arith.constant 400 : i32
      %mul3A_522 = arith.muli %sub3A_520, %mul3A_521 : i32
      %add3A_523 = arith.addi %mul3A_2, %mul3A_522 : i32
      %dma_wait3A_524 = arith.constant 1 : i32
      %dma_wait3A_525 = arith.constant 0 : i32
      %dma_wait3A_526 = arith.constant 0 : i32
      %dma_wait3A_527 = tpu.memref_slice %arg7[%dma_wait3A_524, %dma_wait3A_525, %dma_wait3A_526] : memref<2x400x64xf32, #tpu.memory_space<vmem>> -> memref<1x400x64xf32, #tpu.memory_space<vmem>>
      %dma_wait3A_528 = tpu.memref_squeeze %dma_wait3A_527 : memref<1x400x64xf32, #tpu.memory_space<vmem>> -> memref<400x64xf32, #tpu.memory_space<vmem>>
      %dma_wait3A_529 = arith.constant 0 : i32
      %dma_wait3A_530 = tpu.memref_slice %arg5[%add3A_523, %dma_wait3A_529] : memref<819200x64xf32, #tpu.memory_space<hbm>> -> memref<400x64xf32, #tpu.memory_space<hbm>>
      %dma_wait3A_531 = arith.constant 0 : i32
      %dma_wait3A_532 = tpu.memref_slice %arg5[%add3A_523, %dma_wait3A_531] : memref<819200x64xf32, #tpu.memory_space<hbm>> -> memref<400x64xf32, #tpu.memory_space<hbm>>
      %dma_wait3A_533 = arith.constant 0 : i32
      %dma_wait3A_534 = arith.constant 0 : i32
      %dma_wait3A_535 = tpu.memref_slice %arg7[%dma_wait3A_524, %dma_wait3A_533, %dma_wait3A_534] : memref<2x400x64xf32, #tpu.memory_space<vmem>> -> memref<1x400x64xf32, #tpu.memory_space<vmem>>
      %dma_wait3A_536 = tpu.memref_squeeze %dma_wait3A_535 : memref<1x400x64xf32, #tpu.memory_space<vmem>> -> memref<400x64xf32, #tpu.memory_space<vmem>>
      tpu.wait_dma2 semaphore(%arg12 : memref<!tpu.dma_semaphore, #tpu.memory_space<semaphore_mem>>) src(%dma_wait3A_536 : memref<400x64xf32, #tpu.memory_space<vmem>>) dst(%dma_wait3A_532 : memref<400x64xf32, #tpu.memory_space<hbm>>)
      %add3A_537 = arith.constant 1 : i32
      %add3A_538 = arith.addi %add3A_437, %add3A_537 : i32
      %mul3A_539 = arith.constant 4 : i32
      %mul3A_540 = arith.muli %add3A_538, %mul3A_539 : i32
      %add3A_541 = arith.constant 0 : i32
      %add3A_542 = arith.addi %mul3A_540, %add3A_541 : i32
      %dma_start3A_543 = arith.constant 1 : i32
      %dma_start3A_544 = arith.constant 0 : i32
      %dma_start3A_545 = arith.constant 0 : i32
      %dma_start3A_546 = tpu.memref_slice %arg7[%dma_start3A_543, %dma_start3A_544, %dma_start3A_545] : memref<2x400x64xf32, #tpu.memory_space<vmem>> -> memref<1x100x64xf32, #tpu.memory_space<vmem>>
      %dma_start3A_547 = tpu.memref_squeeze %dma_start3A_546 : memref<1x100x64xf32, #tpu.memory_space<vmem>> -> memref<100x64xf32, #tpu.memory_space<vmem>>
      %dma_start3A_548 = arith.constant 0 : i32
      %dma_start3A_549 = tpu.memref_slice %arg6[%add3A_542, %dma_start3A_548] : memref<256x100xi32, #tpu.memory_space<vmem>> -> memref<1x100xi32, #tpu.memory_space<vmem>>
      %dma_start3A_550 = tpu.memref_squeeze %dma_start3A_549 : memref<1x100xi32, #tpu.memory_space<vmem>> -> memref<100xi32, #tpu.memory_space<vmem>>
      %dma_start3A_551 = arith.constant 0 : i32
      %dma_start3A_552 = arith.constant 0 : i32
      %dma_start3A_553 = tpu.memref_slice %arg2[%dma_start3A_551, %dma_start3A_552] : memref<1000000x64xf32, #tpu.memory_space<hbm>> -> memref<1000000x64xf32, #tpu.memory_space<hbm>>
      tpu.enqueue_indirect_dma source(%dma_start3A_553 : memref<1000000x64xf32, #tpu.memory_space<hbm>>) target(%dma_start3A_547 : memref<100x64xf32, #tpu.memory_space<vmem>>) offsets(%dma_start3A_550 : memref<100xi32, #tpu.memory_space<vmem>>) semaphore(%arg10 : memref<!tpu.dma_semaphore, #tpu.memory_space<semaphore_mem>>)
      %mul3A_554 = arith.constant 4 : i32
      %mul3A_555 = arith.muli %add3A_538, %mul3A_554 : i32
      %add3A_556 = arith.constant 1 : i32
      %add3A_557 = arith.addi %mul3A_555, %add3A_556 : i32
      %dma_start3A_558 = arith.constant 1 : i32
      %dma_start3A_559 = arith.constant 100 : i32
      %dma_start3A_560 = arith.constant 0 : i32
      %dma_start3A_561 = tpu.memref_slice %arg7[%dma_start3A_558, %dma_start3A_559, %dma_start3A_560] : memref<2x400x64xf32, #tpu.memory_space<vmem>> -> memref<1x100x64xf32, #tpu.memory_space<vmem>>
      %dma_start3A_562 = tpu.memref_squeeze %dma_start3A_561 : memref<1x100x64xf32, #tpu.memory_space<vmem>> -> memref<100x64xf32, #tpu.memory_space<vmem>>
      %dma_start3A_563 = arith.constant 0 : i32
      %dma_start3A_564 = tpu.memref_slice %arg6[%add3A_557, %dma_start3A_563] : memref<256x100xi32, #tpu.memory_space<vmem>> -> memref<1x100xi32, #tpu.memory_space<vmem>>
      %dma_start3A_565 = tpu.memref_squeeze %dma_start3A_564 : memref<1x100xi32, #tpu.memory_space<vmem>> -> memref<100xi32, #tpu.memory_space<vmem>>
      %dma_start3A_566 = arith.constant 0 : i32
      %dma_start3A_567 = arith.constant 0 : i32
      %dma_start3A_568 = tpu.memref_slice %arg2[%dma_start3A_566, %dma_start3A_567] : memref<1000000x64xf32, #tpu.memory_space<hbm>> -> memref<1000000x64xf32, #tpu.memory_space<hbm>>
      tpu.enqueue_indirect_dma source(%dma_start3A_568 : memref<1000000x64xf32, #tpu.memory_space<hbm>>) target(%dma_start3A_562 : memref<100x64xf32, #tpu.memory_space<vmem>>) offsets(%dma_start3A_565 : memref<100xi32, #tpu.memory_space<vmem>>) semaphore(%arg10 : memref<!tpu.dma_semaphore, #tpu.memory_space<semaphore_mem>>)
      %mul3A_569 = arith.constant 4 : i32
      %mul3A_570 = arith.muli %add3A_538, %mul3A_569 : i32
      %add3A_571 = arith.constant 2 : i32
      %add3A_572 = arith.addi %mul3A_570, %add3A_571 : i32
      %dma_start3A_573 = arith.constant 1 : i32
      %dma_start3A_574 = arith.constant 200 : i32
      %dma_start3A_575 = arith.constant 0 : i32
      %dma_start3A_576 = tpu.memref_slice %arg7[%dma_start3A_573, %dma_start3A_574, %dma_start3A_575] : memref<2x400x64xf32, #tpu.memory_space<vmem>> -> memref<1x100x64xf32, #tpu.memory_space<vmem>>
      %dma_start3A_577 = tpu.memref_squeeze %dma_start3A_576 : memref<1x100x64xf32, #tpu.memory_space<vmem>> -> memref<100x64xf32, #tpu.memory_space<vmem>>
      %dma_start3A_578 = arith.constant 0 : i32
      %dma_start3A_579 = tpu.memref_slice %arg6[%add3A_572, %dma_start3A_578] : memref<256x100xi32, #tpu.memory_space<vmem>> -> memref<1x100xi32, #tpu.memory_space<vmem>>
      %dma_start3A_580 = tpu.memref_squeeze %dma_start3A_579 : memref<1x100xi32, #tpu.memory_space<vmem>> -> memref<100xi32, #tpu.memory_space<vmem>>
      %dma_start3A_581 = arith.constant 0 : i32
      %dma_start3A_582 = arith.constant 0 : i32
      %dma_start3A_583 = tpu.memref_slice %arg2[%dma_start3A_581, %dma_start3A_582] : memref<1000000x64xf32, #tpu.memory_space<hbm>> -> memref<1000000x64xf32, #tpu.memory_space<hbm>>
      tpu.enqueue_indirect_dma source(%dma_start3A_583 : memref<1000000x64xf32, #tpu.memory_space<hbm>>) target(%dma_start3A_577 : memref<100x64xf32, #tpu.memory_space<vmem>>) offsets(%dma_start3A_580 : memref<100xi32, #tpu.memory_space<vmem>>) semaphore(%arg10 : memref<!tpu.dma_semaphore, #tpu.memory_space<semaphore_mem>>)
      %mul3A_584 = arith.constant 4 : i32
      %mul3A_585 = arith.muli %add3A_538, %mul3A_584 : i32
      %add3A_586 = arith.constant 3 : i32
      %add3A_587 = arith.addi %mul3A_585, %add3A_586 : i32
      %dma_start3A_588 = arith.constant 1 : i32
      %dma_start3A_589 = arith.constant 300 : i32
      %dma_start3A_590 = arith.constant 0 : i32
      %dma_start3A_591 = tpu.memref_slice %arg7[%dma_start3A_588, %dma_start3A_589, %dma_start3A_590] : memref<2x400x64xf32, #tpu.memory_space<vmem>> -> memref<1x100x64xf32, #tpu.memory_space<vmem>>
      %dma_start3A_592 = tpu.memref_squeeze %dma_start3A_591 : memref<1x100x64xf32, #tpu.memory_space<vmem>> -> memref<100x64xf32, #tpu.memory_space<vmem>>
      %dma_start3A_593 = arith.constant 0 : i32
      %dma_start3A_594 = tpu.memref_slice %arg6[%add3A_587, %dma_start3A_593] : memref<256x100xi32, #tpu.memory_space<vmem>> -> memref<1x100xi32, #tpu.memory_space<vmem>>
      %dma_start3A_595 = tpu.memref_squeeze %dma_start3A_594 : memref<1x100xi32, #tpu.memory_space<vmem>> -> memref<100xi32, #tpu.memory_space<vmem>>
      %dma_start3A_596 = arith.constant 0 : i32
      %dma_start3A_597 = arith.constant 0 : i32
      %dma_start3A_598 = tpu.memref_slice %arg2[%dma_start3A_596, %dma_start3A_597] : memref<1000000x64xf32, #tpu.memory_space<hbm>> -> memref<1000000x64xf32, #tpu.memory_space<hbm>>
      tpu.enqueue_indirect_dma source(%dma_start3A_598 : memref<1000000x64xf32, #tpu.memory_space<hbm>>) target(%dma_start3A_592 : memref<100x64xf32, #tpu.memory_space<vmem>>) offsets(%dma_start3A_595 : memref<100xi32, #tpu.memory_space<vmem>>) semaphore(%arg10 : memref<!tpu.dma_semaphore, #tpu.memory_space<semaphore_mem>>)
    }
    %scan3A_170 = arith.constant 31 : i32
    %dma_wait3A_171 = arith.constant 252 : i32
    %dma_wait3A_172 = arith.constant 1 : i32
    %dma_wait3A_173 = arith.constant 0 : i32
    %dma_wait3A_174 = arith.constant 0 : i32
    %dma_wait3A_175 = tpu.memref_slice %arg7[%dma_wait3A_172, %dma_wait3A_173, %dma_wait3A_174] : memref<2x400x64xf32, #tpu.memory_space<vmem>> -> memref<1x100x64xf32, #tpu.memory_space<vmem>>
    %dma_wait3A_176 = tpu.memref_squeeze %dma_wait3A_175 : memref<1x100x64xf32, #tpu.memory_space<vmem>> -> memref<100x64xf32, #tpu.memory_space<vmem>>
    %dma_wait3A_177 = arith.constant 0 : i32
    %dma_wait3A_178 = tpu.memref_slice %arg6[%dma_wait3A_171, %dma_wait3A_177] : memref<256x100xi32, #tpu.memory_space<vmem>> -> memref<1x100xi32, #tpu.memory_space<vmem>>
    %dma_wait3A_179 = tpu.memref_squeeze %dma_wait3A_178 : memref<1x100xi32, #tpu.memory_space<vmem>> -> memref<100xi32, #tpu.memory_space<vmem>>
    %dma_wait3A_180 = arith.constant 0 : i32
    %dma_wait3A_181 = arith.constant 0 : i32
    %dma_wait3A_182 = tpu.memref_slice %arg2[%dma_wait3A_180, %dma_wait3A_181] : memref<1000000x64xf32, #tpu.memory_space<hbm>> -> memref<1000000x64xf32, #tpu.memory_space<hbm>>
    tpu.wait_indirect_dma semaphore(%arg10 : memref<!tpu.dma_semaphore, #tpu.memory_space<semaphore_mem>>) src(%dma_wait3A_182 : memref<1000000x64xf32, #tpu.memory_space<hbm>>) dst(%dma_wait3A_176 : memref<100x64xf32, #tpu.memory_space<vmem>>)
    %dma_wait3A_183 = arith.constant 253 : i32
    %dma_wait3A_184 = arith.constant 1 : i32
    %dma_wait3A_185 = arith.constant 100 : i32
    %dma_wait3A_186 = arith.constant 0 : i32
    %dma_wait3A_187 = tpu.memref_slice %arg7[%dma_wait3A_184, %dma_wait3A_185, %dma_wait3A_186] : memref<2x400x64xf32, #tpu.memory_space<vmem>> -> memref<1x100x64xf32, #tpu.memory_space<vmem>>
    %dma_wait3A_188 = tpu.memref_squeeze %dma_wait3A_187 : memref<1x100x64xf32, #tpu.memory_space<vmem>> -> memref<100x64xf32, #tpu.memory_space<vmem>>
    %dma_wait3A_189 = arith.constant 0 : i32
    %dma_wait3A_190 = tpu.memref_slice %arg6[%dma_wait3A_183, %dma_wait3A_189] : memref<256x100xi32, #tpu.memory_space<vmem>> -> memref<1x100xi32, #tpu.memory_space<vmem>>
    %dma_wait3A_191 = tpu.memref_squeeze %dma_wait3A_190 : memref<1x100xi32, #tpu.memory_space<vmem>> -> memref<100xi32, #tpu.memory_space<vmem>>
    %dma_wait3A_192 = arith.constant 0 : i32
    %dma_wait3A_193 = arith.constant 0 : i32
    %dma_wait3A_194 = tpu.memref_slice %arg2[%dma_wait3A_192, %dma_wait3A_193] : memref<1000000x64xf32, #tpu.memory_space<hbm>> -> memref<1000000x64xf32, #tpu.memory_space<hbm>>
    tpu.wait_indirect_dma semaphore(%arg10 : memref<!tpu.dma_semaphore, #tpu.memory_space<semaphore_mem>>) src(%dma_wait3A_194 : memref<1000000x64xf32, #tpu.memory_space<hbm>>) dst(%dma_wait3A_188 : memref<100x64xf32, #tpu.memory_space<vmem>>)
    %dma_wait3A_195 = arith.constant 254 : i32
    %dma_wait3A_196 = arith.constant 1 : i32
    %dma_wait3A_197 = arith.constant 200 : i32
    %dma_wait3A_198 = arith.constant 0 : i32
    %dma_wait3A_199 = tpu.memref_slice %arg7[%dma_wait3A_196, %dma_wait3A_197, %dma_wait3A_198] : memref<2x400x64xf32, #tpu.memory_space<vmem>> -> memref<1x100x64xf32, #tpu.memory_space<vmem>>
    %dma_wait3A_200 = tpu.memref_squeeze %dma_wait3A_199 : memref<1x100x64xf32, #tpu.memory_space<vmem>> -> memref<100x64xf32, #tpu.memory_space<vmem>>
    %dma_wait3A_201 = arith.constant 0 : i32
    %dma_wait3A_202 = tpu.memref_slice %arg6[%dma_wait3A_195, %dma_wait3A_201] : memref<256x100xi32, #tpu.memory_space<vmem>> -> memref<1x100xi32, #tpu.memory_space<vmem>>
    %dma_wait3A_203 = tpu.memref_squeeze %dma_wait3A_202 : memref<1x100xi32, #tpu.memory_space<vmem>> -> memref<100xi32, #tpu.memory_space<vmem>>
    %dma_wait3A_204 = arith.constant 0 : i32
    %dma_wait3A_205 = arith.constant 0 : i32
    %dma_wait3A_206 = tpu.memref_slice %arg2[%dma_wait3A_204, %dma_wait3A_205] : memref<1000000x64xf32, #tpu.memory_space<hbm>> -> memref<1000000x64xf32, #tpu.memory_space<hbm>>
    tpu.wait_indirect_dma semaphore(%arg10 : memref<!tpu.dma_semaphore, #tpu.memory_space<semaphore_mem>>) src(%dma_wait3A_206 : memref<1000000x64xf32, #tpu.memory_space<hbm>>) dst(%dma_wait3A_200 : memref<100x64xf32, #tpu.memory_space<vmem>>)
    %dma_wait3A_207 = arith.constant 255 : i32
    %dma_wait3A_208 = arith.constant 1 : i32
    %dma_wait3A_209 = arith.constant 300 : i32
    %dma_wait3A_210 = arith.constant 0 : i32
    %dma_wait3A_211 = tpu.memref_slice %arg7[%dma_wait3A_208, %dma_wait3A_209, %dma_wait3A_210] : memref<2x400x64xf32, #tpu.memory_space<vmem>> -> memref<1x100x64xf32, #tpu.memory_space<vmem>>
    %dma_wait3A_212 = tpu.memref_squeeze %dma_wait3A_211 : memref<1x100x64xf32, #tpu.memory_space<vmem>> -> memref<100x64xf32, #tpu.memory_space<vmem>>
    %dma_wait3A_213 = arith.constant 0 : i32
    %dma_wait3A_214 = tpu.memref_slice %arg6[%dma_wait3A_207, %dma_wait3A_213] : memref<256x100xi32, #tpu.memory_space<vmem>> -> memref<1x100xi32, #tpu.memory_space<vmem>>
    %dma_wait3A_215 = tpu.memref_squeeze %dma_wait3A_214 : memref<1x100xi32, #tpu.memory_space<vmem>> -> memref<100xi32, #tpu.memory_space<vmem>>
    %dma_wait3A_216 = arith.constant 0 : i32
    %dma_wait3A_217 = arith.constant 0 : i32
    %dma_wait3A_218 = tpu.memref_slice %arg2[%dma_wait3A_216, %dma_wait3A_217] : memref<1000000x64xf32, #tpu.memory_space<hbm>> -> memref<1000000x64xf32, #tpu.memory_space<hbm>>
    tpu.wait_indirect_dma semaphore(%arg10 : memref<!tpu.dma_semaphore, #tpu.memory_space<semaphore_mem>>) src(%dma_wait3A_218 : memref<1000000x64xf32, #tpu.memory_space<hbm>>) dst(%dma_wait3A_212 : memref<100x64xf32, #tpu.memory_space<vmem>>)
    %scan3A_219 = arith.constant 0 : i32
    %scan3A_220 = arith.constant 200 : i32
    %scan3A_221 = arith.addi %scan3A_219, %scan3A_220 : i32
    %scan3A_222 = arith.constant 4 : i32
    scf.for %scan3A_269 = %scan3A_219 to %scan3A_221 step %scan3A_222  : i32 {
      %add3A_270 = arith.constant 0 : i32
      %add3A_271 = arith.addi %add3A_270, %scan3A_269 : i32
      %get3A = arith.index_cast %scan3A_269 : i32 to index
      %get3A_272 = arith.constant 0 : index
      %get3A_273 = tpu.vector_load %arg8[%get3A, %get3A_272] {strides = array<i32>} : memref<200x64xf32, #tpu.memory_space<vmem>>, vector<1x16xf32>,
      %get3A_274 = vector.shape_cast %get3A_273 : vector<1x16xf32> to vector<16xf32>
      %swap3A = arith.constant 1 : i32
      %swap3A_275 = arith.index_cast %swap3A : i32 to index
      %swap3A_276 = arith.index_cast %add3A_271 : i32 to index
      %swap3A_277 = arith.constant 0 : index
      %swap3A_278 = tpu.vector_load %arg7[%swap3A_275, %swap3A_276, %swap3A_277] {strides = array<i32>} : memref<2x400x64xf32, #tpu.memory_space<vmem>>, vector<1x1x16xf32>,
      %swap3A_279 = vector.shape_cast %swap3A_278 : vector<1x1x16xf32> to vector<16xf32>
      %swap3A_280 = vector.shape_cast %get3A_274 : vector<16xf32> to vector<1x1x16xf32>
      tpu.vector_store %arg7[%swap3A_275, %swap3A_276, %swap3A_277], %swap3A_280 {add = true, strides = array<i32>} : memref<2x400x64xf32, #tpu.memory_space<vmem>>, vector<1x1x16xf32>,
      %add3A_281 = arith.constant 0 : i32
      %add3A_282 = arith.addi %add3A_281, %scan3A_269 : i32
      %get3A_283 = arith.index_cast %scan3A_269 : i32 to index
      %get3A_284 = arith.constant 16 : index
      %get3A_285 = tpu.vector_load %arg8[%get3A_283, %get3A_284] {strides = array<i32>} : memref<200x64xf32, #tpu.memory_space<vmem>>, vector<1x16xf32>,
      %get3A_286 = vector.shape_cast %get3A_285 : vector<1x16xf32> to vector<16xf32>
      %swap3A_287 = arith.constant 1 : i32
      %swap3A_288 = arith.index_cast %swap3A_287 : i32 to index
      %swap3A_289 = arith.index_cast %add3A_282 : i32 to index
      %swap3A_290 = arith.constant 16 : index
      %swap3A_291 = tpu.vector_load %arg7[%swap3A_288, %swap3A_289, %swap3A_290] {strides = array<i32>} : memref<2x400x64xf32, #tpu.memory_space<vmem>>, vector<1x1x16xf32>,
      %swap3A_292 = vector.shape_cast %swap3A_291 : vector<1x1x16xf32> to vector<16xf32>
      %swap3A_293 = vector.shape_cast %get3A_286 : vector<16xf32> to vector<1x1x16xf32>
      tpu.vector_store %arg7[%swap3A_288, %swap3A_289, %swap3A_290], %swap3A_293 {add = true, strides = array<i32>} : memref<2x400x64xf32, #tpu.memory_space<vmem>>, vector<1x1x16xf32>,
      %add3A_294 = arith.constant 0 : i32
      %add3A_295 = arith.addi %add3A_294, %scan3A_269 : i32
      %get3A_296 = arith.index_cast %scan3A_269 : i32 to index
      %get3A_297 = arith.constant 32 : index
      %get3A_298 = tpu.vector_load %arg8[%get3A_296, %get3A_297] {strides = array<i32>} : memref<200x64xf32, #tpu.memory_space<vmem>>, vector<1x16xf32>,
      %get3A_299 = vector.shape_cast %get3A_298 : vector<1x16xf32> to vector<16xf32>
      %swap3A_300 = arith.constant 1 : i32
      %swap3A_301 = arith.index_cast %swap3A_300 : i32 to index
      %swap3A_302 = arith.index_cast %add3A_295 : i32 to index
      %swap3A_303 = arith.constant 32 : index
      %swap3A_304 = tpu.vector_load %arg7[%swap3A_301, %swap3A_302, %swap3A_303] {strides = array<i32>} : memref<2x400x64xf32, #tpu.memory_space<vmem>>, vector<1x1x16xf32>,
      %swap3A_305 = vector.shape_cast %swap3A_304 : vector<1x1x16xf32> to vector<16xf32>
      %swap3A_306 = vector.shape_cast %get3A_299 : vector<16xf32> to vector<1x1x16xf32>
      tpu.vector_store %arg7[%swap3A_301, %swap3A_302, %swap3A_303], %swap3A_306 {add = true, strides = array<i32>} : memref<2x400x64xf32, #tpu.memory_space<vmem>>, vector<1x1x16xf32>,
      %add3A_307 = arith.constant 0 : i32
      %add3A_308 = arith.addi %add3A_307, %scan3A_269 : i32
      %get3A_309 = arith.index_cast %scan3A_269 : i32 to index
      %get3A_310 = arith.constant 48 : index
      %get3A_311 = tpu.vector_load %arg8[%get3A_309, %get3A_310] {strides = array<i32>} : memref<200x64xf32, #tpu.memory_space<vmem>>, vector<1x16xf32>,
      %get3A_312 = vector.shape_cast %get3A_311 : vector<1x16xf32> to vector<16xf32>
      %swap3A_313 = arith.constant 1 : i32
      %swap3A_314 = arith.index_cast %swap3A_313 : i32 to index
      %swap3A_315 = arith.index_cast %add3A_308 : i32 to index
      %swap3A_316 = arith.constant 48 : index
      %swap3A_317 = tpu.vector_load %arg7[%swap3A_314, %swap3A_315, %swap3A_316] {strides = array<i32>} : memref<2x400x64xf32, #tpu.memory_space<vmem>>, vector<1x1x16xf32>,
      %swap3A_318 = vector.shape_cast %swap3A_317 : vector<1x1x16xf32> to vector<16xf32>
      %swap3A_319 = vector.shape_cast %get3A_312 : vector<16xf32> to vector<1x1x16xf32>
      tpu.vector_store %arg7[%swap3A_314, %swap3A_315, %swap3A_316], %swap3A_319 {add = true, strides = array<i32>} : memref<2x400x64xf32, #tpu.memory_space<vmem>>, vector<1x1x16xf32>,
      %add3A_320 = arith.constant 200 : i32
      %add3A_321 = arith.addi %add3A_320, %scan3A_269 : i32
      %get3A_322 = arith.index_cast %scan3A_269 : i32 to index
      %get3A_323 = arith.constant 0 : index
      %get3A_324 = tpu.vector_load %arg8[%get3A_322, %get3A_323] {strides = array<i32>} : memref<200x64xf32, #tpu.memory_space<vmem>>, vector<1x16xf32>,
      %get3A_325 = vector.shape_cast %get3A_324 : vector<1x16xf32> to vector<16xf32>
      %swap3A_326 = arith.constant 1 : i32
      %swap3A_327 = arith.index_cast %swap3A_326 : i32 to index
      %swap3A_328 = arith.index_cast %add3A_321 : i32 to index
      %swap3A_329 = arith.constant 0 : index
      %swap3A_330 = tpu.vector_load %arg7[%swap3A_327, %swap3A_328, %swap3A_329] {strides = array<i32>} : memref<2x400x64xf32, #tpu.memory_space<vmem>>, vector<1x1x16xf32>,
      %swap3A_331 = vector.shape_cast %swap3A_330 : vector<1x1x16xf32> to vector<16xf32>
      %swap3A_332 = vector.shape_cast %get3A_325 : vector<16xf32> to vector<1x1x16xf32>
      tpu.vector_store %arg7[%swap3A_327, %swap3A_328, %swap3A_329], %swap3A_332 {add = true, strides = array<i32>} : memref<2x400x64xf32, #tpu.memory_space<vmem>>, vector<1x1x16xf32>,
      %add3A_333 = arith.constant 200 : i32
      %add3A_334 = arith.addi %add3A_333, %scan3A_269 : i32
      %get3A_335 = arith.index_cast %scan3A_269 : i32 to index
      %get3A_336 = arith.constant 16 : index
      %get3A_337 = tpu.vector_load %arg8[%get3A_335, %get3A_336] {strides = array<i32>} : memref<200x64xf32, #tpu.memory_space<vmem>>, vector<1x16xf32>,
      %get3A_338 = vector.shape_cast %get3A_337 : vector<1x16xf32> to vector<16xf32>
      %swap3A_339 = arith.constant 1 : i32
      %swap3A_340 = arith.index_cast %swap3A_339 : i32 to index
      %swap3A_341 = arith.index_cast %add3A_334 : i32 to index
      %swap3A_342 = arith.constant 16 : index
      %swap3A_343 = tpu.vector_load %arg7[%swap3A_340, %swap3A_341, %swap3A_342] {strides = array<i32>} : memref<2x400x64xf32, #tpu.memory_space<vmem>>, vector<1x1x16xf32>,
      %swap3A_344 = vector.shape_cast %swap3A_343 : vector<1x1x16xf32> to vector<16xf32>
      %swap3A_345 = vector.shape_cast %get3A_338 : vector<16xf32> to vector<1x1x16xf32>
      tpu.vector_store %arg7[%swap3A_340, %swap3A_341, %swap3A_342], %swap3A_345 {add = true, strides = array<i32>} : memref<2x400x64xf32, #tpu.memory_space<vmem>>, vector<1x1x16xf32>,
      %add3A_346 = arith.constant 200 : i32
      %add3A_347 = arith.addi %add3A_346, %scan3A_269 : i32
      %get3A_348 = arith.index_cast %scan3A_269 : i32 to index
      %get3A_349 = arith.constant 32 : index
      %get3A_350 = tpu.vector_load %arg8[%get3A_348, %get3A_349] {strides = array<i32>} : memref<200x64xf32, #tpu.memory_space<vmem>>, vector<1x16xf32>,
      %get3A_351 = vector.shape_cast %get3A_350 : vector<1x16xf32> to vector<16xf32>
      %swap3A_352 = arith.constant 1 : i32
      %swap3A_353 = arith.index_cast %swap3A_352 : i32 to index
      %swap3A_354 = arith.index_cast %add3A_347 : i32 to index
      %swap3A_355 = arith.constant 32 : index
      %swap3A_356 = tpu.vector_load %arg7[%swap3A_353, %swap3A_354, %swap3A_355] {strides = array<i32>} : memref<2x400x64xf32, #tpu.memory_space<vmem>>, vector<1x1x16xf32>,
      %swap3A_357 = vector.shape_cast %swap3A_356 : vector<1x1x16xf32> to vector<16xf32>
      %swap3A_358 = vector.shape_cast %get3A_351 : vector<16xf32> to vector<1x1x16xf32>
      tpu.vector_store %arg7[%swap3A_353, %swap3A_354, %swap3A_355], %swap3A_358 {add = true, strides = array<i32>} : memref<2x400x64xf32, #tpu.memory_space<vmem>>, vector<1x1x16xf32>,
      %add3A_359 = arith.constant 200 : i32
      %add3A_360 = arith.addi %add3A_359, %scan3A_269 : i32
      %get3A_361 = arith.index_cast %scan3A_269 : i32 to index
      %get3A_362 = arith.constant 48 : index
      %get3A_363 = tpu.vector_load %arg8[%get3A_361, %get3A_362] {strides = array<i32>} : memref<200x64xf32, #tpu.memory_space<vmem>>, vector<1x16xf32>,
      %get3A_364 = vector.shape_cast %get3A_363 : vector<1x16xf32> to vector<16xf32>
      %swap3A_365 = arith.constant 1 : i32
      %swap3A_366 = arith.index_cast %swap3A_365 : i32 to index
      %swap3A_367 = arith.index_cast %add3A_360 : i32 to index
      %swap3A_368 = arith.constant 48 : index
      %swap3A_369 = tpu.vector_load %arg7[%swap3A_366, %swap3A_367, %swap3A_368] {strides = array<i32>} : memref<2x400x64xf32, #tpu.memory_space<vmem>>, vector<1x1x16xf32>,
      %swap3A_370 = vector.shape_cast %swap3A_369 : vector<1x1x16xf32> to vector<16xf32>
      %swap3A_371 = vector.shape_cast %get3A_364 : vector<16xf32> to vector<1x1x16xf32>
      tpu.vector_store %arg7[%swap3A_366, %swap3A_367, %swap3A_368], %swap3A_371 {add = true, strides = array<i32>} : memref<2x400x64xf32, #tpu.memory_space<vmem>>, vector<1x1x16xf32>,
      %scan3A_372 = arith.constant 1 : i32
      %scan3A_373 = arith.addi %scan3A_269, %scan3A_372 : i32
      %add3A_374 = arith.constant 0 : i32
      %add3A_375 = arith.addi %add3A_374, %scan3A_373 : i32
      %get3A_376 = arith.index_cast %scan3A_373 : i32 to index
      %get3A_377 = arith.constant 0 : index
      %get3A_378 = tpu.vector_load %arg8[%get3A_376, %get3A_377] {strides = array<i32>} : memref<200x64xf32, #tpu.memory_space<vmem>>, vector<1x16xf32>,
      %get3A_379 = vector.shape_cast %get3A_378 : vector<1x16xf32> to vector<16xf32>
      %swap3A_380 = arith.constant 1 : i32
      %swap3A_381 = arith.index_cast %swap3A_380 : i32 to index
      %swap3A_382 = arith.index_cast %add3A_375 : i32 to index
      %swap3A_383 = arith.constant 0 : index
      %swap3A_384 = tpu.vector_load %arg7[%swap3A_381, %swap3A_382, %swap3A_383] {strides = array<i32>} : memref<2x400x64xf32, #tpu.memory_space<vmem>>, vector<1x1x16xf32>,
      %swap3A_385 = vector.shape_cast %swap3A_384 : vector<1x1x16xf32> to vector<16xf32>
      %swap3A_386 = vector.shape_cast %get3A_379 : vector<16xf32> to vector<1x1x16xf32>
      tpu.vector_store %arg7[%swap3A_381, %swap3A_382, %swap3A_383], %swap3A_386 {add = true, strides = array<i32>} : memref<2x400x64xf32, #tpu.memory_space<vmem>>, vector<1x1x16xf32>,
      %add3A_387 = arith.constant 0 : i32
      %add3A_388 = arith.addi %add3A_387, %scan3A_373 : i32
      %get3A_389 = arith.index_cast %scan3A_373 : i32 to index
      %get3A_390 = arith.constant 16 : index
      %get3A_391 = tpu.vector_load %arg8[%get3A_389, %get3A_390] {strides = array<i32>} : memref<200x64xf32, #tpu.memory_space<vmem>>, vector<1x16xf32>,
      %get3A_392 = vector.shape_cast %get3A_391 : vector<1x16xf32> to vector<16xf32>
      %swap3A_393 = arith.constant 1 : i32
      %swap3A_394 = arith.index_cast %swap3A_393 : i32 to index
      %swap3A_395 = arith.index_cast %add3A_388 : i32 to index
      %swap3A_396 = arith.constant 16 : index
      %swap3A_397 = tpu.vector_load %arg7[%swap3A_394, %swap3A_395, %swap3A_396] {strides = array<i32>} : memref<2x400x64xf32, #tpu.memory_space<vmem>>, vector<1x1x16xf32>,
      %swap3A_398 = vector.shape_cast %swap3A_397 : vector<1x1x16xf32> to vector<16xf32>
      %swap3A_399 = vector.shape_cast %get3A_392 : vector<16xf32> to vector<1x1x16xf32>
      tpu.vector_store %arg7[%swap3A_394, %swap3A_395, %swap3A_396], %swap3A_399 {add = true, strides = array<i32>} : memref<2x400x64xf32, #tpu.memory_space<vmem>>, vector<1x1x16xf32>,
      %add3A_400 = arith.constant 0 : i32
      %add3A_401 = arith.addi %add3A_400, %scan3A_373 : i32
      %get3A_402 = arith.index_cast %scan3A_373 : i32 to index
      %get3A_403 = arith.constant 32 : index
      %get3A_404 = tpu.vector_load %arg8[%get3A_402, %get3A_403] {strides = array<i32>} : memref<200x64xf32, #tpu.memory_space<vmem>>, vector<1x16xf32>,
      %get3A_405 = vector.shape_cast %get3A_404 : vector<1x16xf32> to vector<16xf32>
      %swap3A_406 = arith.constant 1 : i32
      %swap3A_407 = arith.index_cast %swap3A_406 : i32 to index
      %swap3A_408 = arith.index_cast %add3A_401 : i32 to index
      %swap3A_409 = arith.constant 32 : index
      %swap3A_410 = tpu.vector_load %arg7[%swap3A_407, %swap3A_408, %swap3A_409] {strides = array<i32>} : memref<2x400x64xf32, #tpu.memory_space<vmem>>, vector<1x1x16xf32>,
      %swap3A_411 = vector.shape_cast %swap3A_410 : vector<1x1x16xf32> to vector<16xf32>
      %swap3A_412 = vector.shape_cast %get3A_405 : vector<16xf32> to vector<1x1x16xf32>
      tpu.vector_store %arg7[%swap3A_407, %swap3A_408, %swap3A_409], %swap3A_412 {add = true, strides = array<i32>} : memref<2x400x64xf32, #tpu.memory_space<vmem>>, vector<1x1x16xf32>,
      %add3A_413 = arith.constant 0 : i32
      %add3A_414 = arith.addi %add3A_413, %scan3A_373 : i32
      %get3A_415 = arith.index_cast %scan3A_373 : i32 to index
      %get3A_416 = arith.constant 48 : index
      %get3A_417 = tpu.vector_load %arg8[%get3A_415, %get3A_416] {strides = array<i32>} : memref<200x64xf32, #tpu.memory_space<vmem>>, vector<1x16xf32>,
      %get3A_418 = vector.shape_cast %get3A_417 : vector<1x16xf32> to vector<16xf32>
      %swap3A_419 = arith.constant 1 : i32
      %swap3A_420 = arith.index_cast %swap3A_419 : i32 to index
      %swap3A_421 = arith.index_cast %add3A_414 : i32 to index
      %swap3A_422 = arith.constant 48 : index
      %swap3A_423 = tpu.vector_load %arg7[%swap3A_420, %swap3A_421, %swap3A_422] {strides = array<i32>} : memref<2x400x64xf32, #tpu.memory_space<vmem>>, vector<1x1x16xf32>,
      %swap3A_424 = vector.shape_cast %swap3A_423 : vector<1x1x16xf32> to vector<16xf32>
      %swap3A_425 = vector.shape_cast %get3A_418 : vector<16xf32> to vector<1x1x16xf32>
      tpu.vector_store %arg7[%swap3A_420, %swap3A_421, %swap3A_422], %swap3A_425 {add = true, strides = array<i32>} : memref<2x400x64xf32, #tpu.memory_space<vmem>>, vector<1x1x16xf32>,
      %add3A_426 = arith.constant 200 : i32
      %add3A_427 = arith.addi %add3A_426, %scan3A_373 : i32
      %get3A_428 = arith.index_cast %scan3A_373 : i32 to index
      %get3A_429 = arith.constant 0 : index
      %get3A_430 = tpu.vector_load %arg8[%get3A_428, %get3A_429] {strides = array<i32>} : memref<200x64xf32, #tpu.memory_space<vmem>>, vector<1x16xf32>,
      %get3A_431 = vector.shape_cast %get3A_430 : vector<1x16xf32> to vector<16xf32>
      %swap3A_432 = arith.constant 1 : i32
      %swap3A_433 = arith.index_cast %swap3A_432 : i32 to index
      %swap3A_434 = arith.index_cast %add3A_427 : i32 to index
      %swap3A_435 = arith.constant 0 : index
      %swap3A_436 = tpu.vector_load %arg7[%swap3A_433, %swap3A_434, %swap3A_435] {strides = array<i32>} : memref<2x400x64xf32, #tpu.memory_space<vmem>>, vector<1x1x16xf32>,
      %swap3A_437 = vector.shape_cast %swap3A_436 : vector<1x1x16xf32> to vector<16xf32>
      %swap3A_438 = vector.shape_cast %get3A_431 : vector<16xf32> to vector<1x1x16xf32>
      tpu.vector_store %arg7[%swap3A_433, %swap3A_434, %swap3A_435], %swap3A_438 {add = true, strides = array<i32>} : memref<2x400x64xf32, #tpu.memory_space<vmem>>, vector<1x1x16xf32>,
      %add3A_439 = arith.constant 200 : i32
      %add3A_440 = arith.addi %add3A_439, %scan3A_373 : i32
      %get3A_441 = arith.index_cast %scan3A_373 : i32 to index
      %get3A_442 = arith.constant 16 : index
      %get3A_443 = tpu.vector_load %arg8[%get3A_441, %get3A_442] {strides = array<i32>} : memref<200x64xf32, #tpu.memory_space<vmem>>, vector<1x16xf32>,
      %get3A_444 = vector.shape_cast %get3A_443 : vector<1x16xf32> to vector<16xf32>
      %swap3A_445 = arith.constant 1 : i32
      %swap3A_446 = arith.index_cast %swap3A_445 : i32 to index
      %swap3A_447 = arith.index_cast %add3A_440 : i32 to index
      %swap3A_448 = arith.constant 16 : index
      %swap3A_449 = tpu.vector_load %arg7[%swap3A_446, %swap3A_447, %swap3A_448] {strides = array<i32>} : memref<2x400x64xf32, #tpu.memory_space<vmem>>, vector<1x1x16xf32>,
      %swap3A_450 = vector.shape_cast %swap3A_449 : vector<1x1x16xf32> to vector<16xf32>
      %swap3A_451 = vector.shape_cast %get3A_444 : vector<16xf32> to vector<1x1x16xf32>
      tpu.vector_store %arg7[%swap3A_446, %swap3A_447, %swap3A_448], %swap3A_451 {add = true, strides = array<i32>} : memref<2x400x64xf32, #tpu.memory_space<vmem>>, vector<1x1x16xf32>,
      %add3A_452 = arith.constant 200 : i32
      %add3A_453 = arith.addi %add3A_452, %scan3A_373 : i32
      %get3A_454 = arith.index_cast %scan3A_373 : i32 to index
      %get3A_455 = arith.constant 32 : index
      %get3A_456 = tpu.vector_load %arg8[%get3A_454, %get3A_455] {strides = array<i32>} : memref<200x64xf32, #tpu.memory_space<vmem>>, vector<1x16xf32>,
      %get3A_457 = vector.shape_cast %get3A_456 : vector<1x16xf32> to vector<16xf32>
      %swap3A_458 = arith.constant 1 : i32
      %swap3A_459 = arith.index_cast %swap3A_458 : i32 to index
      %swap3A_460 = arith.index_cast %add3A_453 : i32 to index
      %swap3A_461 = arith.constant 32 : index
      %swap3A_462 = tpu.vector_load %arg7[%swap3A_459, %swap3A_460, %swap3A_461] {strides = array<i32>} : memref<2x400x64xf32, #tpu.memory_space<vmem>>, vector<1x1x16xf32>,
      %swap3A_463 = vector.shape_cast %swap3A_462 : vector<1x1x16xf32> to vector<16xf32>
      %swap3A_464 = vector.shape_cast %get3A_457 : vector<16xf32> to vector<1x1x16xf32>
      tpu.vector_store %arg7[%swap3A_459, %swap3A_460, %swap3A_461], %swap3A_464 {add = true, strides = array<i32>} : memref<2x400x64xf32, #tpu.memory_space<vmem>>, vector<1x1x16xf32>,
      %add3A_465 = arith.constant 200 : i32
      %add3A_466 = arith.addi %add3A_465, %scan3A_373 : i32
      %get3A_467 = arith.index_cast %scan3A_373 : i32 to index
      %get3A_468 = arith.constant 48 : index
      %get3A_469 = tpu.vector_load %arg8[%get3A_467, %get3A_468] {strides = array<i32>} : memref<200x64xf32, #tpu.memory_space<vmem>>, vector<1x16xf32>,
      %get3A_470 = vector.shape_cast %get3A_469 : vector<1x16xf32> to vector<16xf32>
      %swap3A_471 = arith.constant 1 : i32
      %swap3A_472 = arith.index_cast %swap3A_471 : i32 to index
      %swap3A_473 = arith.index_cast %add3A_466 : i32 to index
      %swap3A_474 = arith.constant 48 : index
      %swap3A_475 = tpu.vector_load %arg7[%swap3A_472, %swap3A_473, %swap3A_474] {strides = array<i32>} : memref<2x400x64xf32, #tpu.memory_space<vmem>>, vector<1x1x16xf32>,
      %swap3A_476 = vector.shape_cast %swap3A_475 : vector<1x1x16xf32> to vector<16xf32>
      %swap3A_477 = vector.shape_cast %get3A_470 : vector<16xf32> to vector<1x1x16xf32>
      tpu.vector_store %arg7[%swap3A_472, %swap3A_473, %swap3A_474], %swap3A_477 {add = true, strides = array<i32>} : memref<2x400x64xf32, #tpu.memory_space<vmem>>, vector<1x1x16xf32>,
      %scan3A_478 = arith.constant 2 : i32
      %scan3A_479 = arith.addi %scan3A_269, %scan3A_478 : i32
      %add3A_480 = arith.constant 0 : i32
      %add3A_481 = arith.addi %add3A_480, %scan3A_479 : i32
      %get3A_482 = arith.index_cast %scan3A_479 : i32 to index
      %get3A_483 = arith.constant 0 : index
      %get3A_484 = tpu.vector_load %arg8[%get3A_482, %get3A_483] {strides = array<i32>} : memref<200x64xf32, #tpu.memory_space<vmem>>, vector<1x16xf32>,
      %get3A_485 = vector.shape_cast %get3A_484 : vector<1x16xf32> to vector<16xf32>
      %swap3A_486 = arith.constant 1 : i32
      %swap3A_487 = arith.index_cast %swap3A_486 : i32 to index
      %swap3A_488 = arith.index_cast %add3A_481 : i32 to index
      %swap3A_489 = arith.constant 0 : index
      %swap3A_490 = tpu.vector_load %arg7[%swap3A_487, %swap3A_488, %swap3A_489] {strides = array<i32>} : memref<2x400x64xf32, #tpu.memory_space<vmem>>, vector<1x1x16xf32>,
      %swap3A_491 = vector.shape_cast %swap3A_490 : vector<1x1x16xf32> to vector<16xf32>
      %swap3A_492 = vector.shape_cast %get3A_485 : vector<16xf32> to vector<1x1x16xf32>
      tpu.vector_store %arg7[%swap3A_487, %swap3A_488, %swap3A_489], %swap3A_492 {add = true, strides = array<i32>} : memref<2x400x64xf32, #tpu.memory_space<vmem>>, vector<1x1x16xf32>,
      %add3A_493 = arith.constant 0 : i32
      %add3A_494 = arith.addi %add3A_493, %scan3A_479 : i32
      %get3A_495 = arith.index_cast %scan3A_479 : i32 to index
      %get3A_496 = arith.constant 16 : index
      %get3A_497 = tpu.vector_load %arg8[%get3A_495, %get3A_496] {strides = array<i32>} : memref<200x64xf32, #tpu.memory_space<vmem>>, vector<1x16xf32>,
      %get3A_498 = vector.shape_cast %get3A_497 : vector<1x16xf32> to vector<16xf32>
      %swap3A_499 = arith.constant 1 : i32
      %swap3A_500 = arith.index_cast %swap3A_499 : i32 to index
      %swap3A_501 = arith.index_cast %add3A_494 : i32 to index
      %swap3A_502 = arith.constant 16 : index
      %swap3A_503 = tpu.vector_load %arg7[%swap3A_500, %swap3A_501, %swap3A_502] {strides = array<i32>} : memref<2x400x64xf32, #tpu.memory_space<vmem>>, vector<1x1x16xf32>,
      %swap3A_504 = vector.shape_cast %swap3A_503 : vector<1x1x16xf32> to vector<16xf32>
      %swap3A_505 = vector.shape_cast %get3A_498 : vector<16xf32> to vector<1x1x16xf32>
      tpu.vector_store %arg7[%swap3A_500, %swap3A_501, %swap3A_502], %swap3A_505 {add = true, strides = array<i32>} : memref<2x400x64xf32, #tpu.memory_space<vmem>>, vector<1x1x16xf32>,
      %add3A_506 = arith.constant 0 : i32
      %add3A_507 = arith.addi %add3A_506, %scan3A_479 : i32
      %get3A_508 = arith.index_cast %scan3A_479 : i32 to index
      %get3A_509 = arith.constant 32 : index
      %get3A_510 = tpu.vector_load %arg8[%get3A_508, %get3A_509] {strides = array<i32>} : memref<200x64xf32, #tpu.memory_space<vmem>>, vector<1x16xf32>,
      %get3A_511 = vector.shape_cast %get3A_510 : vector<1x16xf32> to vector<16xf32>
      %swap3A_512 = arith.constant 1 : i32
      %swap3A_513 = arith.index_cast %swap3A_512 : i32 to index
      %swap3A_514 = arith.index_cast %add3A_507 : i32 to index
      %swap3A_515 = arith.constant 32 : index
      %swap3A_516 = tpu.vector_load %arg7[%swap3A_513, %swap3A_514, %swap3A_515] {strides = array<i32>} : memref<2x400x64xf32, #tpu.memory_space<vmem>>, vector<1x1x16xf32>,
      %swap3A_517 = vector.shape_cast %swap3A_516 : vector<1x1x16xf32> to vector<16xf32>
      %swap3A_518 = vector.shape_cast %get3A_511 : vector<16xf32> to vector<1x1x16xf32>
      tpu.vector_store %arg7[%swap3A_513, %swap3A_514, %swap3A_515], %swap3A_518 {add = true, strides = array<i32>} : memref<2x400x64xf32, #tpu.memory_space<vmem>>, vector<1x1x16xf32>,
      %add3A_519 = arith.constant 0 : i32
      %add3A_520 = arith.addi %add3A_519, %scan3A_479 : i32
      %get3A_521 = arith.index_cast %scan3A_479 : i32 to index
      %get3A_522 = arith.constant 48 : index
      %get3A_523 = tpu.vector_load %arg8[%get3A_521, %get3A_522] {strides = array<i32>} : memref<200x64xf32, #tpu.memory_space<vmem>>, vector<1x16xf32>,
      %get3A_524 = vector.shape_cast %get3A_523 : vector<1x16xf32> to vector<16xf32>
      %swap3A_525 = arith.constant 1 : i32
      %swap3A_526 = arith.index_cast %swap3A_525 : i32 to index
      %swap3A_527 = arith.index_cast %add3A_520 : i32 to index
      %swap3A_528 = arith.constant 48 : index
      %swap3A_529 = tpu.vector_load %arg7[%swap3A_526, %swap3A_527, %swap3A_528] {strides = array<i32>} : memref<2x400x64xf32, #tpu.memory_space<vmem>>, vector<1x1x16xf32>,
      %swap3A_530 = vector.shape_cast %swap3A_529 : vector<1x1x16xf32> to vector<16xf32>
      %swap3A_531 = vector.shape_cast %get3A_524 : vector<16xf32> to vector<1x1x16xf32>
      tpu.vector_store %arg7[%swap3A_526, %swap3A_527, %swap3A_528], %swap3A_531 {add = true, strides = array<i32>} : memref<2x400x64xf32, #tpu.memory_space<vmem>>, vector<1x1x16xf32>,
      %add3A_532 = arith.constant 200 : i32
      %add3A_533 = arith.addi %add3A_532, %scan3A_479 : i32
      %get3A_534 = arith.index_cast %scan3A_479 : i32 to index
      %get3A_535 = arith.constant 0 : index
      %get3A_536 = tpu.vector_load %arg8[%get3A_534, %get3A_535] {strides = array<i32>} : memref<200x64xf32, #tpu.memory_space<vmem>>, vector<1x16xf32>,
      %get3A_537 = vector.shape_cast %get3A_536 : vector<1x16xf32> to vector<16xf32>
      %swap3A_538 = arith.constant 1 : i32
      %swap3A_539 = arith.index_cast %swap3A_538 : i32 to index
      %swap3A_540 = arith.index_cast %add3A_533 : i32 to index
      %swap3A_541 = arith.constant 0 : index
      %swap3A_542 = tpu.vector_load %arg7[%swap3A_539, %swap3A_540, %swap3A_541] {strides = array<i32>} : memref<2x400x64xf32, #tpu.memory_space<vmem>>, vector<1x1x16xf32>,
      %swap3A_543 = vector.shape_cast %swap3A_542 : vector<1x1x16xf32> to vector<16xf32>
      %swap3A_544 = vector.shape_cast %get3A_537 : vector<16xf32> to vector<1x1x16xf32>
      tpu.vector_store %arg7[%swap3A_539, %swap3A_540, %swap3A_541], %swap3A_544 {add = true, strides = array<i32>} : memref<2x400x64xf32, #tpu.memory_space<vmem>>, vector<1x1x16xf32>,
      %add3A_545 = arith.constant 200 : i32
      %add3A_546 = arith.addi %add3A_545, %scan3A_479 : i32
      %get3A_547 = arith.index_cast %scan3A_479 : i32 to index
      %get3A_548 = arith.constant 16 : index
      %get3A_549 = tpu.vector_load %arg8[%get3A_547, %get3A_548] {strides = array<i32>} : memref<200x64xf32, #tpu.memory_space<vmem>>, vector<1x16xf32>,
      %get3A_550 = vector.shape_cast %get3A_549 : vector<1x16xf32> to vector<16xf32>
      %swap3A_551 = arith.constant 1 : i32
      %swap3A_552 = arith.index_cast %swap3A_551 : i32 to index
      %swap3A_553 = arith.index_cast %add3A_546 : i32 to index
      %swap3A_554 = arith.constant 16 : index
      %swap3A_555 = tpu.vector_load %arg7[%swap3A_552, %swap3A_553, %swap3A_554] {strides = array<i32>} : memref<2x400x64xf32, #tpu.memory_space<vmem>>, vector<1x1x16xf32>,
      %swap3A_556 = vector.shape_cast %swap3A_555 : vector<1x1x16xf32> to vector<16xf32>
      %swap3A_557 = vector.shape_cast %get3A_550 : vector<16xf32> to vector<1x1x16xf32>
      tpu.vector_store %arg7[%swap3A_552, %swap3A_553, %swap3A_554], %swap3A_557 {add = true, strides = array<i32>} : memref<2x400x64xf32, #tpu.memory_space<vmem>>, vector<1x1x16xf32>,
      %add3A_558 = arith.constant 200 : i32
      %add3A_559 = arith.addi %add3A_558, %scan3A_479 : i32
      %get3A_560 = arith.index_cast %scan3A_479 : i32 to index
      %get3A_561 = arith.constant 32 : index
      %get3A_562 = tpu.vector_load %arg8[%get3A_560, %get3A_561] {strides = array<i32>} : memref<200x64xf32, #tpu.memory_space<vmem>>, vector<1x16xf32>,
      %get3A_563 = vector.shape_cast %get3A_562 : vector<1x16xf32> to vector<16xf32>
      %swap3A_564 = arith.constant 1 : i32
      %swap3A_565 = arith.index_cast %swap3A_564 : i32 to index
      %swap3A_566 = arith.index_cast %add3A_559 : i32 to index
      %swap3A_567 = arith.constant 32 : index
      %swap3A_568 = tpu.vector_load %arg7[%swap3A_565, %swap3A_566, %swap3A_567] {strides = array<i32>} : memref<2x400x64xf32, #tpu.memory_space<vmem>>, vector<1x1x16xf32>,
      %swap3A_569 = vector.shape_cast %swap3A_568 : vector<1x1x16xf32> to vector<16xf32>
      %swap3A_570 = vector.shape_cast %get3A_563 : vector<16xf32> to vector<1x1x16xf32>
      tpu.vector_store %arg7[%swap3A_565, %swap3A_566, %swap3A_567], %swap3A_570 {add = true, strides = array<i32>} : memref<2x400x64xf32, #tpu.memory_space<vmem>>, vector<1x1x16xf32>,
      %add3A_571 = arith.constant 200 : i32
      %add3A_572 = arith.addi %add3A_571, %scan3A_479 : i32
      %get3A_573 = arith.index_cast %scan3A_479 : i32 to index
      %get3A_574 = arith.constant 48 : index
      %get3A_575 = tpu.vector_load %arg8[%get3A_573, %get3A_574] {strides = array<i32>} : memref<200x64xf32, #tpu.memory_space<vmem>>, vector<1x16xf32>,
      %get3A_576 = vector.shape_cast %get3A_575 : vector<1x16xf32> to vector<16xf32>
      %swap3A_577 = arith.constant 1 : i32
      %swap3A_578 = arith.index_cast %swap3A_577 : i32 to index
      %swap3A_579 = arith.index_cast %add3A_572 : i32 to index
      %swap3A_580 = arith.constant 48 : index
      %swap3A_581 = tpu.vector_load %arg7[%swap3A_578, %swap3A_579, %swap3A_580] {strides = array<i32>} : memref<2x400x64xf32, #tpu.memory_space<vmem>>, vector<1x1x16xf32>,
      %swap3A_582 = vector.shape_cast %swap3A_581 : vector<1x1x16xf32> to vector<16xf32>
      %swap3A_583 = vector.shape_cast %get3A_576 : vector<16xf32> to vector<1x1x16xf32>
      tpu.vector_store %arg7[%swap3A_578, %swap3A_579, %swap3A_580], %swap3A_583 {add = true, strides = array<i32>} : memref<2x400x64xf32, #tpu.memory_space<vmem>>, vector<1x1x16xf32>,
      %scan3A_584 = arith.constant 3 : i32
      %scan3A_585 = arith.addi %scan3A_269, %scan3A_584 : i32
      %add3A_586 = arith.constant 0 : i32
      %add3A_587 = arith.addi %add3A_586, %scan3A_585 : i32
      %get3A_588 = arith.index_cast %scan3A_585 : i32 to index
      %get3A_589 = arith.constant 0 : index
      %get3A_590 = tpu.vector_load %arg8[%get3A_588, %get3A_589] {strides = array<i32>} : memref<200x64xf32, #tpu.memory_space<vmem>>, vector<1x16xf32>,
      %get3A_591 = vector.shape_cast %get3A_590 : vector<1x16xf32> to vector<16xf32>
      %swap3A_592 = arith.constant 1 : i32
      %swap3A_593 = arith.index_cast %swap3A_592 : i32 to index
      %swap3A_594 = arith.index_cast %add3A_587 : i32 to index
      %swap3A_595 = arith.constant 0 : index
      %swap3A_596 = tpu.vector_load %arg7[%swap3A_593, %swap3A_594, %swap3A_595] {strides = array<i32>} : memref<2x400x64xf32, #tpu.memory_space<vmem>>, vector<1x1x16xf32>,
      %swap3A_597 = vector.shape_cast %swap3A_596 : vector<1x1x16xf32> to vector<16xf32>
      %swap3A_598 = vector.shape_cast %get3A_591 : vector<16xf32> to vector<1x1x16xf32>
      tpu.vector_store %arg7[%swap3A_593, %swap3A_594, %swap3A_595], %swap3A_598 {add = true, strides = array<i32>} : memref<2x400x64xf32, #tpu.memory_space<vmem>>, vector<1x1x16xf32>,
      %add3A_599 = arith.constant 0 : i32
      %add3A_600 = arith.addi %add3A_599, %scan3A_585 : i32
      %get3A_601 = arith.index_cast %scan3A_585 : i32 to index
      %get3A_602 = arith.constant 16 : index
      %get3A_603 = tpu.vector_load %arg8[%get3A_601, %get3A_602] {strides = array<i32>} : memref<200x64xf32, #tpu.memory_space<vmem>>, vector<1x16xf32>,
      %get3A_604 = vector.shape_cast %get3A_603 : vector<1x16xf32> to vector<16xf32>
      %swap3A_605 = arith.constant 1 : i32
      %swap3A_606 = arith.index_cast %swap3A_605 : i32 to index
      %swap3A_607 = arith.index_cast %add3A_600 : i32 to index
      %swap3A_608 = arith.constant 16 : index
      %swap3A_609 = tpu.vector_load %arg7[%swap3A_606, %swap3A_607, %swap3A_608] {strides = array<i32>} : memref<2x400x64xf32, #tpu.memory_space<vmem>>, vector<1x1x16xf32>,
      %swap3A_610 = vector.shape_cast %swap3A_609 : vector<1x1x16xf32> to vector<16xf32>
      %swap3A_611 = vector.shape_cast %get3A_604 : vector<16xf32> to vector<1x1x16xf32>
      tpu.vector_store %arg7[%swap3A_606, %swap3A_607, %swap3A_608], %swap3A_611 {add = true, strides = array<i32>} : memref<2x400x64xf32, #tpu.memory_space<vmem>>, vector<1x1x16xf32>,
      %add3A_612 = arith.constant 0 : i32
      %add3A_613 = arith.addi %add3A_612, %scan3A_585 : i32
      %get3A_614 = arith.index_cast %scan3A_585 : i32 to index
      %get3A_615 = arith.constant 32 : index
      %get3A_616 = tpu.vector_load %arg8[%get3A_614, %get3A_615] {strides = array<i32>} : memref<200x64xf32, #tpu.memory_space<vmem>>, vector<1x16xf32>,
      %get3A_617 = vector.shape_cast %get3A_616 : vector<1x16xf32> to vector<16xf32>
      %swap3A_618 = arith.constant 1 : i32
      %swap3A_619 = arith.index_cast %swap3A_618 : i32 to index
      %swap3A_620 = arith.index_cast %add3A_613 : i32 to index
      %swap3A_621 = arith.constant 32 : index
      %swap3A_622 = tpu.vector_load %arg7[%swap3A_619, %swap3A_620, %swap3A_621] {strides = array<i32>} : memref<2x400x64xf32, #tpu.memory_space<vmem>>, vector<1x1x16xf32>,
      %swap3A_623 = vector.shape_cast %swap3A_622 : vector<1x1x16xf32> to vector<16xf32>
      %swap3A_624 = vector.shape_cast %get3A_617 : vector<16xf32> to vector<1x1x16xf32>
      tpu.vector_store %arg7[%swap3A_619, %swap3A_620, %swap3A_621], %swap3A_624 {add = true, strides = array<i32>} : memref<2x400x64xf32, #tpu.memory_space<vmem>>, vector<1x1x16xf32>,
      %add3A_625 = arith.constant 0 : i32
      %add3A_626 = arith.addi %add3A_625, %scan3A_585 : i32
      %get3A_627 = arith.index_cast %scan3A_585 : i32 to index
      %get3A_628 = arith.constant 48 : index
      %get3A_629 = tpu.vector_load %arg8[%get3A_627, %get3A_628] {strides = array<i32>} : memref<200x64xf32, #tpu.memory_space<vmem>>, vector<1x16xf32>,
      %get3A_630 = vector.shape_cast %get3A_629 : vector<1x16xf32> to vector<16xf32>
      %swap3A_631 = arith.constant 1 : i32
      %swap3A_632 = arith.index_cast %swap3A_631 : i32 to index
      %swap3A_633 = arith.index_cast %add3A_626 : i32 to index
      %swap3A_634 = arith.constant 48 : index
      %swap3A_635 = tpu.vector_load %arg7[%swap3A_632, %swap3A_633, %swap3A_634] {strides = array<i32>} : memref<2x400x64xf32, #tpu.memory_space<vmem>>, vector<1x1x16xf32>,
      %swap3A_636 = vector.shape_cast %swap3A_635 : vector<1x1x16xf32> to vector<16xf32>
      %swap3A_637 = vector.shape_cast %get3A_630 : vector<16xf32> to vector<1x1x16xf32>
      tpu.vector_store %arg7[%swap3A_632, %swap3A_633, %swap3A_634], %swap3A_637 {add = true, strides = array<i32>} : memref<2x400x64xf32, #tpu.memory_space<vmem>>, vector<1x1x16xf32>,
      %add3A_638 = arith.constant 200 : i32
      %add3A_639 = arith.addi %add3A_638, %scan3A_585 : i32
      %get3A_640 = arith.index_cast %scan3A_585 : i32 to index
      %get3A_641 = arith.constant 0 : index
      %get3A_642 = tpu.vector_load %arg8[%get3A_640, %get3A_641] {strides = array<i32>} : memref<200x64xf32, #tpu.memory_space<vmem>>, vector<1x16xf32>,
      %get3A_643 = vector.shape_cast %get3A_642 : vector<1x16xf32> to vector<16xf32>
      %swap3A_644 = arith.constant 1 : i32
      %swap3A_645 = arith.index_cast %swap3A_644 : i32 to index
      %swap3A_646 = arith.index_cast %add3A_639 : i32 to index
      %swap3A_647 = arith.constant 0 : index
      %swap3A_648 = tpu.vector_load %arg7[%swap3A_645, %swap3A_646, %swap3A_647] {strides = array<i32>} : memref<2x400x64xf32, #tpu.memory_space<vmem>>, vector<1x1x16xf32>,
      %swap3A_649 = vector.shape_cast %swap3A_648 : vector<1x1x16xf32> to vector<16xf32>
      %swap3A_650 = vector.shape_cast %get3A_643 : vector<16xf32> to vector<1x1x16xf32>
      tpu.vector_store %arg7[%swap3A_645, %swap3A_646, %swap3A_647], %swap3A_650 {add = true, strides = array<i32>} : memref<2x400x64xf32, #tpu.memory_space<vmem>>, vector<1x1x16xf32>,
      %add3A_651 = arith.constant 200 : i32
      %add3A_652 = arith.addi %add3A_651, %scan3A_585 : i32
      %get3A_653 = arith.index_cast %scan3A_585 : i32 to index
      %get3A_654 = arith.constant 16 : index
      %get3A_655 = tpu.vector_load %arg8[%get3A_653, %get3A_654] {strides = array<i32>} : memref<200x64xf32, #tpu.memory_space<vmem>>, vector<1x16xf32>,
      %get3A_656 = vector.shape_cast %get3A_655 : vector<1x16xf32> to vector<16xf32>
      %swap3A_657 = arith.constant 1 : i32
      %swap3A_658 = arith.index_cast %swap3A_657 : i32 to index
      %swap3A_659 = arith.index_cast %add3A_652 : i32 to index
      %swap3A_660 = arith.constant 16 : index
      %swap3A_661 = tpu.vector_load %arg7[%swap3A_658, %swap3A_659, %swap3A_660] {strides = array<i32>} : memref<2x400x64xf32, #tpu.memory_space<vmem>>, vector<1x1x16xf32>,
      %swap3A_662 = vector.shape_cast %swap3A_661 : vector<1x1x16xf32> to vector<16xf32>
      %swap3A_663 = vector.shape_cast %get3A_656 : vector<16xf32> to vector<1x1x16xf32>
      tpu.vector_store %arg7[%swap3A_658, %swap3A_659, %swap3A_660], %swap3A_663 {add = true, strides = array<i32>} : memref<2x400x64xf32, #tpu.memory_space<vmem>>, vector<1x1x16xf32>,
      %add3A_664 = arith.constant 200 : i32
      %add3A_665 = arith.addi %add3A_664, %scan3A_585 : i32
      %get3A_666 = arith.index_cast %scan3A_585 : i32 to index
      %get3A_667 = arith.constant 32 : index
      %get3A_668 = tpu.vector_load %arg8[%get3A_666, %get3A_667] {strides = array<i32>} : memref<200x64xf32, #tpu.memory_space<vmem>>, vector<1x16xf32>,
      %get3A_669 = vector.shape_cast %get3A_668 : vector<1x16xf32> to vector<16xf32>
      %swap3A_670 = arith.constant 1 : i32
      %swap3A_671 = arith.index_cast %swap3A_670 : i32 to index
      %swap3A_672 = arith.index_cast %add3A_665 : i32 to index
      %swap3A_673 = arith.constant 32 : index
      %swap3A_674 = tpu.vector_load %arg7[%swap3A_671, %swap3A_672, %swap3A_673] {strides = array<i32>} : memref<2x400x64xf32, #tpu.memory_space<vmem>>, vector<1x1x16xf32>,
      %swap3A_675 = vector.shape_cast %swap3A_674 : vector<1x1x16xf32> to vector<16xf32>
      %swap3A_676 = vector.shape_cast %get3A_669 : vector<16xf32> to vector<1x1x16xf32>
      tpu.vector_store %arg7[%swap3A_671, %swap3A_672, %swap3A_673], %swap3A_676 {add = true, strides = array<i32>} : memref<2x400x64xf32, #tpu.memory_space<vmem>>, vector<1x1x16xf32>,
      %add3A_677 = arith.constant 200 : i32
      %add3A_678 = arith.addi %add3A_677, %scan3A_585 : i32
      %get3A_679 = arith.index_cast %scan3A_585 : i32 to index
      %get3A_680 = arith.constant 48 : index
      %get3A_681 = tpu.vector_load %arg8[%get3A_679, %get3A_680] {strides = array<i32>} : memref<200x64xf32, #tpu.memory_space<vmem>>, vector<1x16xf32>,
      %get3A_682 = vector.shape_cast %get3A_681 : vector<1x16xf32> to vector<16xf32>
      %swap3A_683 = arith.constant 1 : i32
      %swap3A_684 = arith.index_cast %swap3A_683 : i32 to index
      %swap3A_685 = arith.index_cast %add3A_678 : i32 to index
      %swap3A_686 = arith.constant 48 : index
      %swap3A_687 = tpu.vector_load %arg7[%swap3A_684, %swap3A_685, %swap3A_686] {strides = array<i32>} : memref<2x400x64xf32, #tpu.memory_space<vmem>>, vector<1x1x16xf32>,
      %swap3A_688 = vector.shape_cast %swap3A_687 : vector<1x1x16xf32> to vector<16xf32>
      %swap3A_689 = vector.shape_cast %get3A_682 : vector<16xf32> to vector<1x1x16xf32>
      tpu.vector_store %arg7[%swap3A_684, %swap3A_685, %swap3A_686], %swap3A_689 {add = true, strides = array<i32>} : memref<2x400x64xf32, #tpu.memory_space<vmem>>, vector<1x1x16xf32>,
    }
    %scan3A_223 = arith.constant 200 : i32
    %add3A_224 = arith.constant 25200 : i32
    %add3A_225 = arith.addi %mul3A_2, %add3A_224 : i32
    %dma_start3A_226 = arith.constant 1 : i32
    %dma_start3A_227 = arith.constant 0 : i32
    %dma_start3A_228 = arith.constant 0 : i32
    %dma_start3A_229 = tpu.memref_slice %arg7[%dma_start3A_226, %dma_start3A_227, %dma_start3A_228] : memref<2x400x64xf32, #tpu.memory_space<vmem>> -> memref<1x400x64xf32, #tpu.memory_space<vmem>>
    %dma_start3A_230 = tpu.memref_squeeze %dma_start3A_229 : memref<1x400x64xf32, #tpu.memory_space<vmem>> -> memref<400x64xf32, #tpu.memory_space<vmem>>
    %dma_start3A_231 = arith.constant 0 : i32
    %dma_start3A_232 = tpu.memref_slice %arg5[%add3A_225, %dma_start3A_231] : memref<819200x64xf32, #tpu.memory_space<hbm>> -> memref<400x64xf32, #tpu.memory_space<hbm>>
    %dma_start3A_233 = arith.constant 0 : i32
    %dma_start3A_234 = tpu.memref_slice %arg5[%add3A_225, %dma_start3A_233] : memref<819200x64xf32, #tpu.memory_space<hbm>> -> memref<400x64xf32, #tpu.memory_space<hbm>>
    %dma_start3A_235 = arith.constant 0 : i32
    %dma_start3A_236 = arith.constant 0 : i32
    %dma_start3A_237 = tpu.memref_slice %arg7[%dma_start3A_226, %dma_start3A_235, %dma_start3A_236] : memref<2x400x64xf32, #tpu.memory_space<vmem>> -> memref<1x400x64xf32, #tpu.memory_space<vmem>>
    %dma_start3A_238 = tpu.memref_squeeze %dma_start3A_237 : memref<1x400x64xf32, #tpu.memory_space<vmem>> -> memref<400x64xf32, #tpu.memory_space<vmem>>
    tpu.enqueue_dma source(%dma_start3A_238 : memref<400x64xf32, #tpu.memory_space<vmem>>) target(%dma_start3A_234 : memref<400x64xf32, #tpu.memory_space<hbm>>) target_semaphore(%arg12 : memref<!tpu.dma_semaphore, #tpu.memory_space<semaphore_mem>>)
    %add3A_239 = arith.constant 24800 : i32
    %add3A_240 = arith.addi %mul3A_2, %add3A_239 : i32
    %dma_wait3A_241 = arith.constant 0 : i32
    %dma_wait3A_242 = arith.constant 0 : i32
    %dma_wait3A_243 = arith.constant 0 : i32
    %dma_wait3A_244 = tpu.memref_slice %arg7[%dma_wait3A_241, %dma_wait3A_242, %dma_wait3A_243] : memref<2x400x64xf32, #tpu.memory_space<vmem>> -> memref<1x400x64xf32, #tpu.memory_space<vmem>>
    %dma_wait3A_245 = tpu.memref_squeeze %dma_wait3A_244 : memref<1x400x64xf32, #tpu.memory_space<vmem>> -> memref<400x64xf32, #tpu.memory_space<vmem>>
    %dma_wait3A_246 = arith.constant 0 : i32
    %dma_wait3A_247 = tpu.memref_slice %arg5[%add3A_240, %dma_wait3A_246] : memref<819200x64xf32, #tpu.memory_space<hbm>> -> memref<400x64xf32, #tpu.memory_space<hbm>>
    %dma_wait3A_248 = arith.constant 0 : i32
    %dma_wait3A_249 = tpu.memref_slice %arg5[%add3A_240, %dma_wait3A_248] : memref<819200x64xf32, #tpu.memory_space<hbm>> -> memref<400x64xf32, #tpu.memory_space<hbm>>
    %dma_wait3A_250 = arith.constant 0 : i32
    %dma_wait3A_251 = arith.constant 0 : i32
    %dma_wait3A_252 = tpu.memref_slice %arg7[%dma_wait3A_241, %dma_wait3A_250, %dma_wait3A_251] : memref<2x400x64xf32, #tpu.memory_space<vmem>> -> memref<1x400x64xf32, #tpu.memory_space<vmem>>
    %dma_wait3A_253 = tpu.memref_squeeze %dma_wait3A_252 : memref<1x400x64xf32, #tpu.memory_space<vmem>> -> memref<400x64xf32, #tpu.memory_space<vmem>>
    tpu.wait_dma2 semaphore(%arg11 : memref<!tpu.dma_semaphore, #tpu.memory_space<semaphore_mem>>) src(%dma_wait3A_253 : memref<400x64xf32, #tpu.memory_space<vmem>>) dst(%dma_wait3A_249 : memref<400x64xf32, #tpu.memory_space<hbm>>)
    %add3A_254 = arith.constant 25200 : i32
    %add3A_255 = arith.addi %mul3A_2, %add3A_254 : i32
    %dma_wait3A_256 = arith.constant 1 : i32
    %dma_wait3A_257 = arith.constant 0 : i32
    %dma_wait3A_258 = arith.constant 0 : i32
    %dma_wait3A_259 = tpu.memref_slice %arg7[%dma_wait3A_256, %dma_wait3A_257, %dma_wait3A_258] : memref<2x400x64xf32, #tpu.memory_space<vmem>> -> memref<1x400x64xf32, #tpu.memory_space<vmem>>
    %dma_wait3A_260 = tpu.memref_squeeze %dma_wait3A_259 : memref<1x400x64xf32, #tpu.memory_space<vmem>> -> memref<400x64xf32, #tpu.memory_space<vmem>>
    %dma_wait3A_261 = arith.constant 0 : i32
    %dma_wait3A_262 = tpu.memref_slice %arg5[%add3A_255, %dma_wait3A_261] : memref<819200x64xf32, #tpu.memory_space<hbm>> -> memref<400x64xf32, #tpu.memory_space<hbm>>
    %dma_wait3A_263 = arith.constant 0 : i32
    %dma_wait3A_264 = tpu.memref_slice %arg5[%add3A_255, %dma_wait3A_263] : memref<819200x64xf32, #tpu.memory_space<hbm>> -> memref<400x64xf32, #tpu.memory_space<hbm>>
    %dma_wait3A_265 = arith.constant 0 : i32
    %dma_wait3A_266 = arith.constant 0 : i32
    %dma_wait3A_267 = tpu.memref_slice %arg7[%dma_wait3A_256, %dma_wait3A_265, %dma_wait3A_266] : memref<2x400x64xf32, #tpu.memory_space<vmem>> -> memref<1x400x64xf32, #tpu.memory_space<vmem>>
    %dma_wait3A_268 = tpu.memref_squeeze %dma_wait3A_267 : memref<1x400x64xf32, #tpu.memory_space<vmem>> -> memref<400x64xf32, #tpu.memory_space<vmem>>
    tpu.wait_dma2 semaphore(%arg12 : memref<!tpu.dma_semaphore, #tpu.memory_space<semaphore_mem>>) src(%dma_wait3A_268 : memref<400x64xf32, #tpu.memory_space<vmem>>) dst(%dma_wait3A_264 : memref<400x64xf32, #tpu.memory_space<hbm>>)
    return
  }
}

</mosaic_0001>

<sc_bundles>
// kernel: _embed.3.cloned.1.call-start
scs
__scs_entry_jumppad:
0x0: {  	(pc) =	sbr.rel $0x88, $3  }
0x1: {  	(tag) =	ssettag $0x0;
	lr =	simm.s32 $0x1  }
0x2: {  	[smem:$0x3F9E] =	sst lr;
	_ =	strace $0xD0000000  }
0x3: {  	_ = 	snop  }
0x4: {  	_ = 	snop  }
0x5: {  	_ = 	snop  }
0x6: {  	_ = 	snop  }
0x7: {  	_ = 	snop  }
__scs_overlays_trampoline_lowered:
0x8: {  	[smem:$0x3FAD] =	sst s0  }
0x9: {  	[smem:$0x3FAE] =	sst s1  }
0xa: {  	[smem:$0x3FAF] =	sst s2  }
0xb: {  	[smem:$0x3FB0] =	sst s3  }
0xc: {  	[smem:$0x3FB1] =	sst s4  }
0xd: {  	[smem:$0x3FB2] =	sst s5  }
0xe: {  	[smem:$0x3FB3] =	sst s6  }
0xf: {  	[smem:$0x3FB4] =	sst s7  }
0x10: {  	[smem:$0x3FB5] =	sst s8  }
0x11: {  	[smem:$0x3FB6] =	sst s9;
	s0 =	simm.s32 @!p0 $0x0  }
0x12: {  	s1 =	sld [smem:$0x3F9C];
	s0 =	simm.s32 @p0 $0x1  }
0x13: {  	[smem:$0x3FB7] =	sst s0;
	s0 =	simm.s32 @!p1 $0x0  }
0x14: {  	s2 =	sld [smem:$0x3F9B];
	s0 =	simm.s32 @p1 $0x1  }
0x15: {  	[smem:$0x3FB8] =	sst s0;
	s0 =	simm.s32 @!p2 $0x0  }
0x16: {  	s3 =	sld [smem:$0x3FDB];
	s0 =	simm.s32 @p2 $0x1  }
0x17: {  	s4 =	simm.s32 $0x1BF5;
	[smem:$0x3FBA] =	sst s0  }
0x18: {  	s0 =	sld [smem:$0x3F9D];
	_ =	swait.ge [sflag:s4], $0x0  }
0x19: {  	s7 =	sld [smem:$0x3F9E]  }
0x1a: {  	s8 =	sadd.s32 $0xFFFFE003, lr  }
0x1b: {  	s9 =	sadd.s32 $0xFFFFFEF7, lr;
	s5 =	simm.s32 $0xFFFFFFFF;
	p2 =	slt.u32 s8, $0xFFFFF086  }
0x1c: {  	p1 =	slt.u32 s9, $0xF7A;
	s5 =	simm.s32 @!p2 $0x0  }
0x1d: {  	s5 =	simm.s32 @p1 $0x1;
	p0 =	seq.s32 s7, s2  }
0x1e: {  	s7 =	smul.u32 @!p0 $0xF7A, s2;
	p2 =	seq.s32 @!p0 s5, $0x0  }
0x1f: {  	s9 =	smul.u32 $0xF7A, s1;
	s8 =	simm.s32 @!p0 $0x1BF5;
	p2 =	por !p2, p0  }
0x20: {  	[sflag:s8] =	ssyncset.s32 @!p0 $0xFFFFF086;
	s6 =	sadd.s32 @!p0 s3, s7;
	s7 =	simm.s32 @!p0 $0x108  }
0x21: {  	s3 =	sadd.s32 s3, s9;
	s6 =	sadd.s32 @!p0 $0x88, s6;
	s7 =	simm.s32 @p2 $0x1082  }
0x22: {  	[simem:s7], [sflag:s8] =	dma.local @!p0 [hbm:s6], $0xF7A  }
0x23: {  	s9 =	sor.u32 $0xD0000000, s2;
	s6 =	simm.s32 $0x108;
	_ =	swait.ge @!p0 [sflag:s8], $0x0  }
0x24: {  	s3 =	sadd.s32 $0x88, s3;
	s6 =	simm.s32 @!p1 $0x1082;
	[sflag:s4] =	ssyncset.s32 $0xFFFFF086  }
0x25: {  	[simem:s6], [sflag:s4] =	dma.local [hbm:s3], $0xF7A  }
0x26: {  	[smem:$0x3F9E] =	sst s1;
	(tag) =	ssettag s2;
	_ =	strace s9  }
0x27: {  	s1 =	sld [smem:$0x3FAE]  }
0x28: {  	s2 =	sld [smem:$0x3FAF]  }
0x29: {  	s4 =	sld [smem:$0x3FB1]  }
0x2a: {  	p0 =	seq.s32 s5, $0x0;
	s5 =	sld [smem:$0x3FB2]  }
0x2b: {  	s6 =	sld [smem:$0x3FB3]  }
0x2c: {  	s7 =	sld [smem:$0x3FB4]  }
0x2d: {  	s3 =	simm.s32 $0x108;
	s8 =	sld [smem:$0x3FB5]  }
0x2e: {  	s3 =	simm.s32 @!p0 $0x1082;
	s9 =	sld [smem:$0x3FB6]  }
0x2f: {  	lr =	sadd.s32 s0, s3;
	s0 =	sld [smem:$0x3FAD]  }
0x30: {  	s3 =	sld [smem:$0x3FB0]  }
0x31: {  	[smem:$0x3FB9] =	sst s10  }
0x32: {  	s10 =	sld [smem:$0x3FB7];
	_ =	sdelay $0x3  }
0x33: {  	p0 =	seq.s32 s10, $0x1;
	s10 =	sld [smem:$0x3FB9];
	_ =	sdelay $0x3  }
0x34: {  	[smem:$0x3FB9] =	sst s10  }
0x35: {  	s10 =	sld [smem:$0x3FB8];
	_ =	sdelay $0x3  }
0x36: {  	p1 =	seq.s32 s10, $0x1;
	s10 =	sld [smem:$0x3FB9];
	_ =	sdelay $0x3  }
0x37: {  	[smem:$0x3FB9] =	sst s10  }
0x38: {  	s10 =	sld [smem:$0x3FBA]  }
0x39: {  	_ = 	snop;
	(pc) =	sbr.ind lr, $3  }
0x3a: {  	_ = 	snop  }
0x3b: {  	_ = 	snop  }
0x3c: {  	p2 =	seq.s32 s10, $0x1;
	s10 =	sld [smem:$0x3FB9]  }
0x3d: {  	_ =	shalt  }
0x3e: {  	_ =	shalt  }
0x3f: {  	_ =	shalt  }
0x40: {  	_ =	shalt  }
0x41: {  	_ =	shalt  }
0x42: {  	_ =	shalt  }
0x43: {  	_ =	shalt  }
0x44: {  	_ =	shalt  }
0x45: {  	_ =	shalt  }
0x46: {  	_ =	shalt  }
0x47: {  	_ =	shalt  }
0x48: {  	_ =	shalt  }
0x49: {  	_ =	shalt  }
0x4a: {  	_ =	shalt  }
0x4b: {  	_ =	shalt  }
0x4c: {  	_ =	shalt  }
0x4d: {  	_ =	shalt  }
0x4e: {  	_ =	shalt  }
0x4f: {  	_ =	shalt  }
0x50: {  	_ =	shalt  }
0x51: {  	_ =	shalt  }
0x52: {  	_ =	shalt  }
0x53: {  	_ =	shalt  }
0x54: {  	_ =	shalt  }
0x55: {  	_ =	shalt  }
0x56: {  	_ =	shalt  }
0x57: {  	_ =	shalt  }
0x58: {  	_ =	shalt  }
0x59: {  	_ =	shalt  }
0x5a: {  	_ =	shalt  }
0x5b: {  	_ =	shalt  }
0x5c: {  	_ =	shalt  }
0x5d: {  	_ =	shalt  }
0x5e: {  	_ =	shalt  }
0x5f: {  	_ =	shalt  }
0x60: {  	_ =	shalt  }
0x61: {  	_ =	shalt  }
0x62: {  	_ =	shalt  }
0x63: {  	_ =	shalt  }
0x64: {  	_ =	shalt  }
0x65: {  	_ =	shalt  }
0x66: {  	_ =	shalt  }
0x67: {  	_ =	shalt  }
0x68: {  	_ =	shalt  }
0x69: {  	_ =	shalt  }
0x6a: {  	_ =	shalt  }
0x6b: {  	_ =	shalt  }
0x6c: {  	_ =	shalt  }
0x6d: {  	_ =	shalt  }
0x6e: {  	_ =	shalt  }
0x6f: {  	_ =	shalt  }
0x70: {  	_ =	shalt  }
0x71: {  	_ =	shalt  }
0x72: {  	_ =	shalt  }
0x73: {  	_ =	shalt  }
0x74: {  	_ =	shalt  }
0x75: {  	_ =	shalt  }
0x76: {  	_ =	shalt  }
0x77: {  	_ =	shalt  }
0x78: {  	_ =	shalt  }
0x79: {  	_ =	shalt  }
0x7a: {  	_ =	shalt  }
0x7b: {  	_ =	shalt  }
0x7c: {  	_ =	shalt  }
0x7d: {  	_ =	shalt  }
0x7e: {  	_ =	shalt  }
0x7f: {  	_ =	shalt  }
0x80: {  	_ =	shalt  }
0x81: {  	_ =	shalt  }
0x82: {  	_ =	shalt  }
0x83: {  	_ =	shalt  }
0x84: {  	_ =	shalt  }
0x85: {  	_ =	shalt  }
0x86: {  	_ =	shalt  }
0x87: {  	_ =	shalt  }
.Lfunc_end0:
.L_simem_size_0:
called_computation.1_lowered:
.L_overlay_start_0:
0x88: {  	s2 =	sld [smem:$0x3FD9]  }
0x89: {  	s3 =	sld [smem:$0x3FFE];
	_ =	sdelay $0x1  }
0x8a: {  	s1 =	srdreg.scid  }
0x8b: {  	s0 =	sand.u32 $0x1, s1  }
0x8c: {  	s17 =	sshll.u32 s0, $0xA;
	s2 =	sadd.s32 s3, s2  }
0x8d: {  	s2 =	sadd.s32 s2, s17  }
0x8e: {  	[smem:$0x3FC5] =	sst s2  }
0x8f: {  	_ = 	snop  }
0x90: {  	s2 =	sld [smem:$0x3FD0];
	(tm) =	ssettm $0x1  }
0x91: {  	s18 =	sld [smem:$0x3FFB];
	_ =	sdelay $0x3  }
0x92: {  	_ =	strace s18  }
0x93: {  	s3 =	sld [smem:$0x3FFC];
	_ =	sdelay $0x3  }
0x94: {  	_ =	strace s3  }
0x95: {  	s3 =	sld [smem:$0x3FFD];
	_ =	sdelay $0x3  }
0x96: {  	_ =	strace s3  }
0x97: {  	_ =	strace $0x8FFFFFFF  }
0x98: {  	s19 =	sld [smem:$0x3FDB];
	_ =	sdelay $0x1  }
0x99: {  	s4 =	simm.s32 $_scs_section_size  }
0x9a: {  	s5 =	simm.s32 $_size__tile_overlayer_lowered;
	s6 =	simm.s32 $_tile_overlayer_lowered  }
0x9b: {  	s22 =	simm.s32 $0x1BFF;
	s21 =	sshll.u32 s6, $0x1;
	s3 =	sadd.s32 s4, s19  }
0x9c: {  	s7 =	simm.s32 $0x0;
	s20 =	sshll.u32 s5, $0x1;
	s5 =	sadd.s32 s21, s3  }
0x9d: {  	[timem:s7], [sflag:s22] =	dma.local [hbm:s5], s20  }
0x9e: {  	_ =	swait.ge [sflag:s22], s20  }
0x9f: {  	s4 =	ssub.s32 $0x0, s20;
	[sflag:s22] =	ssyncset.done $0x0  }
0xa0: {  	[sflag:s22] =	ssyncadd.s32 s4;
	_ =	sdelay $0x1  }
0xa1: {  	s23 =	simm.s32 $0x1B8B  }
0xa2: {  	_ =	swait.ge [sflag:s23], $0x1  }
0xa3: {  	[sflag:s23] =	ssyncset.done $0x0  }
0xa4: {  	s25 =	simm.s32 $0x1B8E;
	s24 =	sld [smem:$0x3FFE];
	[sflag:s23] =	ssyncadd.s32 $0xFFFFFFFF  }
0xa5: {  	s26 =	simm.s32 $execute0_lowered;
	[smem:$0x3FD2] =	sst s25  }
0xa6: {  	s5 =	sshll.u32 s26, $0x1;
	_ =	strace $0x80000046;
	[dreg:$0x1] =	wrdreg $0xFFFFFFFF  }
0xa7: {  	s28 =	simm.s32 $_size_execute0_lowered;
	s3 =	sadd.s32 s3, s5;
	[dreg:$0x0] =	wrdreg $0x0  }
0xa8: {  	s5 =	sshll.u32 s28, $0x1;
	[dreg:$0x2] =	wrdreg s3  }
0xa9: {  	[dreg:$0x3] =	wrdreg s5  }
0xaa: {  	[dreg:$0x4] =	wrdreg $0xC0  }
0xab: {  	_ =	task [dreg:s7], $0x5FFFF  }
0xac: {  	[dreg:$0x1] =	wrdreg $0xFFFFFFFF  }
0xad: {  	[dreg:$0x0] =	wrdreg $0x60  }
0xae: {  	[dreg:$0x2] =	wrdreg s24  }
0xaf: {  	[dreg:$0x3] =	wrdreg s2  }
0xb0: {  	[dreg:$0x4] =	wrdreg $0x9  }
0xb1: {  	_ =	task.clear_ibuf [dreg:s7], $0x5FFFF;
	_ =	strace $0x90000046  }
0xb2: {  	s29 =	simm.s32 $0x9;
	_ =	strace $0x80000048  }
0xb3: {  	_ =	swait.ge [sflag:s29], $0x1  }
0xb4: {  	[sflag:s29] =	ssyncadd.s32 $0xFFFFFFFF  }
0xb5: {  	_ =	strace $0x90000048  }
0xb6: {  	_ =	sfence  }
0xb7: {  	s30 =	sld [smem:$0x0];
	_ =	sdelay $0x2  }
0xb8: {  	s31 =	sshll.u32 s1, $0xD;
	s1 =	sshrl.u32 s1, $0x2  }
0xb9: {  	s3 =	sand.u32 $0x4000, s31;
	s1 =	sadd.s32 s1, s30  }
0xba: {  	s0 =	sor.u32 s3, s0;
	s1 =	sshll.u32 s1, $0x11  }
0xbb: {  	s0 =	sor.u32 s1, s0  }
0xbc: {  	s0 =	sadd.s32 $0x8F2B, s0  }
0xbd: {  	[sflag:s0] =	ssyncadd.remote.s32 $0x1  }
0xbe: {  	_ =	sfence.sel $0xFFFF  }
0xbf: {  	[dreg:$0x0] =	wrdreg $0xFFFFFFFF;
	(pc) =	sbr.abs _section_cstart, $3  }
0xc0: {  	[dreg:$0x1] =	wrdreg $0xFFFFFFFF  }
0xc1: {  	_ =	task.clear_ibuf [dreg:s7], $0x2FFFF;
	_ =	strace $0x9FFFFFFF  }
0xc2: {  	(tm) =	ssettm $0x7FFFFFFF  }
0xc3: {  	_ =	shalt  }
tec
execute0_lowered:
.L_overlay_start_1:
0x0: {  	(tag) =	ssettag $0x1  }
0x1: {  	s0 =	rddreg [dreg:$0x0];
	s1 =	srdreg.scid  }
0x2: {  	s3 =	stileid.u32;
	s2 =	rddreg [dreg:$0x1]  }
0x3: {  	s12 =	simm.s32 $0x5;
	s14 =	simm.s32 $0x64;
	s15 =	simm.s32 $0x6800  }
0x4: {  	s17 =	simm.s32 $0x8100;
	s19 =	simm.s32 $0x9A00;
	s21 =	simm.s32 $0xB300  }
0x5: {  	s23 =	simm.s32 $0xCC00;
	s28 =	simm.s32 $0xFE00;
	s29 =	simm.s32 $0x2D8  }
0x6: {  	s30 =	simm.s32 $0x11700;
	s1 =	sand.u32 $0x1, s1;
	s4 =	sshll.u32 s3, $0x1  }
0x7: {  	s31 =	simm.s32 $0x1;
	s13 =	simm.s32 $0x4;
	s7 =	sor.u32 s1, s4  }
0x8: {  	s16 =	simm.s32 $0x0;
	s3 =	simm.s32 $0x0;
	s5 =	smul.u32 $0xD00, s7  }
0x9: {  	[smem:$0x7FF] =	sst s3;
	s4 =	sadd.s32 $0xF43000, s0;
	s9 =	smul.u32 $0x190000, s7  }
0xa: {  	s25 =	ssub.s32 $0x2, s1;
	_ =	strace $0x80000047;
	s6 =	smul.u32 $0x6400, s7  }
0xb: {  	s1 =	sshrl.u32 s25, $0x1;
	s10 =	smul.u32 $0x32000, s7;
	s8 =	sadd.s32 s5, s0  }
0xc: {  	s5 =	sadd.s32 $0x1AC00, s0;
	s9 =	sshrl.u32 s9, $0x3;
	s0 =	ssub.s32 s25, s1  }
0xd: {  	s25 =	simm.s32 $0xE500;
	s1 =	simm.s32 $0x2;
	s7 =	sadd.s32 $0xC00, s8  }
0xe: {  	s26 =	sadd.s32 s2, s9;
	s8 =	sadd.s32 s2, s10;
	s9 =	sor.u32 $0x190, s6  }
0xf: {  	s11 =	smax.u32 s0, $0x1;
	s0 =	simm.s32 $0x3;
	s10 =	sadd.s32 $0x31380, s26  }
.LBB2_1:
0x10: {  	[tilespmem:s3], [sflag:$0x5] =	stream.linear.gather [hbm4b:s7+s3], $0x6800, $0x38;
	[tilespmem:$0x16200] =	vst v63  }
0x11: {  	_ =	swait.ge [sflag:s12], $0x6800  }
0x12: {  	[sflag:s12] =	ssyncset.done $0x0  }
0x13: {  	s18 =	simm.s32 $0x13000;
	[sflag:s12] =	ssyncadd.s32 $0xFFFF9800  }
0x14: {  	[tilespmem:s18], [sflag:$0x5] =	stream.linear.gather [hbm4b:s5+s3], $0x3200, $0x38;
	[tilespmem:$0x16200] =	vst v63  }
0x15: {  	_ =	swait.ge [sflag:s12], $0x3200  }
0x16: {  	[sflag:s12] =	ssyncset.done $0x0  }
0x17: {  	[sflag:s12] =	ssyncadd.s32 $0xFFFFCE00  }
0x18: {  	[tilespmem:s15], [sflag:$0x1] =	stream.indirect.gather [hbm4b:s4+s14], $0x40, s3, s14, $0xb8;
	[tilespmem:$0x16200] =	vst v63  }
0x19: {  	s24 =	simm.s32 $0x68  }
0x1a: {  	[tilespmem:s17], [sflag:$0x1] =	stream.indirect.gather [hbm4b:s4+s14], $0x40, s24, s14, $0xb8;
	[tilespmem:$0x16200] =	vst v63  }
0x1b: {  	s26 =	simm.s32 $0xD0  }
0x1c: {  	[tilespmem:s19], [sflag:$0x1] =	stream.indirect.gather [hbm4b:s4+s14], $0x40, s26, s14, $0xb8;
	[tilespmem:$0x16200] =	vst v63  }
0x1d: {  	s20 =	simm.s32 $0x138  }
0x1e: {  	[tilespmem:s21], [sflag:$0x1] =	stream.indirect.gather [hbm4b:s4+s14], $0x40, s20, s14, $0xb8;
	[tilespmem:$0x16200] =	vst v63  }
0x1f: {  	s22 =	simm.s32 $0x1A0  }
0x20: {  	[tilespmem:s23], [sflag:$0x2] =	stream.indirect.gather [hbm4b:s4+s14], $0x40, s22, s14, $0xb8;
	[tilespmem:$0x16200] =	vst v63  }
0x21: {  	s24 =	simm.s32 $0x208  }
0x22: {  	[tilespmem:s25], [sflag:$0x2] =	stream.indirect.gather [hbm4b:s4+s14], $0x40, s24, s14, $0xb8;
	[tilespmem:$0x16200] =	vst v63  }
0x23: {  	s26 =	simm.s32 $0x270  }
0x24: {  	[tilespmem:s28], [sflag:$0x2] =	stream.indirect.gather [hbm4b:s4+s14], $0x40, s26, s14, $0xb8;
	[tilespmem:$0x16200] =	vst v63  }
0x25: {  	_ = 	snop  }
0x26: {  	[tilespmem:s30], [sflag:$0x2] =	stream.indirect.gather [hbm4b:s4+s14], $0x40, s29, s14, $0xb8;
	[tilespmem:$0x16200] =	vst v63  }
0x27: {  	_ =	swait.ge [sflag:s31], $0x1900  }
0x28: {  	[sflag:s31] =	ssyncset.done $0x0  }
0x29: {  	[sflag:s31] =	ssyncadd.s32 $0xFFFFE700  }
0x2a: {  	_ =	swait.ge [sflag:s31], $0x1900  }
0x2b: {  	[sflag:s31] =	ssyncset.done $0x0  }
0x2c: {  	[sflag:s31] =	ssyncadd.s32 $0xFFFFE700  }
0x2d: {  	_ =	swait.ge [sflag:s31], $0x1900  }
0x2e: {  	[sflag:s31] =	ssyncset.done $0x0  }
0x2f: {  	[sflag:s31] =	ssyncadd.s32 $0xFFFFE700  }
0x30: {  	_ =	swait.ge [sflag:s31], $0x1900  }
0x31: {  	[sflag:s31] =	ssyncset.done $0x0  }
0x32: {  	s18 =	simm.s32 $0x0;
	[sflag:s31] =	ssyncadd.s32 $0xFFFFE700  }
0x33: {  	v0 =	vld [tilespmem:s18+$0x130F0]  }
0x34: {  	v1 =	vld [tilespmem:s18+$0x13000]  }
0x35: {  	v2 =	vld [tilespmem:s18+$0x13010]  }
0x36: {  	v3 =	vld [tilespmem:s18+$0x13020]  }
0x37: {  	v4 =	vld [tilespmem:s18+$0x13030]  }
0x38: {  	v5 =	vld [tilespmem:s18+$0x13000]  }
0x39: {  	v6 =	vld [tilespmem:s18+$0x13010]  }
0x3a: {  	v7 =	vld [tilespmem:s18+$0x13020]  }
0x3b: {  	v8 =	vld [tilespmem:s18+$0x13030]  }
0x3c: {  	v9 =	vld [tilespmem:s18+$0x13040]  }
0x3d: {  	v10 =	vld [tilespmem:s18+$0x13050]  }
0x3e: {  	v11 =	vld [tilespmem:s18+$0x13060]  }
0x3f: {  	v12 =	vld [tilespmem:s18+$0x13070]  }
0x40: {  	v13 =	vld [tilespmem:s18+$0x13040]  }
0x41: {  	v14 =	vld [tilespmem:s18+$0x13050]  }
0x42: {  	v15 =	vld [tilespmem:s18+$0x13060]  }
0x43: {  	v16 =	vld [tilespmem:s18+$0x13070]  }
0x44: {  	v17 =	vld [tilespmem:s18+$0x13080]  }
0x45: {  	v18 =	vld [tilespmem:s18+$0x13090]  }
0x46: {  	v19 =	vld [tilespmem:s18+$0x130A0]  }
0x47: {  	v20 =	vld [tilespmem:s18+$0x130B0]  }
0x48: {  	v21 =	vld [tilespmem:s18+$0x13080]  }
0x49: {  	v22 =	vld [tilespmem:s18+$0x13090]  }
0x4a: {  	v23 =	vld [tilespmem:s18+$0x130A0]  }
0x4b: {  	v24 =	vld [tilespmem:s18+$0x130B0]  }
0x4c: {  	v25 =	vld [tilespmem:s18+$0x130C0]  }
0x4d: {  	v26 =	vld [tilespmem:s18+$0x130D0]  }
0x4e: {  	v27 =	vld [tilespmem:s18+$0x130E0]  }
0x4f: {  	v28 =	vld [tilespmem:s18+$0x130F0]  }
0x50: {  	v29 =	vld [tilespmem:s18+$0x130C0]  }
0x51: {  	v30 =	vld [tilespmem:s18+$0x130D0]  }
0x52: {  	[tilespmem:s18+$0x9AF0] =	vst.add.f32.msk $0xffff, v0  }
0x53: {  	v0 =	vld [tilespmem:s18+$0x130E0]  }
0x54: {  	[tilespmem:s18+$0x6800] =	vst.add.f32.msk $0xffff, v1  }
0x55: {  	[tilespmem:s18+$0x6810] =	vst.add.f32.msk $0xffff, v2  }
0x56: {  	[tilespmem:s18+$0x6820] =	vst.add.f32.msk $0xffff, v3  }
0x57: {  	[tilespmem:s18+$0x6830] =	vst.add.f32.msk $0xffff, v4  }
0x58: {  	[tilespmem:s18+$0x9A00] =	vst.add.f32.msk $0xffff, v5  }
0x59: {  	[tilespmem:s18+$0x9A10] =	vst.add.f32.msk $0xffff, v6  }
0x5a: {  	[tilespmem:s18+$0x9A20] =	vst.add.f32.msk $0xffff, v7  }
0x5b: {  	[tilespmem:s18+$0x9A30] =	vst.add.f32.msk $0xffff, v8  }
0x5c: {  	[tilespmem:s18+$0x6840] =	vst.add.f32.msk $0xffff, v9  }
0x5d: {  	[tilespmem:s18+$0x6850] =	vst.add.f32.msk $0xffff, v10  }
0x5e: {  	[tilespmem:s18+$0x6860] =	vst.add.f32.msk $0xffff, v11  }
0x5f: {  	[tilespmem:s18+$0x6870] =	vst.add.f32.msk $0xffff, v12  }
0x60: {  	[tilespmem:s18+$0x9A40] =	vst.add.f32.msk $0xffff, v13  }
0x61: {  	[tilespmem:s18+$0x9A50] =	vst.add.f32.msk $0xffff, v14  }
0x62: {  	[tilespmem:s18+$0x9A60] =	vst.add.f32.msk $0xffff, v15  }
0x63: {  	[tilespmem:s18+$0x9A70] =	vst.add.f32.msk $0xffff, v16  }
0x64: {  	[tilespmem:s18+$0x6880] =	vst.add.f32.msk $0xffff, v17  }
0x65: {  	[tilespmem:s18+$0x6890] =	vst.add.f32.msk $0xffff, v18  }
0x66: {  	[tilespmem:s18+$0x68A0] =	vst.add.f32.msk $0xffff, v19  }
0x67: {  	[tilespmem:s18+$0x68B0] =	vst.add.f32.msk $0xffff, v20  }
0x68: {  	[tilespmem:s18+$0x9A80] =	vst.add.f32.msk $0xffff, v21  }
0x69: {  	[tilespmem:s18+$0x9A90] =	vst.add.f32.msk $0xffff, v22  }
0x6a: {  	[tilespmem:s18+$0x9AA0] =	vst.add.f32.msk $0xffff, v23  }
0x6b: {  	[tilespmem:s18+$0x9AB0] =	vst.add.f32.msk $0xffff, v24  }
0x6c: {  	[tilespmem:s18+$0x68C0] =	vst.add.f32.msk $0xffff, v25  }
0x6d: {  	[tilespmem:s18+$0x68D0] =	vst.add.f32.msk $0xffff, v26  }
0x6e: {  	[tilespmem:s18+$0x68E0] =	vst.add.f32.msk $0xffff, v27  }
0x6f: {  	[tilespmem:s18+$0x68F0] =	vst.add.f32.msk $0xffff, v28  }
0x70: {  	[tilespmem:s18+$0x9AC0] =	vst.add.f32.msk $0xffff, v29  }
0x71: {  	s20 =	simm.s32 $0x0;
	s22 =	simm.s32 $0x400;
	[tilespmem:s18+$0x9AD0] =	vst.add.f32.msk $0xffff, v30  }
.LBB2_2:
0x72: {  	s20 =	sadd.s32 $0x4, s20;
	[tilespmem:s18+$0x9AE0] =	vst.add.f32.msk $0xffff, v0;
	s18 =	sshra.s32 s22, $0x2  }
0x73: {  	v0 =	vld [tilespmem:s18+$0x130F0];
	p0 =	slt.u32 s20, $0xC4  }
0x74: {  	v1 =	vld [tilespmem:s18+$0x13000]  }
0x75: {  	v2 =	vld [tilespmem:s18+$0x13010]  }
0x76: {  	v3 =	vld [tilespmem:s18+$0x13020]  }
0x77: {  	v4 =	vld [tilespmem:s18+$0x13030]  }
0x78: {  	[tilespmem:s18+$0x9AF0] =	vst.add.f32.msk $0xffff, v0  }
0x79: {  	v5 =	vld [tilespmem:s18+$0x13000]  }
0x7a: {  	v6 =	vld [tilespmem:s18+$0x13010]  }
0x7b: {  	v7 =	vld [tilespmem:s18+$0x13020]  }
0x7c: {  	v8 =	vld [tilespmem:s18+$0x13030]  }
0x7d: {  	v9 =	vld [tilespmem:s18+$0x13040]  }
0x7e: {  	v10 =	vld [tilespmem:s18+$0x13050]  }
0x7f: {  	v11 =	vld [tilespmem:s18+$0x13060]  }
0x80: {  	v12 =	vld [tilespmem:s18+$0x13070]  }
0x81: {  	v13 =	vld [tilespmem:s18+$0x13040]  }
0x82: {  	v14 =	vld [tilespmem:s18+$0x13050]  }
0x83: {  	v15 =	vld [tilespmem:s18+$0x13060]  }
0x84: {  	v16 =	vld [tilespmem:s18+$0x13070]  }
0x85: {  	v17 =	vld [tilespmem:s18+$0x13080]  }
0x86: {  	v18 =	vld [tilespmem:s18+$0x13090]  }
0x87: {  	v19 =	vld [tilespmem:s18+$0x130A0]  }
0x88: {  	v20 =	vld [tilespmem:s18+$0x130B0]  }
0x89: {  	v21 =	vld [tilespmem:s18+$0x13080]  }
0x8a: {  	v22 =	vld [tilespmem:s18+$0x13090]  }
0x8b: {  	v23 =	vld [tilespmem:s18+$0x130A0]  }
0x8c: {  	v24 =	vld [tilespmem:s18+$0x130B0]  }
0x8d: {  	v25 =	vld [tilespmem:s18+$0x130C0]  }
0x8e: {  	v26 =	vld [tilespmem:s18+$0x130D0]  }
0x8f: {  	v27 =	vld [tilespmem:s18+$0x130E0]  }
0x90: {  	v28 =	vld [tilespmem:s18+$0x130F0]  }
0x91: {  	v29 =	vld [tilespmem:s18+$0x130C0]  }
0x92: {  	v30 =	vld [tilespmem:s18+$0x130D0]  }
0x93: {  	v0 =	vld [tilespmem:s18+$0x130E0]  }
0x94: {  	[tilespmem:s18+$0x6800] =	vst.add.f32.msk $0xffff, v1  }
0x95: {  	[tilespmem:s18+$0x6810] =	vst.add.f32.msk $0xffff, v2  }
0x96: {  	[tilespmem:s18+$0x6820] =	vst.add.f32.msk $0xffff, v3  }
0x97: {  	[tilespmem:s18+$0x6830] =	vst.add.f32.msk $0xffff, v4  }
0x98: {  	[tilespmem:s18+$0x9A00] =	vst.add.f32.msk $0xffff, v5  }
0x99: {  	[tilespmem:s18+$0x9A10] =	vst.add.f32.msk $0xffff, v6  }
0x9a: {  	[tilespmem:s18+$0x9A20] =	vst.add.f32.msk $0xffff, v7  }
0x9b: {  	[tilespmem:s18+$0x9A30] =	vst.add.f32.msk $0xffff, v8  }
0x9c: {  	[tilespmem:s18+$0x6840] =	vst.add.f32.msk $0xffff, v9  }
0x9d: {  	[tilespmem:s18+$0x6850] =	vst.add.f32.msk $0xffff, v10  }
0x9e: {  	[tilespmem:s18+$0x6860] =	vst.add.f32.msk $0xffff, v11  }
0x9f: {  	[tilespmem:s18+$0x6870] =	vst.add.f32.msk $0xffff, v12  }
0xa0: {  	[tilespmem:s18+$0x9A40] =	vst.add.f32.msk $0xffff, v13  }
0xa1: {  	[tilespmem:s18+$0x9A50] =	vst.add.f32.msk $0xffff, v14  }
0xa2: {  	[tilespmem:s18+$0x9A60] =	vst.add.f32.msk $0xffff, v15  }
0xa3: {  	[tilespmem:s18+$0x9A70] =	vst.add.f32.msk $0xffff, v16  }
0xa4: {  	[tilespmem:s18+$0x6880] =	vst.add.f32.msk $0xffff, v17  }
0xa5: {  	[tilespmem:s18+$0x6890] =	vst.add.f32.msk $0xffff, v18  }
0xa6: {  	[tilespmem:s18+$0x68A0] =	vst.add.f32.msk $0xffff, v19  }
0xa7: {  	[tilespmem:s18+$0x68B0] =	vst.add.f32.msk $0xffff, v20  }
0xa8: {  	[tilespmem:s18+$0x9A80] =	vst.add.f32.msk $0xffff, v21  }
0xa9: {  	[tilespmem:s18+$0x9A90] =	vst.add.f32.msk $0xffff, v22  }
0xaa: {  	[tilespmem:s18+$0x9AA0] =	vst.add.f32.msk $0xffff, v23  }
0xab: {  	[tilespmem:s18+$0x9AB0] =	vst.add.f32.msk $0xffff, v24  }
0xac: {  	[tilespmem:s18+$0x68C0] =	vst.add.f32.msk $0xffff, v25  }
.Ltmp0:
0xad: {  	[tilespmem:s18+$0x68D0] =	vst.add.f32.msk $0xffff, v26;
	(pc) =	sbr.rel @p0 .LBB2_2-.Ltmp0, $4  }
0xae: {  	[tilespmem:s18+$0x68E0] =	vst.add.f32.msk $0xffff, v27  }
0xaf: {  	[tilespmem:s18+$0x68F0] =	vst.add.f32.msk $0xffff, v28  }
0xb0: {  	[tilespmem:s18+$0x9AC0] =	vst.add.f32.msk $0xffff, v29  }
0xb1: {  	s22 =	sadd.s32 $0x400, s22;
	[tilespmem:s18+$0x9AD0] =	vst.add.f32.msk $0xffff, v30  }
0xb2: {  	[tilespmem:s18+$0x9AE0] =	vst.add.f32.msk $0xffff, v0;
	s18 =	simm.s32 $0x0  }
0xb3: {  	[hbm4b:s8+s18] =	stream.linear.scatter [tilespmem:s15], [sflag:$0x3], $0x6400, $0x38;
	[tilespmem:$0x16200] =	vst v63  }
.LBB2_4:
0xb4: {  	_ =	swait.ge [sflag:s1], $0x1900  }
0xb5: {  	[sflag:s1] =	ssyncset.done $0x0  }
0xb6: {  	[sflag:s1] =	ssyncadd.s32 $0xFFFFE700  }
0xb7: {  	_ =	swait.ge [sflag:s1], $0x1900  }
0xb8: {  	[sflag:s1] =	ssyncset.done $0x0  }
0xb9: {  	[sflag:s1] =	ssyncadd.s32 $0xFFFFE700  }
0xba: {  	_ =	swait.ge [sflag:s1], $0x1900  }
0xbb: {  	[sflag:s1] =	ssyncset.done $0x0  }
0xbc: {  	[sflag:s1] =	ssyncadd.s32 $0xFFFFE700  }
0xbd: {  	_ =	swait.ge [sflag:s1], $0x1900  }
0xbe: {  	[sflag:s1] =	ssyncset.done $0x0  }
0xbf: {  	s20 =	simm.s32 $0x0;
	[sflag:s1] =	ssyncadd.s32 $0xFFFFE700  }
0xc0: {  	v0 =	vld [tilespmem:s20+$0x130F0]  }
0xc1: {  	v1 =	vld [tilespmem:s20+$0x13000]  }
0xc2: {  	v2 =	vld [tilespmem:s20+$0x13010]  }
0xc3: {  	v3 =	vld [tilespmem:s20+$0x13020]  }
0xc4: {  	v4 =	vld [tilespmem:s20+$0x13030]  }
0xc5: {  	v5 =	vld [tilespmem:s20+$0x13000]  }
0xc6: {  	v6 =	vld [tilespmem:s20+$0x13010]  }
0xc7: {  	v7 =	vld [tilespmem:s20+$0x13020]  }
0xc8: {  	v8 =	vld [tilespmem:s20+$0x13030]  }
0xc9: {  	v9 =	vld [tilespmem:s20+$0x13040]  }
0xca: {  	v10 =	vld [tilespmem:s20+$0x13050]  }
0xcb: {  	v11 =	vld [tilespmem:s20+$0x13060]  }
0xcc: {  	v12 =	vld [tilespmem:s20+$0x13070]  }
0xcd: {  	v13 =	vld [tilespmem:s20+$0x13040]  }
0xce: {  	v14 =	vld [tilespmem:s20+$0x13050]  }
0xcf: {  	v15 =	vld [tilespmem:s20+$0x13060]  }
0xd0: {  	v16 =	vld [tilespmem:s20+$0x13070]  }
0xd1: {  	v17 =	vld [tilespmem:s20+$0x13080]  }
0xd2: {  	v18 =	vld [tilespmem:s20+$0x13090]  }
0xd3: {  	v19 =	vld [tilespmem:s20+$0x130A0]  }
0xd4: {  	v20 =	vld [tilespmem:s20+$0x130B0]  }
0xd5: {  	v21 =	vld [tilespmem:s20+$0x13080]  }
0xd6: {  	v22 =	vld [tilespmem:s20+$0x13090]  }
0xd7: {  	v23 =	vld [tilespmem:s20+$0x130A0]  }
0xd8: {  	v24 =	vld [tilespmem:s20+$0x130B0]  }
0xd9: {  	v25 =	vld [tilespmem:s20+$0x130C0]  }
0xda: {  	v26 =	vld [tilespmem:s20+$0x130D0]  }
0xdb: {  	v27 =	vld [tilespmem:s20+$0x130E0]  }
0xdc: {  	v28 =	vld [tilespmem:s20+$0x130F0]  }
0xdd: {  	v29 =	vld [tilespmem:s20+$0x130C0]  }
0xde: {  	v30 =	vld [tilespmem:s20+$0x130D0]  }
0xdf: {  	[tilespmem:s20+$0xFEF0] =	vst.add.f32.msk $0xffff, v0  }
0xe0: {  	v0 =	vld [tilespmem:s20+$0x130E0]  }
0xe1: {  	[tilespmem:s20+$0xCC00] =	vst.add.f32.msk $0xffff, v1  }
0xe2: {  	[tilespmem:s20+$0xCC10] =	vst.add.f32.msk $0xffff, v2  }
0xe3: {  	[tilespmem:s20+$0xCC20] =	vst.add.f32.msk $0xffff, v3  }
0xe4: {  	[tilespmem:s20+$0xCC30] =	vst.add.f32.msk $0xffff, v4  }
0xe5: {  	[tilespmem:s20+$0xFE00] =	vst.add.f32.msk $0xffff, v5  }
0xe6: {  	[tilespmem:s20+$0xFE10] =	vst.add.f32.msk $0xffff, v6  }
0xe7: {  	[tilespmem:s20+$0xFE20] =	vst.add.f32.msk $0xffff, v7  }
0xe8: {  	[tilespmem:s20+$0xFE30] =	vst.add.f32.msk $0xffff, v8  }
0xe9: {  	[tilespmem:s20+$0xCC40] =	vst.add.f32.msk $0xffff, v9  }
0xea: {  	[tilespmem:s20+$0xCC50] =	vst.add.f32.msk $0xffff, v10  }
0xeb: {  	[tilespmem:s20+$0xCC60] =	vst.add.f32.msk $0xffff, v11  }
0xec: {  	[tilespmem:s20+$0xCC70] =	vst.add.f32.msk $0xffff, v12  }
0xed: {  	[tilespmem:s20+$0xFE40] =	vst.add.f32.msk $0xffff, v13  }
0xee: {  	[tilespmem:s20+$0xFE50] =	vst.add.f32.msk $0xffff, v14  }
0xef: {  	[tilespmem:s20+$0xFE60] =	vst.add.f32.msk $0xffff, v15  }
0xf0: {  	[tilespmem:s20+$0xFE70] =	vst.add.f32.msk $0xffff, v16  }
0xf1: {  	[tilespmem:s20+$0xCC80] =	vst.add.f32.msk $0xffff, v17  }
0xf2: {  	[tilespmem:s20+$0xCC90] =	vst.add.f32.msk $0xffff, v18  }
0xf3: {  	[tilespmem:s20+$0xCCA0] =	vst.add.f32.msk $0xffff, v19  }
0xf4: {  	[tilespmem:s20+$0xCCB0] =	vst.add.f32.msk $0xffff, v20  }
0xf5: {  	[tilespmem:s20+$0xFE80] =	vst.add.f32.msk $0xffff, v21  }
0xf6: {  	[tilespmem:s20+$0xFE90] =	vst.add.f32.msk $0xffff, v22  }
0xf7: {  	[tilespmem:s20+$0xFEA0] =	vst.add.f32.msk $0xffff, v23  }
0xf8: {  	[tilespmem:s20+$0xFEB0] =	vst.add.f32.msk $0xffff, v24  }
0xf9: {  	[tilespmem:s20+$0xCCC0] =	vst.add.f32.msk $0xffff, v25  }
0xfa: {  	[tilespmem:s20+$0xCCD0] =	vst.add.f32.msk $0xffff, v26  }
0xfb: {  	[tilespmem:s20+$0xCCE0] =	vst.add.f32.msk $0xffff, v27  }
0xfc: {  	[tilespmem:s20+$0xCCF0] =	vst.add.f32.msk $0xffff, v28  }
0xfd: {  	[tilespmem:s20+$0xFEC0] =	vst.add.f32.msk $0xffff, v29  }
0xfe: {  	s22 =	simm.s32 $0x0;
	s24 =	simm.s32 $0x400;
	[tilespmem:s20+$0xFED0] =	vst.add.f32.msk $0xffff, v30  }
.LBB2_5:
0xff: {  	s22 =	sadd.s32 $0x4, s22;
	[tilespmem:s20+$0xFEE0] =	vst.add.f32.msk $0xffff, v0;
	s20 =	sshra.s32 s24, $0x2  }
0x100: {  	v0 =	vld [tilespmem:s20+$0x130F0];
	p0 =	slt.u32 s22, $0xC4  }
0x101: {  	v1 =	vld [tilespmem:s20+$0x13000]  }
0x102: {  	v2 =	vld [tilespmem:s20+$0x13010]  }
0x103: {  	v3 =	vld [tilespmem:s20+$0x13020]  }
0x104: {  	v4 =	vld [tilespmem:s20+$0x13030]  }
0x105: {  	[tilespmem:s20+$0xFEF0] =	vst.add.f32.msk $0xffff, v0  }
0x106: {  	v5 =	vld [tilespmem:s20+$0x13000]  }
0x107: {  	v6 =	vld [tilespmem:s20+$0x13010]  }
0x108: {  	v7 =	vld [tilespmem:s20+$0x13020]  }
0x109: {  	v8 =	vld [tilespmem:s20+$0x13030]  }
0x10a: {  	v9 =	vld [tilespmem:s20+$0x13040]  }
0x10b: {  	v10 =	vld [tilespmem:s20+$0x13050]  }
0x10c: {  	v11 =	vld [tilespmem:s20+$0x13060]  }
0x10d: {  	v12 =	vld [tilespmem:s20+$0x13070]  }
0x10e: {  	v13 =	vld [tilespmem:s20+$0x13040]  }
0x10f: {  	v14 =	vld [tilespmem:s20+$0x13050]  }
0x110: {  	v15 =	vld [tilespmem:s20+$0x13060]  }
0x111: {  	v16 =	vld [tilespmem:s20+$0x13070]  }
0x112: {  	v17 =	vld [tilespmem:s20+$0x13080]  }
0x113: {  	v18 =	vld [tilespmem:s20+$0x13090]  }
0x114: {  	v19 =	vld [tilespmem:s20+$0x130A0]  }
0x115: {  	v20 =	vld [tilespmem:s20+$0x130B0]  }
0x116: {  	v21 =	vld [tilespmem:s20+$0x13080]  }
0x117: {  	v22 =	vld [tilespmem:s20+$0x13090]  }
0x118: {  	v23 =	vld [tilespmem:s20+$0x130A0]  }
0x119: {  	v24 =	vld [tilespmem:s20+$0x130B0]  }
0x11a: {  	v25 =	vld [tilespmem:s20+$0x130C0]  }
0x11b: {  	v26 =	vld [tilespmem:s20+$0x130D0]  }
0x11c: {  	v27 =	vld [tilespmem:s20+$0x130E0]  }
0x11d: {  	v28 =	vld [tilespmem:s20+$0x130F0]  }
0x11e: {  	v29 =	vld [tilespmem:s20+$0x130C0]  }
0x11f: {  	v30 =	vld [tilespmem:s20+$0x130D0]  }
0x120: {  	v0 =	vld [tilespmem:s20+$0x130E0]  }
0x121: {  	[tilespmem:s20+$0xCC00] =	vst.add.f32.msk $0xffff, v1  }
0x122: {  	[tilespmem:s20+$0xCC10] =	vst.add.f32.msk $0xffff, v2  }
0x123: {  	[tilespmem:s20+$0xCC20] =	vst.add.f32.msk $0xffff, v3  }
0x124: {  	[tilespmem:s20+$0xCC30] =	vst.add.f32.msk $0xffff, v4  }
0x125: {  	[tilespmem:s20+$0xFE00] =	vst.add.f32.msk $0xffff, v5  }
0x126: {  	[tilespmem:s20+$0xFE10] =	vst.add.f32.msk $0xffff, v6  }
0x127: {  	[tilespmem:s20+$0xFE20] =	vst.add.f32.msk $0xffff, v7  }
0x128: {  	[tilespmem:s20+$0xFE30] =	vst.add.f32.msk $0xffff, v8  }
0x129: {  	[tilespmem:s20+$0xCC40] =	vst.add.f32.msk $0xffff, v9  }
0x12a: {  	[tilespmem:s20+$0xCC50] =	vst.add.f32.msk $0xffff, v10  }
0x12b: {  	[tilespmem:s20+$0xCC60] =	vst.add.f32.msk $0xffff, v11  }
0x12c: {  	[tilespmem:s20+$0xCC70] =	vst.add.f32.msk $0xffff, v12  }
0x12d: {  	[tilespmem:s20+$0xFE40] =	vst.add.f32.msk $0xffff, v13  }
0x12e: {  	[tilespmem:s20+$0xFE50] =	vst.add.f32.msk $0xffff, v14  }
0x12f: {  	[tilespmem:s20+$0xFE60] =	vst.add.f32.msk $0xffff, v15  }
0x130: {  	[tilespmem:s20+$0xFE70] =	vst.add.f32.msk $0xffff, v16  }
0x131: {  	[tilespmem:s20+$0xCC80] =	vst.add.f32.msk $0xffff, v17  }
0x132: {  	[tilespmem:s20+$0xCC90] =	vst.add.f32.msk $0xffff, v18  }
0x133: {  	[tilespmem:s20+$0xCCA0] =	vst.add.f32.msk $0xffff, v19  }
0x134: {  	[tilespmem:s20+$0xCCB0] =	vst.add.f32.msk $0xffff, v20  }
0x135: {  	[tilespmem:s20+$0xFE80] =	vst.add.f32.msk $0xffff, v21  }
0x136: {  	[tilespmem:s20+$0xFE90] =	vst.add.f32.msk $0xffff, v22  }
0x137: {  	[tilespmem:s20+$0xFEA0] =	vst.add.f32.msk $0xffff, v23  }
0x138: {  	[tilespmem:s20+$0xFEB0] =	vst.add.f32.msk $0xffff, v24  }
0x139: {  	[tilespmem:s20+$0xCCC0] =	vst.add.f32.msk $0xffff, v25  }
.Ltmp1:
0x13a: {  	[tilespmem:s20+$0xCCD0] =	vst.add.f32.msk $0xffff, v26;
	(pc) =	sbr.rel @p0 .LBB2_5-.Ltmp1, $4  }
0x13b: {  	[tilespmem:s20+$0xCCE0] =	vst.add.f32.msk $0xffff, v27  }
0x13c: {  	[tilespmem:s20+$0xCCF0] =	vst.add.f32.msk $0xffff, v28  }
0x13d: {  	[tilespmem:s20+$0xFEC0] =	vst.add.f32.msk $0xffff, v29  }
0x13e: {  	s24 =	sadd.s32 $0x400, s24;
	[tilespmem:s20+$0xFED0] =	vst.add.f32.msk $0xffff, v30  }
0x13f: {  	s22 =	smul.u32 $0x320, s18;
	_ =	sdelay $0x1  }
0x140: {  	s22 =	sadd.s32 s22, s9  }
0x141: {  	s22 =	sshll.u32 s22, $0x3  }
0x142: {  	s26 =	sshll.u32 s18, $0x1;
	s22 =	sand.u32 $0x1FFFFF80, s22  }
0x143: {  	[tilespmem:s20+$0xFEE0] =	vst.add.f32.msk $0xffff, v0;
	s24 =	simm.s32 $0x0;
	s20 =	sadd.s32 $0x2, s26;
	s22 =	sadd.s32 s2, s22  }
0x144: {  	[hbm4b:s22+s24] =	stream.linear.scatter [tilespmem:s23], [sflag:$0x4], $0x6400, $0x38;
	[tilespmem:$0x16200] =	vst v63  }
0x145: {  	s24 =	smul.u32 $0x680, s20;
	_ =	swait.ge [sflag:s0], $0x6400  }
0x146: {  	[sflag:s0] =	ssyncset.done $0x0  }
0x147: {  	s22 =	sshra.s32 s24, $0x2;
	[sflag:s0] =	ssyncadd.s32 $0xFFFF9C00  }
0x148: {  	[tilespmem:s15], [sflag:$0x1] =	stream.indirect.gather [hbm4b:s4+s14], $0x40, s22, s14, $0xb8;
	[tilespmem:$0x16200] =	vst v63  }
0x149: {  	s26 =	sadd.s32 $0x68, s22  }
0x14a: {  	[tilespmem:s17], [sflag:$0x1] =	stream.indirect.gather [hbm4b:s4+s14], $0x40, s26, s14, $0xb8;
	[tilespmem:$0x16200] =	vst v63  }
0x14b: {  	s26 =	sadd.s32 $0xD0, s22  }
0x14c: {  	[tilespmem:s19], [sflag:$0x1] =	stream.indirect.gather [hbm4b:s4+s14], $0x40, s26, s14, $0xb8;
	[tilespmem:$0x16200] =	vst v63  }
0x14d: {  	s22 =	sadd.s32 $0x138, s22  }
0x14e: {  	[tilespmem:s21], [sflag:$0x1] =	stream.indirect.gather [hbm4b:s4+s14], $0x40, s22, s14, $0xb8;
	[tilespmem:$0x16200] =	vst v63  }
0x14f: {  	_ =	swait.ge [sflag:s31], $0x1900  }
0x150: {  	[sflag:s31] =	ssyncset.done $0x0  }
0x151: {  	[sflag:s31] =	ssyncadd.s32 $0xFFFFE700  }
0x152: {  	_ =	swait.ge [sflag:s31], $0x1900  }
0x153: {  	[sflag:s31] =	ssyncset.done $0x0  }
0x154: {  	[sflag:s31] =	ssyncadd.s32 $0xFFFFE700  }
0x155: {  	_ =	swait.ge [sflag:s31], $0x1900  }
0x156: {  	[sflag:s31] =	ssyncset.done $0x0  }
0x157: {  	[sflag:s31] =	ssyncadd.s32 $0xFFFFE700  }
0x158: {  	_ =	swait.ge [sflag:s31], $0x1900  }
0x159: {  	[sflag:s31] =	ssyncset.done $0x0  }
0x15a: {  	s22 =	simm.s32 $0x0;
	[sflag:s31] =	ssyncadd.s32 $0xFFFFE700  }
0x15b: {  	v0 =	vld [tilespmem:s22+$0x130F0]  }
0x15c: {  	v1 =	vld [tilespmem:s22+$0x13000]  }
0x15d: {  	v2 =	vld [tilespmem:s22+$0x13010]  }
0x15e: {  	v3 =	vld [tilespmem:s22+$0x13020]  }
0x15f: {  	v4 =	vld [tilespmem:s22+$0x13030]  }
0x160: {  	v5 =	vld [tilespmem:s22+$0x13000]  }
0x161: {  	v6 =	vld [tilespmem:s22+$0x13010]  }
0x162: {  	v7 =	vld [tilespmem:s22+$0x13020]  }
0x163: {  	v8 =	vld [tilespmem:s22+$0x13030]  }
0x164: {  	v9 =	vld [tilespmem:s22+$0x13040]  }
0x165: {  	v10 =	vld [tilespmem:s22+$0x13050]  }
0x166: {  	v11 =	vld [tilespmem:s22+$0x13060]  }
0x167: {  	v12 =	vld [tilespmem:s22+$0x13070]  }
0x168: {  	v13 =	vld [tilespmem:s22+$0x13040]  }
0x169: {  	v14 =	vld [tilespmem:s22+$0x13050]  }
0x16a: {  	v15 =	vld [tilespmem:s22+$0x13060]  }
0x16b: {  	v16 =	vld [tilespmem:s22+$0x13070]  }
0x16c: {  	v17 =	vld [tilespmem:s22+$0x13080]  }
0x16d: {  	v18 =	vld [tilespmem:s22+$0x13090]  }
0x16e: {  	v19 =	vld [tilespmem:s22+$0x130A0]  }
0x16f: {  	v20 =	vld [tilespmem:s22+$0x130B0]  }
0x170: {  	v21 =	vld [tilespmem:s22+$0x13080]  }
0x171: {  	v22 =	vld [tilespmem:s22+$0x13090]  }
0x172: {  	v23 =	vld [tilespmem:s22+$0x130A0]  }
0x173: {  	v24 =	vld [tilespmem:s22+$0x130B0]  }
0x174: {  	v25 =	vld [tilespmem:s22+$0x130C0]  }
0x175: {  	v26 =	vld [tilespmem:s22+$0x130D0]  }
0x176: {  	v27 =	vld [tilespmem:s22+$0x130E0]  }
0x177: {  	v28 =	vld [tilespmem:s22+$0x130F0]  }
0x178: {  	v29 =	vld [tilespmem:s22+$0x130C0]  }
0x179: {  	v30 =	vld [tilespmem:s22+$0x130D0]  }
0x17a: {  	[tilespmem:s22+$0x9AF0] =	vst.add.f32.msk $0xffff, v0  }
0x17b: {  	v0 =	vld [tilespmem:s22+$0x130E0]  }
0x17c: {  	[tilespmem:s22+$0x6800] =	vst.add.f32.msk $0xffff, v1  }
0x17d: {  	[tilespmem:s22+$0x6810] =	vst.add.f32.msk $0xffff, v2  }
0x17e: {  	[tilespmem:s22+$0x6820] =	vst.add.f32.msk $0xffff, v3  }
0x17f: {  	[tilespmem:s22+$0x6830] =	vst.add.f32.msk $0xffff, v4  }
0x180: {  	[tilespmem:s22+$0x9A00] =	vst.add.f32.msk $0xffff, v5  }
0x181: {  	[tilespmem:s22+$0x9A10] =	vst.add.f32.msk $0xffff, v6  }
0x182: {  	[tilespmem:s22+$0x9A20] =	vst.add.f32.msk $0xffff, v7  }
0x183: {  	[tilespmem:s22+$0x9A30] =	vst.add.f32.msk $0xffff, v8  }
0x184: {  	[tilespmem:s22+$0x6840] =	vst.add.f32.msk $0xffff, v9  }
0x185: {  	[tilespmem:s22+$0x6850] =	vst.add.f32.msk $0xffff, v10  }
0x186: {  	[tilespmem:s22+$0x6860] =	vst.add.f32.msk $0xffff, v11  }
0x187: {  	[tilespmem:s22+$0x6870] =	vst.add.f32.msk $0xffff, v12  }
0x188: {  	[tilespmem:s22+$0x9A40] =	vst.add.f32.msk $0xffff, v13  }
0x189: {  	[tilespmem:s22+$0x9A50] =	vst.add.f32.msk $0xffff, v14  }
0x18a: {  	[tilespmem:s22+$0x9A60] =	vst.add.f32.msk $0xffff, v15  }
0x18b: {  	[tilespmem:s22+$0x9A70] =	vst.add.f32.msk $0xffff, v16  }
0x18c: {  	[tilespmem:s22+$0x6880] =	vst.add.f32.msk $0xffff, v17  }
0x18d: {  	[tilespmem:s22+$0x6890] =	vst.add.f32.msk $0xffff, v18  }
0x18e: {  	[tilespmem:s22+$0x68A0] =	vst.add.f32.msk $0xffff, v19  }
0x18f: {  	[tilespmem:s22+$0x68B0] =	vst.add.f32.msk $0xffff, v20  }
0x190: {  	[tilespmem:s22+$0x9A80] =	vst.add.f32.msk $0xffff, v21  }
0x191: {  	[tilespmem:s22+$0x9A90] =	vst.add.f32.msk $0xffff, v22  }
0x192: {  	[tilespmem:s22+$0x9AA0] =	vst.add.f32.msk $0xffff, v23  }
0x193: {  	[tilespmem:s22+$0x9AB0] =	vst.add.f32.msk $0xffff, v24  }
0x194: {  	[tilespmem:s22+$0x68C0] =	vst.add.f32.msk $0xffff, v25  }
0x195: {  	[tilespmem:s22+$0x68D0] =	vst.add.f32.msk $0xffff, v26  }
0x196: {  	[tilespmem:s22+$0x68E0] =	vst.add.f32.msk $0xffff, v27  }
0x197: {  	[tilespmem:s22+$0x68F0] =	vst.add.f32.msk $0xffff, v28  }
0x198: {  	[tilespmem:s22+$0x9AC0] =	vst.add.f32.msk $0xffff, v29  }
0x199: {  	s24 =	simm.s32 $0x0;
	s26 =	simm.s32 $0x400;
	[tilespmem:s22+$0x9AD0] =	vst.add.f32.msk $0xffff, v30  }
.LBB2_7:
0x19a: {  	s24 =	sadd.s32 $0x4, s24;
	[tilespmem:s22+$0x9AE0] =	vst.add.f32.msk $0xffff, v0;
	s22 =	sshra.s32 s26, $0x2  }
0x19b: {  	v0 =	vld [tilespmem:s22+$0x130F0];
	p0 =	slt.u32 s24, $0xC4  }
0x19c: {  	v1 =	vld [tilespmem:s22+$0x13000]  }
0x19d: {  	v2 =	vld [tilespmem:s22+$0x13010]  }
0x19e: {  	v3 =	vld [tilespmem:s22+$0x13020]  }
0x19f: {  	v4 =	vld [tilespmem:s22+$0x13030]  }
0x1a0: {  	[tilespmem:s22+$0x9AF0] =	vst.add.f32.msk $0xffff, v0  }
0x1a1: {  	v5 =	vld [tilespmem:s22+$0x13000]  }
0x1a2: {  	v6 =	vld [tilespmem:s22+$0x13010]  }
0x1a3: {  	v7 =	vld [tilespmem:s22+$0x13020]  }
0x1a4: {  	v8 =	vld [tilespmem:s22+$0x13030]  }
0x1a5: {  	v9 =	vld [tilespmem:s22+$0x13040]  }
0x1a6: {  	v10 =	vld [tilespmem:s22+$0x13050]  }
0x1a7: {  	v11 =	vld [tilespmem:s22+$0x13060]  }
0x1a8: {  	v12 =	vld [tilespmem:s22+$0x13070]  }
0x1a9: {  	v13 =	vld [tilespmem:s22+$0x13040]  }
0x1aa: {  	v14 =	vld [tilespmem:s22+$0x13050]  }
0x1ab: {  	v15 =	vld [tilespmem:s22+$0x13060]  }
0x1ac: {  	v16 =	vld [tilespmem:s22+$0x13070]  }
0x1ad: {  	v17 =	vld [tilespmem:s22+$0x13080]  }
0x1ae: {  	v18 =	vld [tilespmem:s22+$0x13090]  }
0x1af: {  	v19 =	vld [tilespmem:s22+$0x130A0]  }
0x1b0: {  	v20 =	vld [tilespmem:s22+$0x130B0]  }
0x1b1: {  	v21 =	vld [tilespmem:s22+$0x13080]  }
0x1b2: {  	v22 =	vld [tilespmem:s22+$0x13090]  }
0x1b3: {  	v23 =	vld [tilespmem:s22+$0x130A0]  }
0x1b4: {  	v24 =	vld [tilespmem:s22+$0x130B0]  }
0x1b5: {  	v25 =	vld [tilespmem:s22+$0x130C0]  }
0x1b6: {  	v26 =	vld [tilespmem:s22+$0x130D0]  }
0x1b7: {  	v27 =	vld [tilespmem:s22+$0x130E0]  }
0x1b8: {  	v28 =	vld [tilespmem:s22+$0x130F0]  }
0x1b9: {  	v29 =	vld [tilespmem:s22+$0x130C0]  }
0x1ba: {  	v30 =	vld [tilespmem:s22+$0x130D0]  }
0x1bb: {  	v0 =	vld [tilespmem:s22+$0x130E0]  }
0x1bc: {  	[tilespmem:s22+$0x6800] =	vst.add.f32.msk $0xffff, v1  }
0x1bd: {  	[tilespmem:s22+$0x6810] =	vst.add.f32.msk $0xffff, v2  }
0x1be: {  	[tilespmem:s22+$0x6820] =	vst.add.f32.msk $0xffff, v3  }
0x1bf: {  	[tilespmem:s22+$0x6830] =	vst.add.f32.msk $0xffff, v4  }
0x1c0: {  	[tilespmem:s22+$0x9A00] =	vst.add.f32.msk $0xffff, v5  }
0x1c1: {  	[tilespmem:s22+$0x9A10] =	vst.add.f32.msk $0xffff, v6  }
0x1c2: {  	[tilespmem:s22+$0x9A20] =	vst.add.f32.msk $0xffff, v7  }
0x1c3: {  	[tilespmem:s22+$0x9A30] =	vst.add.f32.msk $0xffff, v8  }
0x1c4: {  	[tilespmem:s22+$0x6840] =	vst.add.f32.msk $0xffff, v9  }
0x1c5: {  	[tilespmem:s22+$0x6850] =	vst.add.f32.msk $0xffff, v10  }
0x1c6: {  	[tilespmem:s22+$0x6860] =	vst.add.f32.msk $0xffff, v11  }
0x1c7: {  	[tilespmem:s22+$0x6870] =	vst.add.f32.msk $0xffff, v12  }
0x1c8: {  	[tilespmem:s22+$0x9A40] =	vst.add.f32.msk $0xffff, v13  }
0x1c9: {  	[tilespmem:s22+$0x9A50] =	vst.add.f32.msk $0xffff, v14  }
0x1ca: {  	[tilespmem:s22+$0x9A60] =	vst.add.f32.msk $0xffff, v15  }
0x1cb: {  	[tilespmem:s22+$0x9A70] =	vst.add.f32.msk $0xffff, v16  }
0x1cc: {  	[tilespmem:s22+$0x6880] =	vst.add.f32.msk $0xffff, v17  }
0x1cd: {  	[tilespmem:s22+$0x6890] =	vst.add.f32.msk $0xffff, v18  }
0x1ce: {  	[tilespmem:s22+$0x68A0] =	vst.add.f32.msk $0xffff, v19  }
0x1cf: {  	[tilespmem:s22+$0x68B0] =	vst.add.f32.msk $0xffff, v20  }
0x1d0: {  	[tilespmem:s22+$0x9A80] =	vst.add.f32.msk $0xffff, v21  }
0x1d1: {  	[tilespmem:s22+$0x9A90] =	vst.add.f32.msk $0xffff, v22  }
0x1d2: {  	[tilespmem:s22+$0x9AA0] =	vst.add.f32.msk $0xffff, v23  }
0x1d3: {  	[tilespmem:s22+$0x9AB0] =	vst.add.f32.msk $0xffff, v24  }
0x1d4: {  	[tilespmem:s22+$0x68C0] =	vst.add.f32.msk $0xffff, v25  }
.Ltmp2:
0x1d5: {  	[tilespmem:s22+$0x68D0] =	vst.add.f32.msk $0xffff, v26;
	(pc) =	sbr.rel @p0 .LBB2_7-.Ltmp2, $4  }
0x1d6: {  	[tilespmem:s22+$0x68E0] =	vst.add.f32.msk $0xffff, v27  }
0x1d7: {  	[tilespmem:s22+$0x68F0] =	vst.add.f32.msk $0xffff, v28  }
0x1d8: {  	[tilespmem:s22+$0x9AC0] =	vst.add.f32.msk $0xffff, v29  }
0x1d9: {  	s26 =	sadd.s32 $0x400, s26;
	[tilespmem:s22+$0x9AD0] =	vst.add.f32.msk $0xffff, v30  }
0x1da: {  	s20 =	smul.u32 $0x190, s20;
	_ =	sdelay $0x1  }
0x1db: {  	s20 =	sadd.s32 s6, s20  }
0x1dc: {  	s20 =	sshll.u32 s20, $0x3  }
0x1dd: {  	s20 =	sand.u32 $0x1FFFFF00, s20  }
0x1de: {  	[tilespmem:s22+$0x9AE0] =	vst.add.f32.msk $0xffff, v0;
	s24 =	smul.u32 $0xD00, s18;
	s20 =	sadd.s32 s2, s20  }
0x1df: {  	[hbm4b:s20+s3] =	stream.linear.scatter [tilespmem:s15], [sflag:$0x3], $0x6400, $0x38;
	[tilespmem:$0x16200] =	vst v63  }
0x1e0: {  	_ =	swait.ge [sflag:s13], $0x6400  }
0x1e1: {  	s20 =	sshra.s32 s24, $0x2;
	[sflag:s13] =	ssyncset.done $0x0  }
0x1e2: {  	s18 =	sadd.s32 $0x1, s18;
	s26 =	sadd.s32 $0x4E0, s20;
	[sflag:s13] =	ssyncadd.s32 $0xFFFF9C00  }
0x1e3: {  	[tilespmem:s23], [sflag:$0x2] =	stream.indirect.gather [hbm4b:s4+s14], $0x40, s26, s14, $0xb8;
	[tilespmem:$0x16200] =	vst v63  }
0x1e4: {  	p0 =	sne.s32 s18, $0x1F;
	s24 =	sadd.s32 $0x548, s20  }
0x1e5: {  	[tilespmem:s25], [sflag:$0x2] =	stream.indirect.gather [hbm4b:s4+s14], $0x40, s24, s14, $0xb8;
	[tilespmem:$0x16200] =	vst v63  }
.Ltmp3:
0x1e6: {  	_ = 	snop;
	(pc) =	sbr.rel @p0 .LBB2_4-.Ltmp3, $4  }
0x1e7: {  	s26 =	sadd.s32 $0x5B0, s20  }
0x1e8: {  	[tilespmem:s28], [sflag:$0x2] =	stream.indirect.gather [hbm4b:s4+s14], $0x40, s26, s14, $0xb8;
	[tilespmem:$0x16200] =	vst v63  }
0x1e9: {  	s20 =	sadd.s32 $0x618, s20  }
0x1ea: {  	[tilespmem:s30], [sflag:$0x2] =	stream.indirect.gather [hbm4b:s4+s14], $0x40, s20, s14, $0xb8;
	[tilespmem:$0x16200] =	vst v63  }
0x1eb: {  	_ =	swait.ge [sflag:s1], $0x1900  }
0x1ec: {  	[sflag:s1] =	ssyncset.done $0x0  }
0x1ed: {  	[sflag:s1] =	ssyncadd.s32 $0xFFFFE700  }
0x1ee: {  	_ =	swait.ge [sflag:s1], $0x1900  }
0x1ef: {  	[sflag:s1] =	ssyncset.done $0x0  }
0x1f0: {  	[sflag:s1] =	ssyncadd.s32 $0xFFFFE700  }
0x1f1: {  	_ =	swait.ge [sflag:s1], $0x1900  }
0x1f2: {  	[sflag:s1] =	ssyncset.done $0x0  }
0x1f3: {  	[sflag:s1] =	ssyncadd.s32 $0xFFFFE700  }
0x1f4: {  	_ =	swait.ge [sflag:s1], $0x1900  }
0x1f5: {  	[sflag:s1] =	ssyncset.done $0x0  }
0x1f6: {  	s18 =	simm.s32 $0x0;
	[sflag:s1] =	ssyncadd.s32 $0xFFFFE700  }
0x1f7: {  	v0 =	vld [tilespmem:s18+$0x130F0]  }
0x1f8: {  	v1 =	vld [tilespmem:s18+$0x13000]  }
0x1f9: {  	v2 =	vld [tilespmem:s18+$0x13010]  }
0x1fa: {  	v3 =	vld [tilespmem:s18+$0x13020]  }
0x1fb: {  	v4 =	vld [tilespmem:s18+$0x13030]  }
0x1fc: {  	v5 =	vld [tilespmem:s18+$0x13000]  }
0x1fd: {  	v6 =	vld [tilespmem:s18+$0x13010]  }
0x1fe: {  	v7 =	vld [tilespmem:s18+$0x13020]  }
0x1ff: {  	v8 =	vld [tilespmem:s18+$0x13030]  }
0x200: {  	v9 =	vld [tilespmem:s18+$0x13040]  }
0x201: {  	v10 =	vld [tilespmem:s18+$0x13050]  }
0x202: {  	v11 =	vld [tilespmem:s18+$0x13060]  }
0x203: {  	v12 =	vld [tilespmem:s18+$0x13070]  }
0x204: {  	v13 =	vld [tilespmem:s18+$0x13040]  }
0x205: {  	v14 =	vld [tilespmem:s18+$0x13050]  }
0x206: {  	v15 =	vld [tilespmem:s18+$0x13060]  }
0x207: {  	v16 =	vld [tilespmem:s18+$0x13070]  }
0x208: {  	v17 =	vld [tilespmem:s18+$0x13080]  }
0x209: {  	v18 =	vld [tilespmem:s18+$0x13090]  }
0x20a: {  	v19 =	vld [tilespmem:s18+$0x130A0]  }
0x20b: {  	v20 =	vld [tilespmem:s18+$0x130B0]  }
0x20c: {  	v21 =	vld [tilespmem:s18+$0x13080]  }
0x20d: {  	v22 =	vld [tilespmem:s18+$0x13090]  }
0x20e: {  	v23 =	vld [tilespmem:s18+$0x130A0]  }
0x20f: {  	v24 =	vld [tilespmem:s18+$0x130B0]  }
0x210: {  	v25 =	vld [tilespmem:s18+$0x130C0]  }
0x211: {  	v26 =	vld [tilespmem:s18+$0x130D0]  }
0x212: {  	v27 =	vld [tilespmem:s18+$0x130E0]  }
0x213: {  	v28 =	vld [tilespmem:s18+$0x130F0]  }
0x214: {  	v29 =	vld [tilespmem:s18+$0x130C0]  }
0x215: {  	v30 =	vld [tilespmem:s18+$0x130D0]  }
0x216: {  	[tilespmem:s18+$0xFEF0] =	vst.add.f32.msk $0xffff, v0  }
0x217: {  	v0 =	vld [tilespmem:s18+$0x130E0]  }
0x218: {  	[tilespmem:s18+$0xCC00] =	vst.add.f32.msk $0xffff, v1  }
0x219: {  	[tilespmem:s18+$0xCC10] =	vst.add.f32.msk $0xffff, v2  }
0x21a: {  	[tilespmem:s18+$0xCC20] =	vst.add.f32.msk $0xffff, v3  }
0x21b: {  	[tilespmem:s18+$0xCC30] =	vst.add.f32.msk $0xffff, v4  }
0x21c: {  	[tilespmem:s18+$0xFE00] =	vst.add.f32.msk $0xffff, v5  }
0x21d: {  	[tilespmem:s18+$0xFE10] =	vst.add.f32.msk $0xffff, v6  }
0x21e: {  	[tilespmem:s18+$0xFE20] =	vst.add.f32.msk $0xffff, v7  }
0x21f: {  	[tilespmem:s18+$0xFE30] =	vst.add.f32.msk $0xffff, v8  }
0x220: {  	[tilespmem:s18+$0xCC40] =	vst.add.f32.msk $0xffff, v9  }
0x221: {  	[tilespmem:s18+$0xCC50] =	vst.add.f32.msk $0xffff, v10  }
0x222: {  	[tilespmem:s18+$0xCC60] =	vst.add.f32.msk $0xffff, v11  }
0x223: {  	[tilespmem:s18+$0xCC70] =	vst.add.f32.msk $0xffff, v12  }
0x224: {  	[tilespmem:s18+$0xFE40] =	vst.add.f32.msk $0xffff, v13  }
0x225: {  	[tilespmem:s18+$0xFE50] =	vst.add.f32.msk $0xffff, v14  }
0x226: {  	[tilespmem:s18+$0xFE60] =	vst.add.f32.msk $0xffff, v15  }
0x227: {  	[tilespmem:s18+$0xFE70] =	vst.add.f32.msk $0xffff, v16  }
0x228: {  	[tilespmem:s18+$0xCC80] =	vst.add.f32.msk $0xffff, v17  }
0x229: {  	[tilespmem:s18+$0xCC90] =	vst.add.f32.msk $0xffff, v18  }
0x22a: {  	[tilespmem:s18+$0xCCA0] =	vst.add.f32.msk $0xffff, v19  }
0x22b: {  	[tilespmem:s18+$0xCCB0] =	vst.add.f32.msk $0xffff, v20  }
0x22c: {  	[tilespmem:s18+$0xFE80] =	vst.add.f32.msk $0xffff, v21  }
0x22d: {  	[tilespmem:s18+$0xFE90] =	vst.add.f32.msk $0xffff, v22  }
0x22e: {  	[tilespmem:s18+$0xFEA0] =	vst.add.f32.msk $0xffff, v23  }
0x22f: {  	[tilespmem:s18+$0xFEB0] =	vst.add.f32.msk $0xffff, v24  }
0x230: {  	[tilespmem:s18+$0xCCC0] =	vst.add.f32.msk $0xffff, v25  }
0x231: {  	[tilespmem:s18+$0xCCD0] =	vst.add.f32.msk $0xffff, v26  }
0x232: {  	[tilespmem:s18+$0xCCE0] =	vst.add.f32.msk $0xffff, v27  }
0x233: {  	[tilespmem:s18+$0xCCF0] =	vst.add.f32.msk $0xffff, v28  }
0x234: {  	[tilespmem:s18+$0xFEC0] =	vst.add.f32.msk $0xffff, v29  }
0x235: {  	s20 =	simm.s32 $0x0;
	s22 =	simm.s32 $0x400;
	[tilespmem:s18+$0xFED0] =	vst.add.f32.msk $0xffff, v30  }
.LBB2_10:
0x236: {  	s20 =	sadd.s32 $0x4, s20;
	[tilespmem:s18+$0xFEE0] =	vst.add.f32.msk $0xffff, v0;
	s18 =	sshra.s32 s22, $0x2  }
0x237: {  	v0 =	vld [tilespmem:s18+$0x130F0];
	p0 =	slt.u32 s20, $0xC4  }
0x238: {  	v1 =	vld [tilespmem:s18+$0x13000]  }
0x239: {  	v2 =	vld [tilespmem:s18+$0x13010]  }
0x23a: {  	v3 =	vld [tilespmem:s18+$0x13020]  }
0x23b: {  	v4 =	vld [tilespmem:s18+$0x13030]  }
0x23c: {  	[tilespmem:s18+$0xFEF0] =	vst.add.f32.msk $0xffff, v0  }
0x23d: {  	v5 =	vld [tilespmem:s18+$0x13000]  }
0x23e: {  	v6 =	vld [tilespmem:s18+$0x13010]  }
0x23f: {  	v7 =	vld [tilespmem:s18+$0x13020]  }
0x240: {  	v8 =	vld [tilespmem:s18+$0x13030]  }
0x241: {  	v9 =	vld [tilespmem:s18+$0x13040]  }
0x242: {  	v10 =	vld [tilespmem:s18+$0x13050]  }
0x243: {  	v11 =	vld [tilespmem:s18+$0x13060]  }
0x244: {  	v12 =	vld [tilespmem:s18+$0x13070]  }
0x245: {  	v13 =	vld [tilespmem:s18+$0x13040]  }
0x246: {  	v14 =	vld [tilespmem:s18+$0x13050]  }
0x247: {  	v15 =	vld [tilespmem:s18+$0x13060]  }
0x248: {  	v16 =	vld [tilespmem:s18+$0x13070]  }
0x249: {  	v17 =	vld [tilespmem:s18+$0x13080]  }
0x24a: {  	v18 =	vld [tilespmem:s18+$0x13090]  }
0x24b: {  	v19 =	vld [tilespmem:s18+$0x130A0]  }
0x24c: {  	v20 =	vld [tilespmem:s18+$0x130B0]  }
0x24d: {  	v21 =	vld [tilespmem:s18+$0x13080]  }
0x24e: {  	v22 =	vld [tilespmem:s18+$0x13090]  }
0x24f: {  	v23 =	vld [tilespmem:s18+$0x130A0]  }
0x250: {  	v24 =	vld [tilespmem:s18+$0x130B0]  }
0x251: {  	v25 =	vld [tilespmem:s18+$0x130C0]  }
0x252: {  	v26 =	vld [tilespmem:s18+$0x130D0]  }
0x253: {  	v27 =	vld [tilespmem:s18+$0x130E0]  }
0x254: {  	v28 =	vld [tilespmem:s18+$0x130F0]  }
0x255: {  	v29 =	vld [tilespmem:s18+$0x130C0]  }
0x256: {  	v30 =	vld [tilespmem:s18+$0x130D0]  }
0x257: {  	v0 =	vld [tilespmem:s18+$0x130E0]  }
0x258: {  	[tilespmem:s18+$0xCC00] =	vst.add.f32.msk $0xffff, v1  }
0x259: {  	[tilespmem:s18+$0xCC10] =	vst.add.f32.msk $0xffff, v2  }
0x25a: {  	[tilespmem:s18+$0xCC20] =	vst.add.f32.msk $0xffff, v3  }
0x25b: {  	[tilespmem:s18+$0xCC30] =	vst.add.f32.msk $0xffff, v4  }
0x25c: {  	[tilespmem:s18+$0xFE00] =	vst.add.f32.msk $0xffff, v5  }
0x25d: {  	[tilespmem:s18+$0xFE10] =	vst.add.f32.msk $0xffff, v6  }
0x25e: {  	[tilespmem:s18+$0xFE20] =	vst.add.f32.msk $0xffff, v7  }
0x25f: {  	[tilespmem:s18+$0xFE30] =	vst.add.f32.msk $0xffff, v8  }
0x260: {  	[tilespmem:s18+$0xCC40] =	vst.add.f32.msk $0xffff, v9  }
0x261: {  	[tilespmem:s18+$0xCC50] =	vst.add.f32.msk $0xffff, v10  }
0x262: {  	[tilespmem:s18+$0xCC60] =	vst.add.f32.msk $0xffff, v11  }
0x263: {  	[tilespmem:s18+$0xCC70] =	vst.add.f32.msk $0xffff, v12  }
0x264: {  	[tilespmem:s18+$0xFE40] =	vst.add.f32.msk $0xffff, v13  }
0x265: {  	[tilespmem:s18+$0xFE50] =	vst.add.f32.msk $0xffff, v14  }
0x266: {  	[tilespmem:s18+$0xFE60] =	vst.add.f32.msk $0xffff, v15  }
0x267: {  	[tilespmem:s18+$0xFE70] =	vst.add.f32.msk $0xffff, v16  }
0x268: {  	[tilespmem:s18+$0xCC80] =	vst.add.f32.msk $0xffff, v17  }
0x269: {  	[tilespmem:s18+$0xCC90] =	vst.add.f32.msk $0xffff, v18  }
0x26a: {  	[tilespmem:s18+$0xCCA0] =	vst.add.f32.msk $0xffff, v19  }
0x26b: {  	[tilespmem:s18+$0xCCB0] =	vst.add.f32.msk $0xffff, v20  }
0x26c: {  	[tilespmem:s18+$0xFE80] =	vst.add.f32.msk $0xffff, v21  }
0x26d: {  	[tilespmem:s18+$0xFE90] =	vst.add.f32.msk $0xffff, v22  }
0x26e: {  	[tilespmem:s18+$0xFEA0] =	vst.add.f32.msk $0xffff, v23  }
0x26f: {  	[tilespmem:s18+$0xFEB0] =	vst.add.f32.msk $0xffff, v24  }
0x270: {  	[tilespmem:s18+$0xCCC0] =	vst.add.f32.msk $0xffff, v25  }
.Ltmp4:
0x271: {  	[tilespmem:s18+$0xCCD0] =	vst.add.f32.msk $0xffff, v26;
	(pc) =	sbr.rel @p0 .LBB2_10-.Ltmp4, $4  }
0x272: {  	[tilespmem:s18+$0xCCE0] =	vst.add.f32.msk $0xffff, v27  }
0x273: {  	[tilespmem:s18+$0xCCF0] =	vst.add.f32.msk $0xffff, v28  }
0x274: {  	[tilespmem:s18+$0xFEC0] =	vst.add.f32.msk $0xffff, v29  }
0x275: {  	s22 =	sadd.s32 $0x400, s22;
	[tilespmem:s18+$0xFED0] =	vst.add.f32.msk $0xffff, v30  }
0x276: {  	[tilespmem:s18+$0xFEE0] =	vst.add.f32.msk $0xffff, v0;
	s16 =	sadd.s32 $0x1, s16  }
0x277: {  	[hbm4b:s10+s3] =	stream.linear.scatter [tilespmem:s23], [sflag:$0x4], $0x6400, $0x38;
	[tilespmem:$0x16200] =	vst v63  }
0x278: {  	p0 =	sne.s32 s16, s11;
	_ =	swait.ge [sflag:s0], $0x6400  }
.Ltmp5:
0x279: {  	[sflag:s0] =	ssyncset.done $0x0;
	(pc) =	sbr.rel @p0 .LBB2_1-.Ltmp5, $4  }
0x27a: {  	[sflag:s0] =	ssyncadd.s32 $0xFFFF9C00  }
0x27b: {  	_ =	swait.ge [sflag:s13], $0x6400  }
0x27c: {  	[sflag:s13] =	ssyncset.done $0x0  }
0x27d: {  	[sflag:s13] =	ssyncadd.s32 $0xFFFF9C00  }
0x27e: {  	_ =	sfence.sel $0x180000  }
0x27f: {  	[bflag:$0x0] =	sbarrier.arrive $0xFFFF  }
0x280: {  	_ =	strace $0x90000047  }
0x281: {  	s0 =	stileid.u32;
	[bflag:$0x2] =	sbarrier.arrive $0xFFFF  }
0x282: {  	p0 =	sne.s32 s0, $0x0;
	s0 =	rddreg [dreg:$0x2]  }
0x283: {  	s0 =	sadd.s32 @!p0 $0x100000, s0  }
0x284: {  	[sflag:s0] =	ssyncadd.tile.s32 @!p0 $0x1;
	_ =	shalt  }
.Lfunc_end2:
_tile_overlayer_lowered:
.L_overlay_start_2:
0x285: {  	(tag) =	ssettag $0x2  }
0x286: {  	s0 =	rddreg [dreg:$0x0];
	s2 =	stileid.u32  }
0x287: {  	s1 =	rddreg [dreg:$0x1];
	p0 =	sne.s32 s2, $0x0  }
0x288: {  	s3 =	rddreg [dreg:$0x2];
	[bflag:$0x3] =	sbarrier.arrive $0xFFFF;
	s2 =	simm.s32 @!p0 $0x1C05  }
0x289: {  	[timem:s3], [sflag:s2] =	dma.local @!p0 [hbm:s0], s1  }
0x28a: {  	s0 =	simm.s32 @!p0 $0x5  }
0x28b: {  	_ =	swait.ge @!p0 [sflag:s0], s1  }
0x28c: {  	s1 =	ssub.s32 @!p0 $0x0, s1;
	[sflag:s0] =	ssyncset.done @!p0 $0x0  }
0x28d: {  	[sflag:s0] =	ssyncadd.s32 @!p0 s1  }
0x28e: {  	[bflag:$0x3] =	sbarrier.arrive $0xFFFF  }
0x28f: {  	_ =	shalt  }

// kernel: sparse-core-data-format-call.cloned.1.call-start
scs
called_computation_lowered:
.L_overlay_start_0:
0x0: {  	s2 =	sld [smem:$0x3FD9]  }
0x1: {  	s3 =	sld [smem:$0x3FFE];
	_ =	sdelay $0x1  }
0x2: {  	s1 =	srdreg.scid  }
0x3: {  	s0 =	sand.u32 $0x1, s1  }
0x4: {  	s18 =	sshll.u32 s0, $0xA;
	s2 =	sadd.s32 s3, s2  }
0x5: {  	s2 =	sadd.s32 s2, s18  }
0x6: {  	[smem:$0x3FC5] =	sst s2  }
0x7: {  	_ = 	snop  }
0x8: {  	s2 =	sld [smem:$0x3FD0];
	(tm) =	ssettm $0x1  }
0x9: {  	s19 =	sld [smem:$0x3FFB];
	_ =	sdelay $0x3  }
0xa: {  	_ =	strace s19  }
0xb: {  	s3 =	sld [smem:$0x3FFC];
	_ =	sdelay $0x3  }
0xc: {  	_ =	strace s3  }
0xd: {  	s3 =	sld [smem:$0x3FFD];
	_ =	sdelay $0x3  }
0xe: {  	_ =	strace s3  }
0xf: {  	_ =	strace $0x8FFFFFFF  }
0x10: {  	s20 =	sld [smem:$0x3FDB];
	_ =	sdelay $0x1  }
0x11: {  	s4 =	simm.s32 $_scs_section_size  }
0x12: {  	s5 =	simm.s32 $_size__tile_overlayer_lowered;
	s6 =	simm.s32 $_tile_overlayer_lowered  }
0x13: {  	s23 =	simm.s32 $0x1BFF;
	s22 =	sshll.u32 s6, $0x1;
	s3 =	sadd.s32 s4, s20  }
0x14: {  	s7 =	simm.s32 $0x0;
	s21 =	sshll.u32 s5, $0x1;
	s5 =	sadd.s32 s22, s3  }
0x15: {  	[timem:s7], [sflag:s23] =	dma.local [hbm:s5], s21  }
0x16: {  	_ =	swait.ge [sflag:s23], s21  }
0x17: {  	s4 =	ssub.s32 $0x0, s21;
	[sflag:s23] =	ssyncset.done $0x0  }
0x18: {  	[sflag:s23] =	ssyncadd.s32 s4;
	_ =	sdelay $0x1  }
0x19: {  	s24 =	simm.s32 $0x1B8B  }
0x1a: {  	_ =	swait.ge [sflag:s24], $0x1  }
0x1b: {  	[sflag:s24] =	ssyncset.done $0x0  }
0x1c: {  	s26 =	simm.s32 $0x1B8E;
	s25 =	sld [smem:$0x3FFE];
	[sflag:s24] =	ssyncadd.s32 $0xFFFFFFFF  }
0x1d: {  	s27 =	simm.s32 $execute0_lowered;
	[smem:$0x3FD2] =	sst s26  }
0x1e: {  	s5 =	sshll.u32 s27, $0x1;
	_ =	strace $0x80000049;
	[dreg:$0x1] =	wrdreg $0xFFFFFFFF  }
0x1f: {  	s28 =	simm.s32 $_size_execute0_lowered;
	s3 =	sadd.s32 s3, s5;
	[dreg:$0x0] =	wrdreg $0x0  }
0x20: {  	s5 =	sshll.u32 s28, $0x1;
	[dreg:$0x2] =	wrdreg s3  }
0x21: {  	[dreg:$0x3] =	wrdreg s5  }
0x22: {  	[dreg:$0x4] =	wrdreg $0xC0  }
0x23: {  	_ =	task [dreg:s7], $0x5FFFF  }
0x24: {  	[dreg:$0x1] =	wrdreg $0xFFFFFFFF  }
0x25: {  	[dreg:$0x0] =	wrdreg $0x60  }
0x26: {  	[dreg:$0x2] =	wrdreg s25  }
0x27: {  	[dreg:$0x3] =	wrdreg s2  }
0x28: {  	[dreg:$0x4] =	wrdreg $0x9  }
0x29: {  	_ =	task.clear_ibuf [dreg:s7], $0x5FFFF;
	_ =	strace $0x90000049  }
0x2a: {  	s29 =	simm.s32 $0x9;
	_ =	strace $0x8000004B  }
0x2b: {  	_ =	swait.ge [sflag:s29], $0x1  }
0x2c: {  	[sflag:s29] =	ssyncadd.s32 $0xFFFFFFFF  }
0x2d: {  	_ =	strace $0x9000004B  }
0x2e: {  	_ =	sfence  }
0x2f: {  	s30 =	sld [smem:$0x0];
	_ =	sdelay $0x2  }
0x30: {  	s31 =	sshll.u32 s1, $0xD;
	s1 =	sshrl.u32 s1, $0x2  }
0x31: {  	s3 =	sand.u32 $0x4000, s31;
	s1 =	sadd.s32 s1, s30  }
0x32: {  	s0 =	sor.u32 s3, s0;
	s1 =	sshll.u32 s1, $0x11  }
0x33: {  	s0 =	sor.u32 s1, s0  }
0x34: {  	s0 =	sadd.s32 $0x8F2B, s0  }
0x35: {  	[sflag:s0] =	ssyncadd.remote.s32 $0x1  }
0x36: {  	_ =	sfence.sel $0xFFFF  }
0x37: {  	[dreg:$0x0] =	wrdreg $0xFFFFFFFF;
	(pc) =	sbr.abs _section_cstart, $3  }
0x38: {  	[dreg:$0x1] =	wrdreg $0xFFFFFFFF  }
0x39: {  	_ =	task.clear_ibuf [dreg:s7], $0x2FFFF;
	_ =	strace $0x9FFFFFFF  }
0x3a: {  	(tm) =	ssettm $0x7FFFFFFF  }
0x3b: {  	_ =	shalt  }
tec
execute0_lowered:
.L_overlay_start_1:
0x0: {  	(tag) =	ssettag $0x1  }
0x1: {  	s0 =	srdreg.scid  }
0x2: {  	s1 =	sshll.u32 s0, $0x4  }
0x3: {  	s4 =	rddreg [dreg:$0x0];
	s0 =	stileid.u32;
	s1 =	sand.u32 $0x10, s1  }
0x4: {  	s2 =	rddreg [dreg:$0x1];
	s7 =	simm.s32 $0x1;
	s1 =	sor.u32 s0, s1  }
0x5: {  	s8 =	simm.s32 $0x2;
	s11 =	simm.s32 $0x0;
	s3 =	sshll.u32 s1, $0x7  }
0x6: {  	s10 =	simm.s32 $0x0;
	s4 =	sadd.s32 $0xC00, s4;
	s6 =	ssub.s32 $0xC8000, s3  }
.Ltmp0:
0x7: {  	s1 =	rddreg [dreg:$0x2];
	s5 =	sand.u32 $0xF80, s6;
	(pc) =	sbr.rel .LBB1_1-.Ltmp0, $4  }
0x8: {  	_ =	strace $0x8000004A;
	s9 =	smov.u32 s3;
	p0 =	sne.s32 s5, $0x0  }
0x9: {  	s6 =	sshrl.u32 s6, $0xC;
	s5 =	simm.s32 $0x1;
	s7 =	simm.s32 @!p0 $0x0  }
0xa: {  	[sflag:s5] =	ssyncpa.u1 $0x0;
	p0 =	por $0x0, $0x0;
	s6 =	sadd.s32 s7, s6  }
0xb: {  	[sflag:s8] =	ssyncpa.u1 $0x0;
	s8 =	simm.s32 $0x640000;
	s7 =	sadd.s32 $0x1, s6  }
.LBB1_4:
0xc: {  	s14 =	sshll.u32 s11, $0x3  }
0xd: {  	s30 =	sand.u32 $0x7F, s11;
	s15 =	sand.u32 $0xFFFFFC00, s14  }
0xe: {  	s11 =	sor.u32 s30, s15  }
0xf: {  	s15 =	smulhi.u32 $0x51EB851F, s11  }
0x10: {  	s14 =	smulhi.u32 $0x51EB851F, s14  }
0x11: {  	s15 =	sshrl.u32 s15, $0x12  }
0x12: {  	s14 =	sshrl.u32 s14, $0x12;
	s15 =	smul.u32 $0xC8000, s15  }
0x13: {  	s14 =	sand.u32 $0x3F, s14  }
0x14: {  	s14 =	smul.u32 $0x19000, s14;
	s11 =	ssub.s32 s11, s15  }
0x15: {  	[tilespmem:s13+$0x810 ss:$0x81] =	vst.msk $0xffff, v2;
	s15 =	sand.u32 $0x7, s11  }
0x16: {  	[tilespmem:s13+$0x1020 ss:$0x81] =	vst.msk $0xffff, v0;
	s14 =	sadd.s32 s2, s14;
	s11 =	sshrl.u32 s11, $0x3;
	s15 =	sshll.u32 s15, $0x12  }
0x17: {  	[tilespmem:s13+$0x0 ss:$0x81] =	vst.msk $0xffff, v1;
	s11 =	sadd.s32 s11, s14;
	s31 =	sor.u32 $0x400, s15  }
0x18: {  	[hbm4b:s11+s31] =	stream.strided.scatter [tilespmem:s12], [sflag:$0x2], $0x2000, s8, s31, $0x20;
	[tilespmem:$0x8080] =	vst v63  }
.LBB1_5:
0x19: {  	s13 =	sadd.s32 $0x1000, s9  }
0x1a: {  	p2 =	sgt.s32 s13, $0xC7FFF  }
0x1b: {  	s13 =	smov.u32 @p2 s3;
	p2 =	sne.s32 s10, s7  }
.Ltmp1:
0x1c: {  	p1 =	slt.u32 s10, $0x2;
	(pc) =	sbr.rel @!p2 .LBB1_6-.Ltmp1, $4  }
0x1d: {  	s12 =	simm.s32 @!p1 $0x2  }
0x1e: {  	s14 =	sadd.s32 $0x1, s10;
	_ =	swait.ge @!p1 [sflag:s12], $0x2000  }
0x1f: {  	s11 =	smov.u32 s9;
	p0 =	por !p0, !p0;
	[sflag:s12] =	ssyncset.done @!p1 $0x0  }
0x20: {  	s10 =	smov.u32 s14;
	s9 =	smov.u32 s13;
	[sflag:s12] =	ssyncadd.s32 @!p1 $0xFFFFE000  }
.LBB1_1:
0x21: {  	p1 =	sge.u32 s10, s6  }
0x22: {  	s12 =	sand.u32 @!p1 $0x1FFFFFF, s9  }
0x23: {  	s13 =	smulhi.u32 @!p1 $0x147AE15, s12;
	_ =	sdelay $0x1  }
0x24: {  	s13 =	sshrl.u32 @!p1 s13, $0xC  }
0x25: {  	s13 =	smul.u32 @!p1 $0xC8000, s13;
	_ =	sdelay $0x1  }
0x26: {  	s31 =	sadd.s32 $0xFFFFFFFF, s10;
	s14 =	sxor.u32 @!p1 $0xFFFFFFFF, s10;
	s12 =	ssub.s32 @!p1 s12, s13  }
0x27: {  	s15 =	simm.s32 @!p1 $0x80;
	s14 =	sshll.u32 @!p1 s14, $0xD;
	s12 =	sshll.u32 @!p1 s12, $0x4  }
0x28: {  	s13 =	sand.u32 @!p1 $0x2000, s14;
	s14 =	simm.s32 @!p1 $0x40;
	s12 =	sadd.s32 @!p1 s4, s12  }
0x29: {  	[tilespmem:s13], [sflag:$0x1] =	stream.strided.gather @!p1 [hbm4b:s12+s14], $0x2000, s15, s14, $0x38;
	[tilespmem:$0x8080] =	vst v63  }
0x2a: {  	p1 =	sge.u32 s31, s6  }
.Ltmp2:
0x2b: {  	_ = 	snop;
	(pc) =	sbr.rel @p1 .LBB1_5-.Ltmp2, $1  }
0x2c: {  	_ =	sdelay $0x3  }
0x2d: {  	s12 =	simm.s32 $0x1  }
0x2e: {  	_ =	swait.ge [sflag:s5], $0x2000;
	s12 =	simm.s32 @!p0 $0x0  }
0x2f: {  	[sflag:s5] =	ssyncset.done $0x0;
	s13 =	sshll.u32 s12, $0xD  }
0x30: {  	[sflag:s5] =	ssyncadd.s32 $0xFFFFE000;
	s16 =	sor.u32 $0x20, s13  }
0x31: {  	s12 =	smul.u32 $0x8100, s12;
	v3 =	vld [tilespmem:s16+$0x10]  }
0x32: {  	s30 =	sand.u32 $0x1, s10;
	v2 =	vld [tilespmem:s16+$0xFFFFFFF0]  }
0x33: {  	s13 =	smul.u32 $0x8100, s30;
	s12 =	sshrl.u32 s12, $0x2;
	v0 =	vld [tilespmem:s16+$0x0]  }
0x34: {  	v1 =	vld [tilespmem:s16+$0xFFFFFFE0];
	s14 =	sor.u32 $0x4000, s12  }
0x35: {  	s31 =	sshrl.u32 s13, $0x2;
	s13 =	sadd.s32 $0x0, s14  }
0x36: {  	s15 =	simm.s32 $0x4;
	s16 =	sadd.s32 $0x40, s16;
	s12 =	sor.u32 $0x4000, s31;
	[tilespmem:s13+$0x1830 ss:$0x81] =	vst.msk $0xffff, v3  }
.LBB1_3:
0x37: {  	v3 =	vld [tilespmem:s16+$0x10];
	p1 =	sne.s32 s15, $0x1FC;
	[tilespmem:s13+$0x810 ss:$0x81] =	vst.msk $0xffff, v2;
	s17 =	smov.u32 s15;
	s15 =	sadd.s32 $0x4, s15  }
.Ltmp3:
0x38: {  	v2 =	vld [tilespmem:s16+$0xFFFFFFF0];
	[tilespmem:s13+$0x1020 ss:$0x81] =	vst.msk $0xffff, v0;
	(pc) =	sbr.rel @p1 .LBB1_3-.Ltmp3, $4  }
0x39: {  	v0 =	vld [tilespmem:s16+$0x0];
	[tilespmem:s13+$0x0 ss:$0x81] =	vst.msk $0xffff, v1  }
0x3a: {  	s13 =	sshra.s32 s17, $0x2;
	v1 =	vld [tilespmem:s16+$0xFFFFFFE0]  }
0x3b: {  	s13 =	sadd.s32 s13, s14  }
0x3c: {  	s16 =	sadd.s32 $0x40, s16;
	[tilespmem:s13+$0x1830 ss:$0x81] =	vst.msk $0xffff, v3  }
.Ltmp4:
0x3d: {  	_ = 	snop;
	(pc) =	sbr.rel .LBB1_4-.Ltmp4, $1  }
0x3e: {  	_ =	sdelay $0x3  }
.LBB1_6:
0x3f: {  	_ =	sfence.sel $0x180000  }
0x40: {  	s2 =	simm.s32 $0x1;
	[bflag:$0x0] =	sbarrier.arrive $0xFFFF  }
0x41: {  	s31 =	simm.s32 $0x2;
	[sflag:s2] =	ssyncpa.u1 $0x1  }
0x42: {  	[sflag:s31] =	ssyncpa.u1 $0x1  }
0x43: {  	p0 =	sne.s32 s0, $0x0;
	_ =	strace $0x9000004A  }
0x44: {  	s0 =	sadd.s32 @!p0 $0x100000, s1;
	[bflag:$0x2] =	sbarrier.arrive $0xFFFF  }
0x45: {  	[sflag:s0] =	ssyncadd.tile.s32 @!p0 $0x1;
	_ =	shalt  }
.Lfunc_end1:
_tile_overlayer_lowered:
.L_overlay_start_2:
0x46: {  	(tag) =	ssettag $0x2  }
0x47: {  	s0 =	rddreg [dreg:$0x0];
	s2 =	stileid.u32  }
0x48: {  	s1 =	rddreg [dreg:$0x1];
	p0 =	sne.s32 s2, $0x0  }
0x49: {  	s3 =	rddreg [dreg:$0x2];
	[bflag:$0x3] =	sbarrier.arrive $0xFFFF;
	s2 =	simm.s32 @!p0 $0x1C01  }
0x4a: {  	[timem:s3], [sflag:s2] =	dma.local @!p0 [hbm:s0], s1  }
0x4b: {  	s0 =	simm.s32 @!p0 $0x1  }
0x4c: {  	_ =	swait.ge @!p0 [sflag:s0], s1  }
0x4d: {  	s1 =	ssub.s32 @!p0 $0x0, s1;
	[sflag:s0] =	ssyncset.done @!p0 $0x0  }
0x4e: {  	[sflag:s0] =	ssyncadd.s32 @!p0 s1  }
0x4f: {  	[bflag:$0x3] =	sbarrier.arrive $0xFFFF  }
0x50: {  	_ =	shalt  }

</sc_bundles>
